<compile_context>
chip_gen: v7x
topology: tpu7x:2x2x1
jax: 0.10.2.dev20260603
libtpu: 0.0.44.dev20260713+nightly
codegen_flags: <defaults>
</compile_context>

<pallas_src>
import jax
import jax.numpy as jnp
from jax import lax
from jax.experimental import pallas as pl
from jax.experimental.pallas import tpu as pltpu
from jax.experimental.pallas import tpu_sc as plsc

NUM_CLASSES = 80
IOU_THRESHOLD = 0.5
SCORE_THRESHOLD = 0.3
MAX_BBOXES = 100
NEG = -1e30
N1, N2, N3 = 507, 2028, 8112
N = N1 + N2 + N3
NPAD = 10752
NCHUNK = NPAD // 16
NL1V = NCHUNK // 16
KVREGS = (MAX_BBOXES + 15) // 16
BB1P = 2048
BB2P = 8192
BB3P = 32512
BBWORDS = BB1P + BB2P + BB3P


_EYE128 = None


def _col_to_row(col, n):
    npad = -(-n // 128) * 128
    if npad > n:
        col = jnp.concatenate(
            [col, jnp.zeros((npad - n, 1), jnp.float32)], axis=0)
    c3 = col.reshape(npad // 128, 128, 1)
    eye = (lax.broadcasted_iota(jnp.int32, (128, 128), 0)
           == lax.broadcasted_iota(jnp.int32, (128, 128), 1)
           ).astype(jnp.float32)
    rows = [lax.dot_general(c3[k], eye, (((0,), (0,)), ((), ())))
            for k in range(npad // 128)]
    row = jnp.concatenate(rows, axis=1) if len(rows) > 1 else rows[0]
    return row[:, :n]


def _score_body(c1_ref, c2_ref, c3_ref, p1_ref, p2_ref, p3_ref, o_ref):
    parts = []
    for cref, pref, n in ((c1_ref, p1_ref, N1), (c2_ref, p2_ref, N2),
                          (c3_ref, p3_ref, N3)):
        c = cref[0]
        m = jnp.max(c, axis=1, keepdims=True)
        ii = lax.broadcasted_iota(jnp.int32, c.shape, 1)
        idx = jnp.min(jnp.where(c == m, ii, jnp.int32(NUM_CLASSES)),
                      axis=1, keepdims=True)
        parts.append(pref[0] * _col_to_row(idx.astype(jnp.float32), n))
    parts.append(jnp.full((1, NPAD - N), NEG, jnp.float32))
    o_ref[0] = jnp.concatenate(parts, axis=1)


def _nms_sc_body(score_h, bb1_h, bb2_h, bb3_h,
                 oy1_h, ox1_h, oy2_h, ox2_h, osc_h, ocn_h,
                 cur_v, ball_v, l1_v,
                 ky1_v, kx1_v, ky2_v, kx2_v, ka_v,
                 sy1_v, sx1_v, sy2_v, sx2_v, ssc_v, scn_v):
    wid = lax.axis_index("s") * 2 + lax.axis_index("c")
    b = jnp.minimum(wid, 15)
    lanes = lax.iota(jnp.int32, 16)
    zero16 = jnp.zeros((16,), jnp.float32)
    neg16 = jnp.full((16,), NEG, jnp.float32)

    pltpu.sync_copy(score_h.at[b], cur_v)
    pltpu.sync_copy(bb1_h.at[b], ball_v.at[pl.ds(0, BB1P)])
    pltpu.sync_copy(bb2_h.at[b], ball_v.at[pl.ds(BB1P, BB2P)])
    pltpu.sync_copy(bb3_h.at[b], ball_v.at[pl.ds(BB1P + BB2P, BB3P)])

    for t in range(8):
        sy1_v[pl.ds(t * 16, 16)] = zero16
        sx1_v[pl.ds(t * 16, 16)] = zero16
        sy2_v[pl.ds(t * 16, 16)] = zero16
        sx2_v[pl.ds(t * 16, 16)] = zero16
        ssc_v[pl.ds(t * 16, 16)] = zero16
    for t in range(KVREGS):
        ky1_v[pl.ds(t * 16, 16)] = zero16
        kx1_v[pl.ds(t * 16, 16)] = zero16
        ky2_v[pl.ds(t * 16, 16)] = zero16
        kx2_v[pl.ds(t * 16, 16)] = zero16
        ka_v[pl.ds(t * 16, 16)] = zero16

    def init_body(k, l2):
        l2a, l2b, l2c = l2
        l1vec = neg16
        for j2 in range(16):
            j = k * 16 + j2
            v = cur_v[pl.ds(j * 16, 16)]
            gidx = j * 16 + lanes
            v = jnp.where(
                (v > SCORE_THRESHOLD) & (gidx < N) & (wid < 16), v, NEG)
            cur_v[pl.ds(j * 16, 16)] = v
            l1vec = jnp.where(lanes == j2, jnp.max(v), l1vec)
        l1_v[pl.ds(k * 16, 16)] = l1vec
        mk = jnp.max(l1vec)
        l2a = jnp.where((k < 16) & (lanes == k), mk, l2a)
        l2b = jnp.where((k >= 16) & (k < 32) & (lanes == k - 16), mk, l2b)
        l2c = jnp.where((k >= 32) & (lanes == k - 32), mk, l2c)
        return (l2a, l2b, l2c)

    l2a, l2b, l2c = lax.fori_loop(0, NL1V, init_body, (neg16, neg16, neg16))
    m0 = jnp.maximum(jnp.maximum(jnp.max(l2a), jnp.max(l2b)), jnp.max(l2c))

    def cond(st):
        kept, _, _, _, m = st
        return (kept < MAX_BBOXES) & (m > SCORE_THRESHOLD)

    def body(st):
        kept, l2a, l2b, l2c, m = st
        big = jnp.int32(9999)
        ka = jnp.min(jnp.where(l2a == m, lanes, big))
        kb = jnp.min(jnp.where(l2b == m, lanes + 16, big))
        kc = jnp.min(jnp.where(l2c == m, lanes + 32, big))
        k = jnp.minimum(jnp.minimum(ka, kb), kc)
        l1vec = l1_v[pl.ds(k * 16, 16)]
        j_in = jnp.min(jnp.where(l1vec == m, lanes, big))
        j = k * 16 + j_in
        chunk = cur_v[pl.ds(j * 16, 16)]
        lidx = jnp.min(jnp.where(chunk == m, lanes, big))
        lm0 = lanes == lidx
        g = j * 16 + lidx
        addr = (g * 4
                + jnp.where(g >= N1 + N2, BB1P + BB2P - 4 * (N1 + N2),
                            jnp.where(g >= N1, BB1P - 4 * N1, 0))
                + jnp.minimum(lanes, 3))
        coords = plsc.load_gather(ball_v, [addr])
        cy1 = jnp.max(jnp.where(lanes == 0, coords, NEG))
        cx1 = jnp.max(jnp.where(lanes == 1, coords, NEG))
        cy2 = jnp.max(jnp.where(lanes == 2, coords, NEG))
        cx2 = jnp.max(jnp.where(lanes == 3, coords, NEG))

        chunk = jnp.where(lm0, NEG, chunk)
        cur_v[pl.ds(j * 16, 16)] = chunk
        l1vec = jnp.where(lanes == j_in, jnp.max(chunk), l1vec)
        l1_v[pl.ds(k * 16, 16)] = l1vec
        nl2 = jnp.max(l1vec)
        l2a = jnp.where((k < 16) & (lanes == k), nl2, l2a)
        l2b = jnp.where((k >= 16) & (k < 32) & (lanes == k - 16), nl2, l2b)
        l2c = jnp.where((k >= 32) & (lanes == k - 32), nl2, l2c)

        a_c = jnp.maximum(cy2 - cy1, 0.0) * jnp.maximum(cx2 - cx1, 0.0)
        hit = jnp.zeros((16,), jnp.int32)
        for t in range(KVREGS):
            ky1 = ky1_v[pl.ds(t * 16, 16)]
            kx1 = kx1_v[pl.ds(t * 16, 16)]
            ky2 = ky2_v[pl.ds(t * 16, 16)]
            kx2 = kx2_v[pl.ds(t * 16, 16)]
            kar = ka_v[pl.ds(t * 16, 16)]
            iy1 = jnp.maximum(cy1, ky1)
            ix1 = jnp.maximum(cx1, kx1)
            iy2 = jnp.minimum(cy2, ky2)
            ix2 = jnp.minimum(cx2, kx2)
            inter = (jnp.maximum(iy2 - iy1, 0.0)
                     * jnp.maximum(ix2 - ix1, 0.0))
            union = a_c + kar - inter
            iou = jnp.where(union > 0.0, inter / union, 0.0)
            ok = (iou > IOU_THRESHOLD) & (t * 16 + lanes < kept)
            hit = hit | jnp.where(ok, 1, 0)
        sup = jnp.max(hit) > 0

        base = (kept // 16) * 16
        lmk = (lanes == (kept % 16)) & ~sup
        ky1_v[pl.ds(base, 16)] = jnp.where(lmk, cy1, ky1_v[pl.ds(base, 16)])
        kx1_v[pl.ds(base, 16)] = jnp.where(lmk, cx1, kx1_v[pl.ds(base, 16)])
        ky2_v[pl.ds(base, 16)] = jnp.where(lmk, cy2, ky2_v[pl.ds(base, 16)])
        kx2_v[pl.ds(base, 16)] = jnp.where(lmk, cx2, kx2_v[pl.ds(base, 16)])
        ka_v[pl.ds(base, 16)] = jnp.where(lmk, a_c, ka_v[pl.ds(base, 16)])
        sy1_v[pl.ds(base, 16)] = jnp.where(
            lmk, jnp.clip(cy1, 0.0, 1.0), sy1_v[pl.ds(base, 16)])
        sx1_v[pl.ds(base, 16)] = jnp.where(
            lmk, jnp.clip(cx1, 0.0, 1.0), sx1_v[pl.ds(base, 16)])
        sy2_v[pl.ds(base, 16)] = jnp.where(
            lmk, jnp.clip(cy2, 0.0, 1.0), sy2_v[pl.ds(base, 16)])
        sx2_v[pl.ds(base, 16)] = jnp.where(
            lmk, jnp.clip(cx2, 0.0, 1.0), sx2_v[pl.ds(base, 16)])
        ssc_v[pl.ds(base, 16)] = jnp.where(lmk, m, ssc_v[pl.ds(base, 16)])

        kept = jnp.where(sup, kept, kept + 1)
        m2 = jnp.maximum(jnp.maximum(jnp.max(l2a), jnp.max(l2b)),
                         jnp.max(l2c))
        return (kept, l2a, l2b, l2c, m2)

    kept, _, _, _, _ = lax.while_loop(
        cond, body, (jnp.int32(0), l2a, l2b, l2c, m0))

    scn_v[...] = jnp.where(lanes == 0, kept.astype(jnp.float32), 0.0)

    @pl.when(wid < 16)
    def _():
        pltpu.sync_copy(sy1_v, oy1_h.at[b])
        pltpu.sync_copy(sx1_v, ox1_h.at[b])
        pltpu.sync_copy(sy2_v, oy2_h.at[b])
        pltpu.sync_copy(sx2_v, ox2_h.at[b])
        pltpu.sync_copy(ssc_v, osc_h.at[b])
        pltpu.sync_copy(scn_v, ocn_h.at[b])


_nms_sc = pl.kernel(
    _nms_sc_body,
    mesh=plsc.VectorSubcoreMesh(core_axis_name="c", subcore_axis_name="s"),
    out_type=[jax.ShapeDtypeStruct((16, 128), jnp.float32)] * 5
    + [jax.ShapeDtypeStruct((16, 16), jnp.float32)],
    scratch_types=[pltpu.VMEM((NPAD,), jnp.float32),
                   pltpu.VMEM((BBWORDS,), jnp.float32),
                   pltpu.VMEM((NCHUNK,), jnp.float32)]
    + [pltpu.VMEM((KVREGS * 16,), jnp.float32)] * 5
    + [pltpu.VMEM((128,), jnp.float32)] * 5
    + [pltpu.VMEM((16,), jnp.float32)],
    compiler_params=pltpu.CompilerParams(needs_layout_passes=False),
)


def kernel(bbox13, p13, c13, bbox26, p26, c26, bbox52, p52, c52,
           training=False):
    b = bbox13.shape[0]
    c1 = c13.reshape(b, N1, NUM_CLASSES)
    c2 = c26.reshape(b, N2, NUM_CLASSES)
    c3 = c52.reshape(b, N3, NUM_CLASSES)
    p1 = p13.reshape(b, 1, N1)
    p2 = p26.reshape(b, 1, N2)
    p3 = p52.reshape(b, 1, N3)
    score = pl.pallas_call(
        _score_body,
        grid=(b,),
        in_specs=[
            pl.BlockSpec((1, N1, NUM_CLASSES), lambda i: (i, 0, 0)),
            pl.BlockSpec((1, N2, NUM_CLASSES), lambda i: (i, 0, 0)),
            pl.BlockSpec((1, N3, NUM_CLASSES), lambda i: (i, 0, 0)),
            pl.BlockSpec((1, 1, N1), lambda i: (i, 0, 0)),
            pl.BlockSpec((1, 1, N2), lambda i: (i, 0, 0)),
            pl.BlockSpec((1, 1, N3), lambda i: (i, 0, 0)),
        ],
        out_specs=pl.BlockSpec((1, 1, NPAD), lambda i: (i, 0, 0)),
        out_shape=jax.ShapeDtypeStruct((b, 1, NPAD), jnp.float32),
    )(c1, c2, c3, p1, p2, p3)
    score = score.reshape(b, NPAD)

    bb1 = jnp.pad(bbox13.reshape(b, 4 * N1), ((0, 0), (0, BB1P - 4 * N1)))
    bb2 = jnp.pad(bbox26.reshape(b, 4 * N2), ((0, 0), (0, BB2P - 4 * N2)))
    bb3 = jnp.pad(bbox52.reshape(b, 4 * N3), ((0, 0), (0, BB3P - 4 * N3)))

    oy1, ox1, oy2, ox2, osc, ocn = _nms_sc(score, bb1, bb2, bb3)
    sel_b = jnp.stack([oy1, ox1, oy2, ox2], axis=-1)[:, :MAX_BBOXES]
    pred = jnp.concatenate(
        [sel_b, osc[:, :MAX_BBOXES, None],
         jnp.zeros((b, MAX_BBOXES, 1), jnp.float32)], axis=-1)
    valid = ocn[:, 0].astype(jnp.int32)
    return pred, valid

# --- scband reference (transcript-rebuilt; emitter-appended) ---
"""Pipeline reference for scband-nms-20796231647610 (READ-ONLY COPY).

The authoritative reference and input builder live on the scoring server;
editing this copy changes nothing except your own understanding.
"""

import jax, jax.numpy as jnp
import numpy as np

NUM_CLASSES = 80
IOU_THRESHOLD = 0.5
SCORE_THRESHOLD = 0.3
MAX_BBOXES = 100
B = 16
NEG = -1e30


def setup_inputs(seed: int = 0):
    key = jax.random.key(seed)
    ks = jax.random.split(key, 9)
    specs = [("bbox13", (B, 13, 13, 12), "rand"), ("p13", (B, 13, 13, 3), "rand"), ("c13", (B, 13, 13, 240), "randn"),
             ("bbox26", (B, 26, 26, 12), "rand"), ("p26", (B, 26, 26, 3), "rand"), ("c26", (B, 26, 26, 240), "randn"),
             ("bbox52", (B, 52, 52, 12), "rand"), ("p52", (B, 52, 52, 3), "rand"), ("c52", (B, 52, 52, 240), "randn")]
    inp = {}
    for i, (n, s, f) in enumerate(specs):
        if f == "rand":
            inp[n] = jax.random.uniform(ks[i], s, dtype=jnp.float32)
        else:
            inp[n] = jax.random.normal(ks[i], s, dtype=jnp.float32)
    inp["training"] = False
    return inp


def _iou_one_to_many(box, boxes):
    y1 = jnp.maximum(box[0], boxes[:, 0])
    x1 = jnp.maximum(box[1], boxes[:, 1])
    y2 = jnp.minimum(box[2], boxes[:, 2])
    x2 = jnp.minimum(box[3], boxes[:, 3])
    inter = jnp.maximum(0.0, y2 - y1) * jnp.maximum(0.0, x2 - x1)
    a1 = jnp.maximum(0.0, box[2] - box[0]) * jnp.maximum(0.0, box[3] - box[1])
    a2 = jnp.maximum(0.0, boxes[:, 2] - boxes[:, 0]) * jnp.maximum(0.0, boxes[:, 3] - boxes[:, 1])
    union = a1 + a2 - inter
    return jnp.where(union > 0.0, inter / union, 0.0)


def _nms_single(boxes, scores):
    # class-agnostic greedy NMS matching tf.image.combined_non_max_suppression
    # with scores of shape [N, 1] (single class), clip_boxes=True (default)
    cur = jnp.where(scores > SCORE_THRESHOLD, scores, NEG)

    def body(i, state):
        cur, sel_b, sel_s, sel_c, count = state
        idx = jnp.argmax(cur)
        best = cur[idx]
        valid = best > NEG * 0.5
        box = boxes[idx]
        ious = _iou_one_to_many(box, boxes)
        newcur = jnp.where(ious > IOU_THRESHOLD, NEG, cur)
        newcur = newcur.at[idx].set(NEG)
        cur = jnp.where(valid, newcur, cur)
        vf = valid.astype(jnp.float32)
        sel_b = sel_b.at[i].set(vf * jnp.clip(box, 0.0, 1.0))
        sel_s = sel_s.at[i].set(vf * best)
        sel_c = sel_c.at[i].set(0.0)
        count = count + vf
        return (cur, sel_b, sel_s, sel_c, count)

    init = (cur,
            jnp.zeros((MAX_BBOXES, 4), jnp.float32),
            jnp.zeros((MAX_BBOXES,), jnp.float32),
            jnp.zeros((MAX_BBOXES,), jnp.float32),
            jnp.float32(0.0))
    _, sel_b, sel_s, sel_c, count = jax.lax.fori_loop(0, MAX_BBOXES, body, init)
    return sel_b, sel_s, sel_c, count


def reference(bbox13, p13, c13, bbox26, p26, c26, bbox52, p52, c52, training=False):
    b = bbox13.shape[0]
    bbox = jnp.concatenate([bbox13.reshape(b, -1, 4), bbox26.reshape(b, -1, 4), bbox52.reshape(b, -1, 4)], axis=1)
    p = jnp.concatenate([p13.reshape(b, -1, 1), p26.reshape(b, -1, 1), p52.reshape(b, -1, 1)], axis=1)
    c = jnp.concatenate([c13.reshape(b, -1, NUM_CLASSES), c26.reshape(b, -1, NUM_CLASSES), c52.reshape(b, -1, NUM_CLASSES)], axis=1)
    cls = jnp.argmax(c, axis=-1).astype(jnp.float32)
    score = p[..., 0] * cls
    sel_b, sel_s, sel_c, count = jax.vmap(_nms_single)(bbox, score)
    pred = jnp.concatenate([sel_b, sel_s[..., None], sel_c[..., None]], axis=-1)
    valid = count.astype(jnp.int32)
    return pred, valid

if __name__ == "__main__":
    import jax
    _d = setup_inputs()
    print(jax.jit(kernel)(*tuple(_d.values())))

</pallas_src>

<mosaic_0001>
#map = affine_map<(d0, d1) -> (0, 0)>
module attributes {stable_mosaic.version = 14 : i64} {
  func.func @_nms_sc_body(%arg0: i32, %arg1: i32, %arg2: memref<16x10752xf32, #tpu.memory_space<hbm>>, %arg3: memref<16x2048xf32, #tpu.memory_space<hbm>>, %arg4: memref<16x8192xf32, #tpu.memory_space<hbm>>, %arg5: memref<16x32512xf32, #tpu.memory_space<hbm>>, %arg6: memref<16x128xf32, #tpu.memory_space<hbm>>, %arg7: memref<16x128xf32, #tpu.memory_space<hbm>>, %arg8: memref<16x128xf32, #tpu.memory_space<hbm>>, %arg9: memref<16x128xf32, #tpu.memory_space<hbm>>, %arg10: memref<16x128xf32, #tpu.memory_space<hbm>>, %arg11: memref<16x16xf32, #tpu.memory_space<hbm>>, %arg12: memref<10752xf32, #tpu.memory_space<vmem>>, %arg13: memref<42752xf32, #tpu.memory_space<vmem>>, %arg14: memref<672xf32, #tpu.memory_space<vmem>>, %arg15: memref<112xf32, #tpu.memory_space<vmem>>, %arg16: memref<112xf32, #tpu.memory_space<vmem>>, %arg17: memref<112xf32, #tpu.memory_space<vmem>>, %arg18: memref<112xf32, #tpu.memory_space<vmem>>, %arg19: memref<112xf32, #tpu.memory_space<vmem>>, %arg20: memref<128xf32, #tpu.memory_space<vmem>>, %arg21: memref<128xf32, #tpu.memory_space<vmem>>, %arg22: memref<128xf32, #tpu.memory_space<vmem>>, %arg23: memref<128xf32, #tpu.memory_space<vmem>>, %arg24: memref<128xf32, #tpu.memory_space<vmem>>, %arg25: memref<16xf32, #tpu.memory_space<vmem>>) attributes {dimension_semantics = [#tpu.dimension_semantics<core_parallel>, #tpu.dimension_semantics<subcore_parallel>], iteration_bounds = array<i64: 2, 16>, scalar_prefetch = 0 : i64, scratch_operands = 14 : i64, tpu.core_type = #tpu.core_type<sc_vector_subcore>, window_params = [{transform_indices = #map}, {transform_indices = #map}, {transform_indices = #map}, {transform_indices = #map}, {transform_indices = #map}, {transform_indices = #map}, {transform_indices = #map}, {transform_indices = #map}, {transform_indices = #map}, {transform_indices = #map}]} {
    %mul3A = arith.constant 2 : i32
    %mul3A_0 = arith.muli %arg1, %mul3A : i32
    %add3A = arith.addi %mul3A_0, %arg0 : i32
    %min3A = arith.constant 15 : i32
    %min3A_1 = arith.minsi %add3A, %min3A : i32
    %iota3A = tpu.iota {dimensions = array<i32: 0>} : vector<16xi32>
    %broadcast_in_dim3A = arith.constant 0.000000e+00 : f32
    %broadcast_in_dim3A_2 = vector.broadcast %broadcast_in_dim3A : f32 to vector<16xf32>
    %broadcast_in_dim3A_3 = arith.constant -1.000000e+30 : f32
    %broadcast_in_dim3A_4 = vector.broadcast %broadcast_in_dim3A_3 : f32 to vector<16xf32>
    "tpu.region"() ({
      %run_scoped3A = tpu.sem_alloc : memref<!tpu.dma_semaphore, #tpu.memory_space<semaphore_mem>>
      %dma_start3A = arith.constant 0 : i32
      %dma_start3A_181 = tpu.memref_slice %arg2[%min3A_1, %dma_start3A] : memref<16x10752xf32, #tpu.memory_space<hbm>> -> memref<1x10752xf32, #tpu.memory_space<hbm>>
      %dma_start3A_182 = tpu.memref_squeeze %dma_start3A_181 : memref<1x10752xf32, #tpu.memory_space<hbm>> -> memref<10752xf32, #tpu.memory_space<hbm>>
      %dma_start3A_183 = arith.constant 0 : i32
      %dma_start3A_184 = tpu.memref_slice %arg2[%min3A_1, %dma_start3A_183] : memref<16x10752xf32, #tpu.memory_space<hbm>> -> memref<1x10752xf32, #tpu.memory_space<hbm>>
      %dma_start3A_185 = tpu.memref_squeeze %dma_start3A_184 : memref<1x10752xf32, #tpu.memory_space<hbm>> -> memref<10752xf32, #tpu.memory_space<hbm>>
      tpu.enqueue_dma source(%dma_start3A_185 : memref<10752xf32, #tpu.memory_space<hbm>>) target(%arg12 : memref<10752xf32, #tpu.memory_space<vmem>>) target_semaphore(%run_scoped3A : memref<!tpu.dma_semaphore, #tpu.memory_space<semaphore_mem>>)
      %dma_wait3A = arith.constant 0 : i32
      %dma_wait3A_186 = tpu.memref_slice %arg2[%min3A_1, %dma_wait3A] : memref<16x10752xf32, #tpu.memory_space<hbm>> -> memref<1x10752xf32, #tpu.memory_space<hbm>>
      %dma_wait3A_187 = tpu.memref_squeeze %dma_wait3A_186 : memref<1x10752xf32, #tpu.memory_space<hbm>> -> memref<10752xf32, #tpu.memory_space<hbm>>
      %dma_wait3A_188 = arith.constant 0 : i32
      %dma_wait3A_189 = tpu.memref_slice %arg2[%min3A_1, %dma_wait3A_188] : memref<16x10752xf32, #tpu.memory_space<hbm>> -> memref<1x10752xf32, #tpu.memory_space<hbm>>
      %dma_wait3A_190 = tpu.memref_squeeze %dma_wait3A_189 : memref<1x10752xf32, #tpu.memory_space<hbm>> -> memref<10752xf32, #tpu.memory_space<hbm>>
      tpu.wait_dma2 semaphore(%run_scoped3A : memref<!tpu.dma_semaphore, #tpu.memory_space<semaphore_mem>>) src(%dma_wait3A_190 : memref<10752xf32, #tpu.memory_space<hbm>>) dst(%arg12 : memref<10752xf32, #tpu.memory_space<vmem>>)
      tpu.yield
    }) : () -> ()
    "tpu.region"() ({
      %run_scoped3A = tpu.sem_alloc : memref<!tpu.dma_semaphore, #tpu.memory_space<semaphore_mem>>
      %dma_start3A = arith.constant 0 : i32
      %dma_start3A_181 = tpu.memref_slice %arg13[%dma_start3A] : memref<42752xf32, #tpu.memory_space<vmem>> -> memref<2048xf32, #tpu.memory_space<vmem>>
      %dma_start3A_182 = arith.constant 0 : i32
      %dma_start3A_183 = tpu.memref_slice %arg3[%min3A_1, %dma_start3A_182] : memref<16x2048xf32, #tpu.memory_space<hbm>> -> memref<1x2048xf32, #tpu.memory_space<hbm>>
      %dma_start3A_184 = tpu.memref_squeeze %dma_start3A_183 : memref<1x2048xf32, #tpu.memory_space<hbm>> -> memref<2048xf32, #tpu.memory_space<hbm>>
      %dma_start3A_185 = arith.constant 0 : i32
      %dma_start3A_186 = tpu.memref_slice %arg13[%dma_start3A_185] : memref<42752xf32, #tpu.memory_space<vmem>> -> memref<2048xf32, #tpu.memory_space<vmem>>
      %dma_start3A_187 = arith.constant 0 : i32
      %dma_start3A_188 = tpu.memref_slice %arg3[%min3A_1, %dma_start3A_187] : memref<16x2048xf32, #tpu.memory_space<hbm>> -> memref<1x2048xf32, #tpu.memory_space<hbm>>
      %dma_start3A_189 = tpu.memref_squeeze %dma_start3A_188 : memref<1x2048xf32, #tpu.memory_space<hbm>> -> memref<2048xf32, #tpu.memory_space<hbm>>
      tpu.enqueue_dma source(%dma_start3A_189 : memref<2048xf32, #tpu.memory_space<hbm>>) target(%dma_start3A_186 : memref<2048xf32, #tpu.memory_space<vmem>>) target_semaphore(%run_scoped3A : memref<!tpu.dma_semaphore, #tpu.memory_space<semaphore_mem>>)
      %dma_wait3A = arith.constant 0 : i32
      %dma_wait3A_190 = tpu.memref_slice %arg13[%dma_wait3A] : memref<42752xf32, #tpu.memory_space<vmem>> -> memref<2048xf32, #tpu.memory_space<vmem>>
      %dma_wait3A_191 = arith.constant 0 : i32
      %dma_wait3A_192 = tpu.memref_slice %arg3[%min3A_1, %dma_wait3A_191] : memref<16x2048xf32, #tpu.memory_space<hbm>> -> memref<1x2048xf32, #tpu.memory_space<hbm>>
      %dma_wait3A_193 = tpu.memref_squeeze %dma_wait3A_192 : memref<1x2048xf32, #tpu.memory_space<hbm>> -> memref<2048xf32, #tpu.memory_space<hbm>>
      %dma_wait3A_194 = arith.constant 0 : i32
      %dma_wait3A_195 = tpu.memref_slice %arg13[%dma_wait3A_194] : memref<42752xf32, #tpu.memory_space<vmem>> -> memref<2048xf32, #tpu.memory_space<vmem>>
      %dma_wait3A_196 = arith.constant 0 : i32
      %dma_wait3A_197 = tpu.memref_slice %arg3[%min3A_1, %dma_wait3A_196] : memref<16x2048xf32, #tpu.memory_space<hbm>> -> memref<1x2048xf32, #tpu.memory_space<hbm>>
      %dma_wait3A_198 = tpu.memref_squeeze %dma_wait3A_197 : memref<1x2048xf32, #tpu.memory_space<hbm>> -> memref<2048xf32, #tpu.memory_space<hbm>>
      tpu.wait_dma2 semaphore(%run_scoped3A : memref<!tpu.dma_semaphore, #tpu.memory_space<semaphore_mem>>) src(%dma_wait3A_198 : memref<2048xf32, #tpu.memory_space<hbm>>) dst(%dma_wait3A_195 : memref<2048xf32, #tpu.memory_space<vmem>>)
      tpu.yield
    }) : () -> ()
    "tpu.region"() ({
      %run_scoped3A = tpu.sem_alloc : memref<!tpu.dma_semaphore, #tpu.memory_space<semaphore_mem>>
      %dma_start3A = arith.constant 2048 : i32
      %dma_start3A_181 = tpu.memref_slice %arg13[%dma_start3A] : memref<42752xf32, #tpu.memory_space<vmem>> -> memref<8192xf32, #tpu.memory_space<vmem>>
      %dma_start3A_182 = arith.constant 0 : i32
      %dma_start3A_183 = tpu.memref_slice %arg4[%min3A_1, %dma_start3A_182] : memref<16x8192xf32, #tpu.memory_space<hbm>> -> memref<1x8192xf32, #tpu.memory_space<hbm>>
      %dma_start3A_184 = tpu.memref_squeeze %dma_start3A_183 : memref<1x8192xf32, #tpu.memory_space<hbm>> -> memref<8192xf32, #tpu.memory_space<hbm>>
      %dma_start3A_185 = arith.constant 2048 : i32
      %dma_start3A_186 = tpu.memref_slice %arg13[%dma_start3A_185] : memref<42752xf32, #tpu.memory_space<vmem>> -> memref<8192xf32, #tpu.memory_space<vmem>>
      %dma_start3A_187 = arith.constant 0 : i32
      %dma_start3A_188 = tpu.memref_slice %arg4[%min3A_1, %dma_start3A_187] : memref<16x8192xf32, #tpu.memory_space<hbm>> -> memref<1x8192xf32, #tpu.memory_space<hbm>>
      %dma_start3A_189 = tpu.memref_squeeze %dma_start3A_188 : memref<1x8192xf32, #tpu.memory_space<hbm>> -> memref<8192xf32, #tpu.memory_space<hbm>>
      tpu.enqueue_dma source(%dma_start3A_189 : memref<8192xf32, #tpu.memory_space<hbm>>) target(%dma_start3A_186 : memref<8192xf32, #tpu.memory_space<vmem>>) target_semaphore(%run_scoped3A : memref<!tpu.dma_semaphore, #tpu.memory_space<semaphore_mem>>)
      %dma_wait3A = arith.constant 2048 : i32
      %dma_wait3A_190 = tpu.memref_slice %arg13[%dma_wait3A] : memref<42752xf32, #tpu.memory_space<vmem>> -> memref<8192xf32, #tpu.memory_space<vmem>>
      %dma_wait3A_191 = arith.constant 0 : i32
      %dma_wait3A_192 = tpu.memref_slice %arg4[%min3A_1, %dma_wait3A_191] : memref<16x8192xf32, #tpu.memory_space<hbm>> -> memref<1x8192xf32, #tpu.memory_space<hbm>>
      %dma_wait3A_193 = tpu.memref_squeeze %dma_wait3A_192 : memref<1x8192xf32, #tpu.memory_space<hbm>> -> memref<8192xf32, #tpu.memory_space<hbm>>
      %dma_wait3A_194 = arith.constant 2048 : i32
      %dma_wait3A_195 = tpu.memref_slice %arg13[%dma_wait3A_194] : memref<42752xf32, #tpu.memory_space<vmem>> -> memref<8192xf32, #tpu.memory_space<vmem>>
      %dma_wait3A_196 = arith.constant 0 : i32
      %dma_wait3A_197 = tpu.memref_slice %arg4[%min3A_1, %dma_wait3A_196] : memref<16x8192xf32, #tpu.memory_space<hbm>> -> memref<1x8192xf32, #tpu.memory_space<hbm>>
      %dma_wait3A_198 = tpu.memref_squeeze %dma_wait3A_197 : memref<1x8192xf32, #tpu.memory_space<hbm>> -> memref<8192xf32, #tpu.memory_space<hbm>>
      tpu.wait_dma2 semaphore(%run_scoped3A : memref<!tpu.dma_semaphore, #tpu.memory_space<semaphore_mem>>) src(%dma_wait3A_198 : memref<8192xf32, #tpu.memory_space<hbm>>) dst(%dma_wait3A_195 : memref<8192xf32, #tpu.memory_space<vmem>>)
      tpu.yield
    }) : () -> ()
    "tpu.region"() ({
      %run_scoped3A = tpu.sem_alloc : memref<!tpu.dma_semaphore, #tpu.memory_space<semaphore_mem>>
      %dma_start3A = arith.constant 10240 : i32
      %dma_start3A_181 = tpu.memref_slice %arg13[%dma_start3A] : memref<42752xf32, #tpu.memory_space<vmem>> -> memref<32512xf32, #tpu.memory_space<vmem>>
      %dma_start3A_182 = arith.constant 0 : i32
      %dma_start3A_183 = tpu.memref_slice %arg5[%min3A_1, %dma_start3A_182] : memref<16x32512xf32, #tpu.memory_space<hbm>> -> memref<1x32512xf32, #tpu.memory_space<hbm>>
      %dma_start3A_184 = tpu.memref_squeeze %dma_start3A_183 : memref<1x32512xf32, #tpu.memory_space<hbm>> -> memref<32512xf32, #tpu.memory_space<hbm>>
      %dma_start3A_185 = arith.constant 10240 : i32
      %dma_start3A_186 = tpu.memref_slice %arg13[%dma_start3A_185] : memref<42752xf32, #tpu.memory_space<vmem>> -> memref<32512xf32, #tpu.memory_space<vmem>>
      %dma_start3A_187 = arith.constant 0 : i32
      %dma_start3A_188 = tpu.memref_slice %arg5[%min3A_1, %dma_start3A_187] : memref<16x32512xf32, #tpu.memory_space<hbm>> -> memref<1x32512xf32, #tpu.memory_space<hbm>>
      %dma_start3A_189 = tpu.memref_squeeze %dma_start3A_188 : memref<1x32512xf32, #tpu.memory_space<hbm>> -> memref<32512xf32, #tpu.memory_space<hbm>>
      tpu.enqueue_dma source(%dma_start3A_189 : memref<32512xf32, #tpu.memory_space<hbm>>) target(%dma_start3A_186 : memref<32512xf32, #tpu.memory_space<vmem>>) target_semaphore(%run_scoped3A : memref<!tpu.dma_semaphore, #tpu.memory_space<semaphore_mem>>)
      %dma_wait3A = arith.constant 10240 : i32
      %dma_wait3A_190 = tpu.memref_slice %arg13[%dma_wait3A] : memref<42752xf32, #tpu.memory_space<vmem>> -> memref<32512xf32, #tpu.memory_space<vmem>>
      %dma_wait3A_191 = arith.constant 0 : i32
      %dma_wait3A_192 = tpu.memref_slice %arg5[%min3A_1, %dma_wait3A_191] : memref<16x32512xf32, #tpu.memory_space<hbm>> -> memref<1x32512xf32, #tpu.memory_space<hbm>>
      %dma_wait3A_193 = tpu.memref_squeeze %dma_wait3A_192 : memref<1x32512xf32, #tpu.memory_space<hbm>> -> memref<32512xf32, #tpu.memory_space<hbm>>
      %dma_wait3A_194 = arith.constant 10240 : i32
      %dma_wait3A_195 = tpu.memref_slice %arg13[%dma_wait3A_194] : memref<42752xf32, #tpu.memory_space<vmem>> -> memref<32512xf32, #tpu.memory_space<vmem>>
      %dma_wait3A_196 = arith.constant 0 : i32
      %dma_wait3A_197 = tpu.memref_slice %arg5[%min3A_1, %dma_wait3A_196] : memref<16x32512xf32, #tpu.memory_space<hbm>> -> memref<1x32512xf32, #tpu.memory_space<hbm>>
      %dma_wait3A_198 = tpu.memref_squeeze %dma_wait3A_197 : memref<1x32512xf32, #tpu.memory_space<hbm>> -> memref<32512xf32, #tpu.memory_space<hbm>>
      tpu.wait_dma2 semaphore(%run_scoped3A : memref<!tpu.dma_semaphore, #tpu.memory_space<semaphore_mem>>) src(%dma_wait3A_198 : memref<32512xf32, #tpu.memory_space<hbm>>) dst(%dma_wait3A_195 : memref<32512xf32, #tpu.memory_space<vmem>>)
      tpu.yield
    }) : () -> ()
    %swap3A = arith.constant 0 : index
    %swap3A_5 = tpu.vector_load %arg20[%swap3A] {strides = array<i32>} : memref<128xf32, #tpu.memory_space<vmem>>, vector<16xf32>,
    tpu.vector_store %arg20[%swap3A], %broadcast_in_dim3A_2 {strides = array<i32>} : memref<128xf32, #tpu.memory_space<vmem>>, vector<16xf32>,
    %swap3A_6 = arith.constant 0 : index
    %swap3A_7 = tpu.vector_load %arg21[%swap3A_6] {strides = array<i32>} : memref<128xf32, #tpu.memory_space<vmem>>, vector<16xf32>,
    tpu.vector_store %arg21[%swap3A_6], %broadcast_in_dim3A_2 {strides = array<i32>} : memref<128xf32, #tpu.memory_space<vmem>>, vector<16xf32>,
    %swap3A_8 = arith.constant 0 : index
    %swap3A_9 = tpu.vector_load %arg22[%swap3A_8] {strides = array<i32>} : memref<128xf32, #tpu.memory_space<vmem>>, vector<16xf32>,
    tpu.vector_store %arg22[%swap3A_8], %broadcast_in_dim3A_2 {strides = array<i32>} : memref<128xf32, #tpu.memory_space<vmem>>, vector<16xf32>,
    %swap3A_10 = arith.constant 0 : index
    %swap3A_11 = tpu.vector_load %arg23[%swap3A_10] {strides = array<i32>} : memref<128xf32, #tpu.memory_space<vmem>>, vector<16xf32>,
    tpu.vector_store %arg23[%swap3A_10], %broadcast_in_dim3A_2 {strides = array<i32>} : memref<128xf32, #tpu.memory_space<vmem>>, vector<16xf32>,
    %swap3A_12 = arith.constant 0 : index
    %swap3A_13 = tpu.vector_load %arg24[%swap3A_12] {strides = array<i32>} : memref<128xf32, #tpu.memory_space<vmem>>, vector<16xf32>,
    tpu.vector_store %arg24[%swap3A_12], %broadcast_in_dim3A_2 {strides = array<i32>} : memref<128xf32, #tpu.memory_space<vmem>>, vector<16xf32>,
    %swap3A_14 = arith.constant 16 : index
    %swap3A_15 = tpu.vector_load %arg20[%swap3A_14] {strides = array<i32>} : memref<128xf32, #tpu.memory_space<vmem>>, vector<16xf32>,
    tpu.vector_store %arg20[%swap3A_14], %broadcast_in_dim3A_2 {strides = array<i32>} : memref<128xf32, #tpu.memory_space<vmem>>, vector<16xf32>,
    %swap3A_16 = arith.constant 16 : index
    %swap3A_17 = tpu.vector_load %arg21[%swap3A_16] {strides = array<i32>} : memref<128xf32, #tpu.memory_space<vmem>>, vector<16xf32>,
    tpu.vector_store %arg21[%swap3A_16], %broadcast_in_dim3A_2 {strides = array<i32>} : memref<128xf32, #tpu.memory_space<vmem>>, vector<16xf32>,
    %swap3A_18 = arith.constant 16 : index
    %swap3A_19 = tpu.vector_load %arg22[%swap3A_18] {strides = array<i32>} : memref<128xf32, #tpu.memory_space<vmem>>, vector<16xf32>,
    tpu.vector_store %arg22[%swap3A_18], %broadcast_in_dim3A_2 {strides = array<i32>} : memref<128xf32, #tpu.memory_space<vmem>>, vector<16xf32>,
    %swap3A_20 = arith.constant 16 : index
    %swap3A_21 = tpu.vector_load %arg23[%swap3A_20] {strides = array<i32>} : memref<128xf32, #tpu.memory_space<vmem>>, vector<16xf32>,
    tpu.vector_store %arg23[%swap3A_20], %broadcast_in_dim3A_2 {strides = array<i32>} : memref<128xf32, #tpu.memory_space<vmem>>, vector<16xf32>,
    %swap3A_22 = arith.constant 16 : index
    %swap3A_23 = tpu.vector_load %arg24[%swap3A_22] {strides = array<i32>} : memref<128xf32, #tpu.memory_space<vmem>>, vector<16xf32>,
    tpu.vector_store %arg24[%swap3A_22], %broadcast_in_dim3A_2 {strides = array<i32>} : memref<128xf32, #tpu.memory_space<vmem>>, vector<16xf32>,
    %swap3A_24 = arith.constant 32 : index
    %swap3A_25 = tpu.vector_load %arg20[%swap3A_24] {strides = array<i32>} : memref<128xf32, #tpu.memory_space<vmem>>, vector<16xf32>,
    tpu.vector_store %arg20[%swap3A_24], %broadcast_in_dim3A_2 {strides = array<i32>} : memref<128xf32, #tpu.memory_space<vmem>>, vector<16xf32>,
    %swap3A_26 = arith.constant 32 : index
    %swap3A_27 = tpu.vector_load %arg21[%swap3A_26] {strides = array<i32>} : memref<128xf32, #tpu.memory_space<vmem>>, vector<16xf32>,
    tpu.vector_store %arg21[%swap3A_26], %broadcast_in_dim3A_2 {strides = array<i32>} : memref<128xf32, #tpu.memory_space<vmem>>, vector<16xf32>,
    %swap3A_28 = arith.constant 32 : index
    %swap3A_29 = tpu.vector_load %arg22[%swap3A_28] {strides = array<i32>} : memref<128xf32, #tpu.memory_space<vmem>>, vector<16xf32>,
    tpu.vector_store %arg22[%swap3A_28], %broadcast_in_dim3A_2 {strides = array<i32>} : memref<128xf32, #tpu.memory_space<vmem>>, vector<16xf32>,
    %swap3A_30 = arith.constant 32 : index
    %swap3A_31 = tpu.vector_load %arg23[%swap3A_30] {strides = array<i32>} : memref<128xf32, #tpu.memory_space<vmem>>, vector<16xf32>,
    tpu.vector_store %arg23[%swap3A_30], %broadcast_in_dim3A_2 {strides = array<i32>} : memref<128xf32, #tpu.memory_space<vmem>>, vector<16xf32>,
    %swap3A_32 = arith.constant 32 : index
    %swap3A_33 = tpu.vector_load %arg24[%swap3A_32] {strides = array<i32>} : memref<128xf32, #tpu.memory_space<vmem>>, vector<16xf32>,
    tpu.vector_store %arg24[%swap3A_32], %broadcast_in_dim3A_2 {strides = array<i32>} : memref<128xf32, #tpu.memory_space<vmem>>, vector<16xf32>,
    %swap3A_34 = arith.constant 48 : index
    %swap3A_35 = tpu.vector_load %arg20[%swap3A_34] {strides = array<i32>} : memref<128xf32, #tpu.memory_space<vmem>>, vector<16xf32>,
    tpu.vector_store %arg20[%swap3A_34], %broadcast_in_dim3A_2 {strides = array<i32>} : memref<128xf32, #tpu.memory_space<vmem>>, vector<16xf32>,
    %swap3A_36 = arith.constant 48 : index
    %swap3A_37 = tpu.vector_load %arg21[%swap3A_36] {strides = array<i32>} : memref<128xf32, #tpu.memory_space<vmem>>, vector<16xf32>,
    tpu.vector_store %arg21[%swap3A_36], %broadcast_in_dim3A_2 {strides = array<i32>} : memref<128xf32, #tpu.memory_space<vmem>>, vector<16xf32>,
    %swap3A_38 = arith.constant 48 : index
    %swap3A_39 = tpu.vector_load %arg22[%swap3A_38] {strides = array<i32>} : memref<128xf32, #tpu.memory_space<vmem>>, vector<16xf32>,
    tpu.vector_store %arg22[%swap3A_38], %broadcast_in_dim3A_2 {strides = array<i32>} : memref<128xf32, #tpu.memory_space<vmem>>, vector<16xf32>,
    %swap3A_40 = arith.constant 48 : index
    %swap3A_41 = tpu.vector_load %arg23[%swap3A_40] {strides = array<i32>} : memref<128xf32, #tpu.memory_space<vmem>>, vector<16xf32>,
    tpu.vector_store %arg23[%swap3A_40], %broadcast_in_dim3A_2 {strides = array<i32>} : memref<128xf32, #tpu.memory_space<vmem>>, vector<16xf32>,
    %swap3A_42 = arith.constant 48 : index
    %swap3A_43 = tpu.vector_load %arg24[%swap3A_42] {strides = array<i32>} : memref<128xf32, #tpu.memory_space<vmem>>, vector<16xf32>,
    tpu.vector_store %arg24[%swap3A_42], %broadcast_in_dim3A_2 {strides = array<i32>} : memref<128xf32, #tpu.memory_space<vmem>>, vector<16xf32>,
    %swap3A_44 = arith.constant 64 : index
    %swap3A_45 = tpu.vector_load %arg20[%swap3A_44] {strides = array<i32>} : memref<128xf32, #tpu.memory_space<vmem>>, vector<16xf32>,
    tpu.vector_store %arg20[%swap3A_44], %broadcast_in_dim3A_2 {strides = array<i32>} : memref<128xf32, #tpu.memory_space<vmem>>, vector<16xf32>,
    %swap3A_46 = arith.constant 64 : index
    %swap3A_47 = tpu.vector_load %arg21[%swap3A_46] {strides = array<i32>} : memref<128xf32, #tpu.memory_space<vmem>>, vector<16xf32>,
    tpu.vector_store %arg21[%swap3A_46], %broadcast_in_dim3A_2 {strides = array<i32>} : memref<128xf32, #tpu.memory_space<vmem>>, vector<16xf32>,
    %swap3A_48 = arith.constant 64 : index
    %swap3A_49 = tpu.vector_load %arg22[%swap3A_48] {strides = array<i32>} : memref<128xf32, #tpu.memory_space<vmem>>, vector<16xf32>,
    tpu.vector_store %arg22[%swap3A_48], %broadcast_in_dim3A_2 {strides = array<i32>} : memref<128xf32, #tpu.memory_space<vmem>>, vector<16xf32>,
    %swap3A_50 = arith.constant 64 : index
    %swap3A_51 = tpu.vector_load %arg23[%swap3A_50] {strides = array<i32>} : memref<128xf32, #tpu.memory_space<vmem>>, vector<16xf32>,
    tpu.vector_store %arg23[%swap3A_50], %broadcast_in_dim3A_2 {strides = array<i32>} : memref<128xf32, #tpu.memory_space<vmem>>, vector<16xf32>,
    %swap3A_52 = arith.constant 64 : index
    %swap3A_53 = tpu.vector_load %arg24[%swap3A_52] {strides = array<i32>} : memref<128xf32, #tpu.memory_space<vmem>>, vector<16xf32>,
    tpu.vector_store %arg24[%swap3A_52], %broadcast_in_dim3A_2 {strides = array<i32>} : memref<128xf32, #tpu.memory_space<vmem>>, vector<16xf32>,
    %swap3A_54 = arith.constant 80 : index
    %swap3A_55 = tpu.vector_load %arg20[%swap3A_54] {strides = array<i32>} : memref<128xf32, #tpu.memory_space<vmem>>, vector<16xf32>,
    tpu.vector_store %arg20[%swap3A_54], %broadcast_in_dim3A_2 {strides = array<i32>} : memref<128xf32, #tpu.memory_space<vmem>>, vector<16xf32>,
    %swap3A_56 = arith.constant 80 : index
    %swap3A_57 = tpu.vector_load %arg21[%swap3A_56] {strides = array<i32>} : memref<128xf32, #tpu.memory_space<vmem>>, vector<16xf32>,
    tpu.vector_store %arg21[%swap3A_56], %broadcast_in_dim3A_2 {strides = array<i32>} : memref<128xf32, #tpu.memory_space<vmem>>, vector<16xf32>,
    %swap3A_58 = arith.constant 80 : index
    %swap3A_59 = tpu.vector_load %arg22[%swap3A_58] {strides = array<i32>} : memref<128xf32, #tpu.memory_space<vmem>>, vector<16xf32>,
    tpu.vector_store %arg22[%swap3A_58], %broadcast_in_dim3A_2 {strides = array<i32>} : memref<128xf32, #tpu.memory_space<vmem>>, vector<16xf32>,
    %swap3A_60 = arith.constant 80 : index
    %swap3A_61 = tpu.vector_load %arg23[%swap3A_60] {strides = array<i32>} : memref<128xf32, #tpu.memory_space<vmem>>, vector<16xf32>,
    tpu.vector_store %arg23[%swap3A_60], %broadcast_in_dim3A_2 {strides = array<i32>} : memref<128xf32, #tpu.memory_space<vmem>>, vector<16xf32>,
    %swap3A_62 = arith.constant 80 : index
    %swap3A_63 = tpu.vector_load %arg24[%swap3A_62] {strides = array<i32>} : memref<128xf32, #tpu.memory_space<vmem>>, vector<16xf32>,
    tpu.vector_store %arg24[%swap3A_62], %broadcast_in_dim3A_2 {strides = array<i32>} : memref<128xf32, #tpu.memory_space<vmem>>, vector<16xf32>,
    %swap3A_64 = arith.constant 96 : index
    %swap3A_65 = tpu.vector_load %arg20[%swap3A_64] {strides = array<i32>} : memref<128xf32, #tpu.memory_space<vmem>>, vector<16xf32>,
    tpu.vector_store %arg20[%swap3A_64], %broadcast_in_dim3A_2 {strides = array<i32>} : memref<128xf32, #tpu.memory_space<vmem>>, vector<16xf32>,
    %swap3A_66 = arith.constant 96 : index
    %swap3A_67 = tpu.vector_load %arg21[%swap3A_66] {strides = array<i32>} : memref<128xf32, #tpu.memory_space<vmem>>, vector<16xf32>,
    tpu.vector_store %arg21[%swap3A_66], %broadcast_in_dim3A_2 {strides = array<i32>} : memref<128xf32, #tpu.memory_space<vmem>>, vector<16xf32>,
    %swap3A_68 = arith.constant 96 : index
    %swap3A_69 = tpu.vector_load %arg22[%swap3A_68] {strides = array<i32>} : memref<128xf32, #tpu.memory_space<vmem>>, vector<16xf32>,
    tpu.vector_store %arg22[%swap3A_68], %broadcast_in_dim3A_2 {strides = array<i32>} : memref<128xf32, #tpu.memory_space<vmem>>, vector<16xf32>,
    %swap3A_70 = arith.constant 96 : index
    %swap3A_71 = tpu.vector_load %arg23[%swap3A_70] {strides = array<i32>} : memref<128xf32, #tpu.memory_space<vmem>>, vector<16xf32>,
    tpu.vector_store %arg23[%swap3A_70], %broadcast_in_dim3A_2 {strides = array<i32>} : memref<128xf32, #tpu.memory_space<vmem>>, vector<16xf32>,
    %swap3A_72 = arith.constant 96 : index
    %swap3A_73 = tpu.vector_load %arg24[%swap3A_72] {strides = array<i32>} : memref<128xf32, #tpu.memory_space<vmem>>, vector<16xf32>,
    tpu.vector_store %arg24[%swap3A_72], %broadcast_in_dim3A_2 {strides = array<i32>} : memref<128xf32, #tpu.memory_space<vmem>>, vector<16xf32>,
    %swap3A_74 = arith.constant 112 : index
    %swap3A_75 = tpu.vector_load %arg20[%swap3A_74] {strides = array<i32>} : memref<128xf32, #tpu.memory_space<vmem>>, vector<16xf32>,
    tpu.vector_store %arg20[%swap3A_74], %broadcast_in_dim3A_2 {strides = array<i32>} : memref<128xf32, #tpu.memory_space<vmem>>, vector<16xf32>,
    %swap3A_76 = arith.constant 112 : index
    %swap3A_77 = tpu.vector_load %arg21[%swap3A_76] {strides = array<i32>} : memref<128xf32, #tpu.memory_space<vmem>>, vector<16xf32>,
    tpu.vector_store %arg21[%swap3A_76], %broadcast_in_dim3A_2 {strides = array<i32>} : memref<128xf32, #tpu.memory_space<vmem>>, vector<16xf32>,
    %swap3A_78 = arith.constant 112 : index
    %swap3A_79 = tpu.vector_load %arg22[%swap3A_78] {strides = array<i32>} : memref<128xf32, #tpu.memory_space<vmem>>, vector<16xf32>,
    tpu.vector_store %arg22[%swap3A_78], %broadcast_in_dim3A_2 {strides = array<i32>} : memref<128xf32, #tpu.memory_space<vmem>>, vector<16xf32>,
    %swap3A_80 = arith.constant 112 : index
    %swap3A_81 = tpu.vector_load %arg23[%swap3A_80] {strides = array<i32>} : memref<128xf32, #tpu.memory_space<vmem>>, vector<16xf32>,
    tpu.vector_store %arg23[%swap3A_80], %broadcast_in_dim3A_2 {strides = array<i32>} : memref<128xf32, #tpu.memory_space<vmem>>, vector<16xf32>,
    %swap3A_82 = arith.constant 112 : index
    %swap3A_83 = tpu.vector_load %arg24[%swap3A_82] {strides = array<i32>} : memref<128xf32, #tpu.memory_space<vmem>>, vector<16xf32>,
    tpu.vector_store %arg24[%swap3A_82], %broadcast_in_dim3A_2 {strides = array<i32>} : memref<128xf32, #tpu.memory_space<vmem>>, vector<16xf32>,
    %swap3A_84 = arith.constant 0 : index
    %swap3A_85 = tpu.vector_load %arg15[%swap3A_84] {strides = array<i32>} : memref<112xf32, #tpu.memory_space<vmem>>, vector<16xf32>,
    tpu.vector_store %arg15[%swap3A_84], %broadcast_in_dim3A_2 {strides = array<i32>} : memref<112xf32, #tpu.memory_space<vmem>>, vector<16xf32>,
    %swap3A_86 = arith.constant 0 : index
    %swap3A_87 = tpu.vector_load %arg16[%swap3A_86] {strides = array<i32>} : memref<112xf32, #tpu.memory_space<vmem>>, vector<16xf32>,
    tpu.vector_store %arg16[%swap3A_86], %broadcast_in_dim3A_2 {strides = array<i32>} : memref<112xf32, #tpu.memory_space<vmem>>, vector<16xf32>,
    %swap3A_88 = arith.constant 0 : index
    %swap3A_89 = tpu.vector_load %arg17[%swap3A_88] {strides = array<i32>} : memref<112xf32, #tpu.memory_space<vmem>>, vector<16xf32>,
    tpu.vector_store %arg17[%swap3A_88], %broadcast_in_dim3A_2 {strides = array<i32>} : memref<112xf32, #tpu.memory_space<vmem>>, vector<16xf32>,
    %swap3A_90 = arith.constant 0 : index
    %swap3A_91 = tpu.vector_load %arg18[%swap3A_90] {strides = array<i32>} : memref<112xf32, #tpu.memory_space<vmem>>, vector<16xf32>,
    tpu.vector_store %arg18[%swap3A_90], %broadcast_in_dim3A_2 {strides = array<i32>} : memref<112xf32, #tpu.memory_space<vmem>>, vector<16xf32>,
    %swap3A_92 = arith.constant 0 : index
    %swap3A_93 = tpu.vector_load %arg19[%swap3A_92] {strides = array<i32>} : memref<112xf32, #tpu.memory_space<vmem>>, vector<16xf32>,
    tpu.vector_store %arg19[%swap3A_92], %broadcast_in_dim3A_2 {strides = array<i32>} : memref<112xf32, #tpu.memory_space<vmem>>, vector<16xf32>,
    %swap3A_94 = arith.constant 16 : index
    %swap3A_95 = tpu.vector_load %arg15[%swap3A_94] {strides = array<i32>} : memref<112xf32, #tpu.memory_space<vmem>>, vector<16xf32>,
    tpu.vector_store %arg15[%swap3A_94], %broadcast_in_dim3A_2 {strides = array<i32>} : memref<112xf32, #tpu.memory_space<vmem>>, vector<16xf32>,
    %swap3A_96 = arith.constant 16 : index
    %swap3A_97 = tpu.vector_load %arg16[%swap3A_96] {strides = array<i32>} : memref<112xf32, #tpu.memory_space<vmem>>, vector<16xf32>,
    tpu.vector_store %arg16[%swap3A_96], %broadcast_in_dim3A_2 {strides = array<i32>} : memref<112xf32, #tpu.memory_space<vmem>>, vector<16xf32>,
    %swap3A_98 = arith.constant 16 : index
    %swap3A_99 = tpu.vector_load %arg17[%swap3A_98] {strides = array<i32>} : memref<112xf32, #tpu.memory_space<vmem>>, vector<16xf32>,
    tpu.vector_store %arg17[%swap3A_98], %broadcast_in_dim3A_2 {strides = array<i32>} : memref<112xf32, #tpu.memory_space<vmem>>, vector<16xf32>,
    %swap3A_100 = arith.constant 16 : index
    %swap3A_101 = tpu.vector_load %arg18[%swap3A_100] {strides = array<i32>} : memref<112xf32, #tpu.memory_space<vmem>>, vector<16xf32>,
    tpu.vector_store %arg18[%swap3A_100], %broadcast_in_dim3A_2 {strides = array<i32>} : memref<112xf32, #tpu.memory_space<vmem>>, vector<16xf32>,
    %swap3A_102 = arith.constant 16 : index
    %swap3A_103 = tpu.vector_load %arg19[%swap3A_102] {strides = array<i32>} : memref<112xf32, #tpu.memory_space<vmem>>, vector<16xf32>,
    tpu.vector_store %arg19[%swap3A_102], %broadcast_in_dim3A_2 {strides = array<i32>} : memref<112xf32, #tpu.memory_space<vmem>>, vector<16xf32>,
    %swap3A_104 = arith.constant 32 : index
    %swap3A_105 = tpu.vector_load %arg15[%swap3A_104] {strides = array<i32>} : memref<112xf32, #tpu.memory_space<vmem>>, vector<16xf32>,
    tpu.vector_store %arg15[%swap3A_104], %broadcast_in_dim3A_2 {strides = array<i32>} : memref<112xf32, #tpu.memory_space<vmem>>, vector<16xf32>,
    %swap3A_106 = arith.constant 32 : index
    %swap3A_107 = tpu.vector_load %arg16[%swap3A_106] {strides = array<i32>} : memref<112xf32, #tpu.memory_space<vmem>>, vector<16xf32>,
    tpu.vector_store %arg16[%swap3A_106], %broadcast_in_dim3A_2 {strides = array<i32>} : memref<112xf32, #tpu.memory_space<vmem>>, vector<16xf32>,
    %swap3A_108 = arith.constant 32 : index
    %swap3A_109 = tpu.vector_load %arg17[%swap3A_108] {strides = array<i32>} : memref<112xf32, #tpu.memory_space<vmem>>, vector<16xf32>,
    tpu.vector_store %arg17[%swap3A_108], %broadcast_in_dim3A_2 {strides = array<i32>} : memref<112xf32, #tpu.memory_space<vmem>>, vector<16xf32>,
    %swap3A_110 = arith.constant 32 : index
    %swap3A_111 = tpu.vector_load %arg18[%swap3A_110] {strides = array<i32>} : memref<112xf32, #tpu.memory_space<vmem>>, vector<16xf32>,
    tpu.vector_store %arg18[%swap3A_110], %broadcast_in_dim3A_2 {strides = array<i32>} : memref<112xf32, #tpu.memory_space<vmem>>, vector<16xf32>,
    %swap3A_112 = arith.constant 32 : index
    %swap3A_113 = tpu.vector_load %arg19[%swap3A_112] {strides = array<i32>} : memref<112xf32, #tpu.memory_space<vmem>>, vector<16xf32>,
    tpu.vector_store %arg19[%swap3A_112], %broadcast_in_dim3A_2 {strides = array<i32>} : memref<112xf32, #tpu.memory_space<vmem>>, vector<16xf32>,
    %swap3A_114 = arith.constant 48 : index
    %swap3A_115 = tpu.vector_load %arg15[%swap3A_114] {strides = array<i32>} : memref<112xf32, #tpu.memory_space<vmem>>, vector<16xf32>,
    tpu.vector_store %arg15[%swap3A_114], %broadcast_in_dim3A_2 {strides = array<i32>} : memref<112xf32, #tpu.memory_space<vmem>>, vector<16xf32>,
    %swap3A_116 = arith.constant 48 : index
    %swap3A_117 = tpu.vector_load %arg16[%swap3A_116] {strides = array<i32>} : memref<112xf32, #tpu.memory_space<vmem>>, vector<16xf32>,
    tpu.vector_store %arg16[%swap3A_116], %broadcast_in_dim3A_2 {strides = array<i32>} : memref<112xf32, #tpu.memory_space<vmem>>, vector<16xf32>,
    %swap3A_118 = arith.constant 48 : index
    %swap3A_119 = tpu.vector_load %arg17[%swap3A_118] {strides = array<i32>} : memref<112xf32, #tpu.memory_space<vmem>>, vector<16xf32>,
    tpu.vector_store %arg17[%swap3A_118], %broadcast_in_dim3A_2 {strides = array<i32>} : memref<112xf32, #tpu.memory_space<vmem>>, vector<16xf32>,
    %swap3A_120 = arith.constant 48 : index
    %swap3A_121 = tpu.vector_load %arg18[%swap3A_120] {strides = array<i32>} : memref<112xf32, #tpu.memory_space<vmem>>, vector<16xf32>,
    tpu.vector_store %arg18[%swap3A_120], %broadcast_in_dim3A_2 {strides = array<i32>} : memref<112xf32, #tpu.memory_space<vmem>>, vector<16xf32>,
    %swap3A_122 = arith.constant 48 : index
    %swap3A_123 = tpu.vector_load %arg19[%swap3A_122] {strides = array<i32>} : memref<112xf32, #tpu.memory_space<vmem>>, vector<16xf32>,
    tpu.vector_store %arg19[%swap3A_122], %broadcast_in_dim3A_2 {strides = array<i32>} : memref<112xf32, #tpu.memory_space<vmem>>, vector<16xf32>,
    %swap3A_124 = arith.constant 64 : index
    %swap3A_125 = tpu.vector_load %arg15[%swap3A_124] {strides = array<i32>} : memref<112xf32, #tpu.memory_space<vmem>>, vector<16xf32>,
    tpu.vector_store %arg15[%swap3A_124], %broadcast_in_dim3A_2 {strides = array<i32>} : memref<112xf32, #tpu.memory_space<vmem>>, vector<16xf32>,
    %swap3A_126 = arith.constant 64 : index
    %swap3A_127 = tpu.vector_load %arg16[%swap3A_126] {strides = array<i32>} : memref<112xf32, #tpu.memory_space<vmem>>, vector<16xf32>,
    tpu.vector_store %arg16[%swap3A_126], %broadcast_in_dim3A_2 {strides = array<i32>} : memref<112xf32, #tpu.memory_space<vmem>>, vector<16xf32>,
    %swap3A_128 = arith.constant 64 : index
    %swap3A_129 = tpu.vector_load %arg17[%swap3A_128] {strides = array<i32>} : memref<112xf32, #tpu.memory_space<vmem>>, vector<16xf32>,
    tpu.vector_store %arg17[%swap3A_128], %broadcast_in_dim3A_2 {strides = array<i32>} : memref<112xf32, #tpu.memory_space<vmem>>, vector<16xf32>,
    %swap3A_130 = arith.constant 64 : index
    %swap3A_131 = tpu.vector_load %arg18[%swap3A_130] {strides = array<i32>} : memref<112xf32, #tpu.memory_space<vmem>>, vector<16xf32>,
    tpu.vector_store %arg18[%swap3A_130], %broadcast_in_dim3A_2 {strides = array<i32>} : memref<112xf32, #tpu.memory_space<vmem>>, vector<16xf32>,
    %swap3A_132 = arith.constant 64 : index
    %swap3A_133 = tpu.vector_load %arg19[%swap3A_132] {strides = array<i32>} : memref<112xf32, #tpu.memory_space<vmem>>, vector<16xf32>,
    tpu.vector_store %arg19[%swap3A_132], %broadcast_in_dim3A_2 {strides = array<i32>} : memref<112xf32, #tpu.memory_space<vmem>>, vector<16xf32>,
    %swap3A_134 = arith.constant 80 : index
    %swap3A_135 = tpu.vector_load %arg15[%swap3A_134] {strides = array<i32>} : memref<112xf32, #tpu.memory_space<vmem>>, vector<16xf32>,
    tpu.vector_store %arg15[%swap3A_134], %broadcast_in_dim3A_2 {strides = array<i32>} : memref<112xf32, #tpu.memory_space<vmem>>, vector<16xf32>,
    %swap3A_136 = arith.constant 80 : index
    %swap3A_137 = tpu.vector_load %arg16[%swap3A_136] {strides = array<i32>} : memref<112xf32, #tpu.memory_space<vmem>>, vector<16xf32>,
    tpu.vector_store %arg16[%swap3A_136], %broadcast_in_dim3A_2 {strides = array<i32>} : memref<112xf32, #tpu.memory_space<vmem>>, vector<16xf32>,
    %swap3A_138 = arith.constant 80 : index
    %swap3A_139 = tpu.vector_load %arg17[%swap3A_138] {strides = array<i32>} : memref<112xf32, #tpu.memory_space<vmem>>, vector<16xf32>,
    tpu.vector_store %arg17[%swap3A_138], %broadcast_in_dim3A_2 {strides = array<i32>} : memref<112xf32, #tpu.memory_space<vmem>>, vector<16xf32>,
    %swap3A_140 = arith.constant 80 : index
    %swap3A_141 = tpu.vector_load %arg18[%swap3A_140] {strides = array<i32>} : memref<112xf32, #tpu.memory_space<vmem>>, vector<16xf32>,
    tpu.vector_store %arg18[%swap3A_140], %broadcast_in_dim3A_2 {strides = array<i32>} : memref<112xf32, #tpu.memory_space<vmem>>, vector<16xf32>,
    %swap3A_142 = arith.constant 80 : index
    %swap3A_143 = tpu.vector_load %arg19[%swap3A_142] {strides = array<i32>} : memref<112xf32, #tpu.memory_space<vmem>>, vector<16xf32>,
    tpu.vector_store %arg19[%swap3A_142], %broadcast_in_dim3A_2 {strides = array<i32>} : memref<112xf32, #tpu.memory_space<vmem>>, vector<16xf32>,
    %swap3A_144 = arith.constant 96 : index
    %swap3A_145 = tpu.vector_load %arg15[%swap3A_144] {strides = array<i32>} : memref<112xf32, #tpu.memory_space<vmem>>, vector<16xf32>,
    tpu.vector_store %arg15[%swap3A_144], %broadcast_in_dim3A_2 {strides = array<i32>} : memref<112xf32, #tpu.memory_space<vmem>>, vector<16xf32>,
    %swap3A_146 = arith.constant 96 : index
    %swap3A_147 = tpu.vector_load %arg16[%swap3A_146] {strides = array<i32>} : memref<112xf32, #tpu.memory_space<vmem>>, vector<16xf32>,
    tpu.vector_store %arg16[%swap3A_146], %broadcast_in_dim3A_2 {strides = array<i32>} : memref<112xf32, #tpu.memory_space<vmem>>, vector<16xf32>,
    %swap3A_148 = arith.constant 96 : index
    %swap3A_149 = tpu.vector_load %arg17[%swap3A_148] {strides = array<i32>} : memref<112xf32, #tpu.memory_space<vmem>>, vector<16xf32>,
    tpu.vector_store %arg17[%swap3A_148], %broadcast_in_dim3A_2 {strides = array<i32>} : memref<112xf32, #tpu.memory_space<vmem>>, vector<16xf32>,
    %swap3A_150 = arith.constant 96 : index
    %swap3A_151 = tpu.vector_load %arg18[%swap3A_150] {strides = array<i32>} : memref<112xf32, #tpu.memory_space<vmem>>, vector<16xf32>,
    tpu.vector_store %arg18[%swap3A_150], %broadcast_in_dim3A_2 {strides = array<i32>} : memref<112xf32, #tpu.memory_space<vmem>>, vector<16xf32>,
    %swap3A_152 = arith.constant 96 : index
    %swap3A_153 = tpu.vector_load %arg19[%swap3A_152] {strides = array<i32>} : memref<112xf32, #tpu.memory_space<vmem>>, vector<16xf32>,
    tpu.vector_store %arg19[%swap3A_152], %broadcast_in_dim3A_2 {strides = array<i32>} : memref<112xf32, #tpu.memory_space<vmem>>, vector<16xf32>,
    %scan3A = arith.constant 0 : i32
    %scan3A_154 = arith.constant 42 : i32
    %scan3A_155 = arith.addi %scan3A, %scan3A_154 : i32
    %scan3A_156 = arith.constant 1 : i32
    %scan3A_157:3 = scf.for %scan3A_181 = %scan3A to %scan3A_155 step %scan3A_156 iter_args(%scan3A_182 = %broadcast_in_dim3A_4, %scan3A_183 = %broadcast_in_dim3A_4, %scan3A_184 = %broadcast_in_dim3A_4) -> (vector<16xf32>, vector<16xf32>, vector<16xf32>)  : i32 {
      %mul3A_185 = arith.constant 16 : i32
      %mul3A_186 = arith.muli %scan3A_181, %mul3A_185 : i32
      %add3A_187 = arith.constant 0 : i32
      %add3A_188 = arith.addi %mul3A_186, %add3A_187 : i32
      %mul3A_189 = arith.constant 16 : i32
      %mul3A_190 = arith.muli %add3A_188, %mul3A_189 : i32
      %get3A = arith.index_cast %mul3A_190 : i32 to index
      %get3A_191 = tpu.vector_load %arg12[%get3A] {strides = array<i32>} : memref<10752xf32, #tpu.memory_space<vmem>>, vector<16xf32>,
      %mul3A_192 = arith.constant 16 : i32
      %mul3A_193 = arith.muli %add3A_188, %mul3A_192 : i32
      %add3A_194 = vector.broadcast %mul3A_193 : i32 to vector<16xi32>
      %add3A_195 = arith.addi %add3A_194, %iota3A : vector<16xi32>
      %gt3A = arith.constant 3.000000e-01 : f32
      %gt3A_196 = vector.broadcast %gt3A : f32 to vector<16xf32>
      %gt3A_197 = arith.cmpf ogt, %get3A_191, %gt3A_196 : vector<16xf32>
      %lt3A_198 = arith.constant 10647 : i32
      %lt3A_199 = vector.broadcast %lt3A_198 : i32 to vector<16xi32>
      %lt3A_200 = arith.cmpi slt, %add3A_195, %lt3A_199 : vector<16xi32>
      %and3A = arith.andi %gt3A_197, %lt3A_200 : vector<16xi1>
      %lt3A_201 = arith.constant 16 : i32
      %lt3A_202 = arith.cmpi slt, %add3A, %lt3A_201 : i32
      %and3A_203 = vector.broadcast %lt3A_202 : i1 to vector<16xi1>
      %and3A_204 = arith.andi %and3A, %and3A_203 : vector<16xi1>
      %jit3A_205 = arith.constant -1.000000e+30 : f32
      %broadcast_in_dim3A_206 = vector.broadcast %jit3A_205 : f32 to vector<16xf32>
      %select_n3A_207 = arith.select %and3A_204, %get3A_191, %broadcast_in_dim3A_206 : vector<16xi1>, vector<16xf32>
      %mul3A_208 = arith.constant 16 : i32
      %mul3A_209 = arith.muli %add3A_188, %mul3A_208 : i32
      %swap3A_210 = arith.index_cast %mul3A_209 : i32 to index
      %swap3A_211 = tpu.vector_load %arg12[%swap3A_210] {strides = array<i32>} : memref<10752xf32, #tpu.memory_space<vmem>>, vector<16xf32>,
      tpu.vector_store %arg12[%swap3A_210], %select_n3A_207 {strides = array<i32>} : memref<10752xf32, #tpu.memory_space<vmem>>, vector<16xf32>,
      %eq3A_212 = arith.constant 0 : i32
      %eq3A_213 = vector.broadcast %eq3A_212 : i32 to vector<16xi32>
      %eq3A_214 = arith.cmpi eq, %iota3A, %eq3A_213 : vector<16xi32>
      %reduce_max3A_215 = arith.constant true
      %reduce_max3A_216 = vector.broadcast %reduce_max3A_215 : i1 to vector<16xi1>
      %reduce_max3A_217 = tpu.scan <max>, %select_n3A_207 masked %reduce_max3A_216 : vector<16xf32>, vector<16xi1> -> vector<16xf32>
      %reduce_max3A_218 = vector.extract %reduce_max3A_217[15] : f32 from vector<16xf32>
      %broadcast_in_dim3A_219 = vector.broadcast %reduce_max3A_218 : f32 to vector<16xf32>
      %select_n3A_220 = arith.select %eq3A_214, %broadcast_in_dim3A_219, %broadcast_in_dim3A_4 : vector<16xi1>, vector<16xf32>
      %mul3A_221 = arith.constant 16 : i32
      %mul3A_222 = arith.muli %scan3A_181, %mul3A_221 : i32
      %add3A_223 = arith.constant 1 : i32
      %add3A_224 = arith.addi %mul3A_222, %add3A_223 : i32
      %mul3A_225 = arith.constant 16 : i32
      %mul3A_226 = arith.muli %add3A_224, %mul3A_225 : i32
      %get3A_227 = arith.index_cast %mul3A_226 : i32 to index
      %get3A_228 = tpu.vector_load %arg12[%get3A_227] {strides = array<i32>} : memref<10752xf32, #tpu.memory_space<vmem>>, vector<16xf32>,
      %mul3A_229 = arith.constant 16 : i32
      %mul3A_230 = arith.muli %add3A_224, %mul3A_229 : i32
      %add3A_231 = vector.broadcast %mul3A_230 : i32 to vector<16xi32>
      %add3A_232 = arith.addi %add3A_231, %iota3A : vector<16xi32>
      %gt3A_233 = arith.constant 3.000000e-01 : f32
      %gt3A_234 = vector.broadcast %gt3A_233 : f32 to vector<16xf32>
      %gt3A_235 = arith.cmpf ogt, %get3A_228, %gt3A_234 : vector<16xf32>
      %lt3A_236 = arith.constant 10647 : i32
      %lt3A_237 = vector.broadcast %lt3A_236 : i32 to vector<16xi32>
      %lt3A_238 = arith.cmpi slt, %add3A_232, %lt3A_237 : vector<16xi32>
      %and3A_239 = arith.andi %gt3A_235, %lt3A_238 : vector<16xi1>
      %lt3A_240 = arith.constant 16 : i32
      %lt3A_241 = arith.cmpi slt, %add3A, %lt3A_240 : i32
      %and3A_242 = vector.broadcast %lt3A_241 : i1 to vector<16xi1>
      %and3A_243 = arith.andi %and3A_239, %and3A_242 : vector<16xi1>
      %jit3A_244 = arith.constant -1.000000e+30 : f32
      %broadcast_in_dim3A_245 = vector.broadcast %jit3A_244 : f32 to vector<16xf32>
      %select_n3A_246 = arith.select %and3A_243, %get3A_228, %broadcast_in_dim3A_245 : vector<16xi1>, vector<16xf32>
      %mul3A_247 = arith.constant 16 : i32
      %mul3A_248 = arith.muli %add3A_224, %mul3A_247 : i32
      %swap3A_249 = arith.index_cast %mul3A_248 : i32 to index
      %swap3A_250 = tpu.vector_load %arg12[%swap3A_249] {strides = array<i32>} : memref<10752xf32, #tpu.memory_space<vmem>>, vector<16xf32>,
      tpu.vector_store %arg12[%swap3A_249], %select_n3A_246 {strides = array<i32>} : memref<10752xf32, #tpu.memory_space<vmem>>, vector<16xf32>,
      %eq3A_251 = arith.constant 1 : i32
      %eq3A_252 = vector.broadcast %eq3A_251 : i32 to vector<16xi32>
      %eq3A_253 = arith.cmpi eq, %iota3A, %eq3A_252 : vector<16xi32>
      %reduce_max3A_254 = arith.constant true
      %reduce_max3A_255 = vector.broadcast %reduce_max3A_254 : i1 to vector<16xi1>
      %reduce_max3A_256 = tpu.scan <max>, %select_n3A_246 masked %reduce_max3A_255 : vector<16xf32>, vector<16xi1> -> vector<16xf32>
      %reduce_max3A_257 = vector.extract %reduce_max3A_256[15] : f32 from vector<16xf32>
      %broadcast_in_dim3A_258 = vector.broadcast %reduce_max3A_257 : f32 to vector<16xf32>
      %select_n3A_259 = arith.select %eq3A_253, %broadcast_in_dim3A_258, %select_n3A_220 : vector<16xi1>, vector<16xf32>
      %mul3A_260 = arith.constant 16 : i32
      %mul3A_261 = arith.muli %scan3A_181, %mul3A_260 : i32
      %add3A_262 = arith.constant 2 : i32
      %add3A_263 = arith.addi %mul3A_261, %add3A_262 : i32
      %mul3A_264 = arith.constant 16 : i32
      %mul3A_265 = arith.muli %add3A_263, %mul3A_264 : i32
      %get3A_266 = arith.index_cast %mul3A_265 : i32 to index
      %get3A_267 = tpu.vector_load %arg12[%get3A_266] {strides = array<i32>} : memref<10752xf32, #tpu.memory_space<vmem>>, vector<16xf32>,
      %mul3A_268 = arith.constant 16 : i32
      %mul3A_269 = arith.muli %add3A_263, %mul3A_268 : i32
      %add3A_270 = vector.broadcast %mul3A_269 : i32 to vector<16xi32>
      %add3A_271 = arith.addi %add3A_270, %iota3A : vector<16xi32>
      %gt3A_272 = arith.constant 3.000000e-01 : f32
      %gt3A_273 = vector.broadcast %gt3A_272 : f32 to vector<16xf32>
      %gt3A_274 = arith.cmpf ogt, %get3A_267, %gt3A_273 : vector<16xf32>
      %lt3A_275 = arith.constant 10647 : i32
      %lt3A_276 = vector.broadcast %lt3A_275 : i32 to vector<16xi32>
      %lt3A_277 = arith.cmpi slt, %add3A_271, %lt3A_276 : vector<16xi32>
      %and3A_278 = arith.andi %gt3A_274, %lt3A_277 : vector<16xi1>
      %lt3A_279 = arith.constant 16 : i32
      %lt3A_280 = arith.cmpi slt, %add3A, %lt3A_279 : i32
      %and3A_281 = vector.broadcast %lt3A_280 : i1 to vector<16xi1>
      %and3A_282 = arith.andi %and3A_278, %and3A_281 : vector<16xi1>
      %jit3A_283 = arith.constant -1.000000e+30 : f32
      %broadcast_in_dim3A_284 = vector.broadcast %jit3A_283 : f32 to vector<16xf32>
      %select_n3A_285 = arith.select %and3A_282, %get3A_267, %broadcast_in_dim3A_284 : vector<16xi1>, vector<16xf32>
      %mul3A_286 = arith.constant 16 : i32
      %mul3A_287 = arith.muli %add3A_263, %mul3A_286 : i32
      %swap3A_288 = arith.index_cast %mul3A_287 : i32 to index
      %swap3A_289 = tpu.vector_load %arg12[%swap3A_288] {strides = array<i32>} : memref<10752xf32, #tpu.memory_space<vmem>>, vector<16xf32>,
      tpu.vector_store %arg12[%swap3A_288], %select_n3A_285 {strides = array<i32>} : memref<10752xf32, #tpu.memory_space<vmem>>, vector<16xf32>,
      %eq3A_290 = arith.constant 2 : i32
      %eq3A_291 = vector.broadcast %eq3A_290 : i32 to vector<16xi32>
      %eq3A_292 = arith.cmpi eq, %iota3A, %eq3A_291 : vector<16xi32>
      %reduce_max3A_293 = arith.constant true
      %reduce_max3A_294 = vector.broadcast %reduce_max3A_293 : i1 to vector<16xi1>
      %reduce_max3A_295 = tpu.scan <max>, %select_n3A_285 masked %reduce_max3A_294 : vector<16xf32>, vector<16xi1> -> vector<16xf32>
      %reduce_max3A_296 = vector.extract %reduce_max3A_295[15] : f32 from vector<16xf32>
      %broadcast_in_dim3A_297 = vector.broadcast %reduce_max3A_296 : f32 to vector<16xf32>
      %select_n3A_298 = arith.select %eq3A_292, %broadcast_in_dim3A_297, %select_n3A_259 : vector<16xi1>, vector<16xf32>
      %mul3A_299 = arith.constant 16 : i32
      %mul3A_300 = arith.muli %scan3A_181, %mul3A_299 : i32
      %add3A_301 = arith.constant 3 : i32
      %add3A_302 = arith.addi %mul3A_300, %add3A_301 : i32
      %mul3A_303 = arith.constant 16 : i32
      %mul3A_304 = arith.muli %add3A_302, %mul3A_303 : i32
      %get3A_305 = arith.index_cast %mul3A_304 : i32 to index
      %get3A_306 = tpu.vector_load %arg12[%get3A_305] {strides = array<i32>} : memref<10752xf32, #tpu.memory_space<vmem>>, vector<16xf32>,
      %mul3A_307 = arith.constant 16 : i32
      %mul3A_308 = arith.muli %add3A_302, %mul3A_307 : i32
      %add3A_309 = vector.broadcast %mul3A_308 : i32 to vector<16xi32>
      %add3A_310 = arith.addi %add3A_309, %iota3A : vector<16xi32>
      %gt3A_311 = arith.constant 3.000000e-01 : f32
      %gt3A_312 = vector.broadcast %gt3A_311 : f32 to vector<16xf32>
      %gt3A_313 = arith.cmpf ogt, %get3A_306, %gt3A_312 : vector<16xf32>
      %lt3A_314 = arith.constant 10647 : i32
      %lt3A_315 = vector.broadcast %lt3A_314 : i32 to vector<16xi32>
      %lt3A_316 = arith.cmpi slt, %add3A_310, %lt3A_315 : vector<16xi32>
      %and3A_317 = arith.andi %gt3A_313, %lt3A_316 : vector<16xi1>
      %lt3A_318 = arith.constant 16 : i32
      %lt3A_319 = arith.cmpi slt, %add3A, %lt3A_318 : i32
      %and3A_320 = vector.broadcast %lt3A_319 : i1 to vector<16xi1>
      %and3A_321 = arith.andi %and3A_317, %and3A_320 : vector<16xi1>
      %jit3A_322 = arith.constant -1.000000e+30 : f32
      %broadcast_in_dim3A_323 = vector.broadcast %jit3A_322 : f32 to vector<16xf32>
      %select_n3A_324 = arith.select %and3A_321, %get3A_306, %broadcast_in_dim3A_323 : vector<16xi1>, vector<16xf32>
      %mul3A_325 = arith.constant 16 : i32
      %mul3A_326 = arith.muli %add3A_302, %mul3A_325 : i32
      %swap3A_327 = arith.index_cast %mul3A_326 : i32 to index
      %swap3A_328 = tpu.vector_load %arg12[%swap3A_327] {strides = array<i32>} : memref<10752xf32, #tpu.memory_space<vmem>>, vector<16xf32>,
      tpu.vector_store %arg12[%swap3A_327], %select_n3A_324 {strides = array<i32>} : memref<10752xf32, #tpu.memory_space<vmem>>, vector<16xf32>,
      %eq3A_329 = arith.constant 3 : i32
      %eq3A_330 = vector.broadcast %eq3A_329 : i32 to vector<16xi32>
      %eq3A_331 = arith.cmpi eq, %iota3A, %eq3A_330 : vector<16xi32>
      %reduce_max3A_332 = arith.constant true
      %reduce_max3A_333 = vector.broadcast %reduce_max3A_332 : i1 to vector<16xi1>
      %reduce_max3A_334 = tpu.scan <max>, %select_n3A_324 masked %reduce_max3A_333 : vector<16xf32>, vector<16xi1> -> vector<16xf32>
      %reduce_max3A_335 = vector.extract %reduce_max3A_334[15] : f32 from vector<16xf32>
      %broadcast_in_dim3A_336 = vector.broadcast %reduce_max3A_335 : f32 to vector<16xf32>
      %select_n3A_337 = arith.select %eq3A_331, %broadcast_in_dim3A_336, %select_n3A_298 : vector<16xi1>, vector<16xf32>
      %mul3A_338 = arith.constant 16 : i32
      %mul3A_339 = arith.muli %scan3A_181, %mul3A_338 : i32
      %add3A_340 = arith.constant 4 : i32
      %add3A_341 = arith.addi %mul3A_339, %add3A_340 : i32
      %mul3A_342 = arith.constant 16 : i32
      %mul3A_343 = arith.muli %add3A_341, %mul3A_342 : i32
      %get3A_344 = arith.index_cast %mul3A_343 : i32 to index
      %get3A_345 = tpu.vector_load %arg12[%get3A_344] {strides = array<i32>} : memref<10752xf32, #tpu.memory_space<vmem>>, vector<16xf32>,
      %mul3A_346 = arith.constant 16 : i32
      %mul3A_347 = arith.muli %add3A_341, %mul3A_346 : i32
      %add3A_348 = vector.broadcast %mul3A_347 : i32 to vector<16xi32>
      %add3A_349 = arith.addi %add3A_348, %iota3A : vector<16xi32>
      %gt3A_350 = arith.constant 3.000000e-01 : f32
      %gt3A_351 = vector.broadcast %gt3A_350 : f32 to vector<16xf32>
      %gt3A_352 = arith.cmpf ogt, %get3A_345, %gt3A_351 : vector<16xf32>
      %lt3A_353 = arith.constant 10647 : i32
      %lt3A_354 = vector.broadcast %lt3A_353 : i32 to vector<16xi32>
      %lt3A_355 = arith.cmpi slt, %add3A_349, %lt3A_354 : vector<16xi32>
      %and3A_356 = arith.andi %gt3A_352, %lt3A_355 : vector<16xi1>
      %lt3A_357 = arith.constant 16 : i32
      %lt3A_358 = arith.cmpi slt, %add3A, %lt3A_357 : i32
      %and3A_359 = vector.broadcast %lt3A_358 : i1 to vector<16xi1>
      %and3A_360 = arith.andi %and3A_356, %and3A_359 : vector<16xi1>
      %jit3A_361 = arith.constant -1.000000e+30 : f32
      %broadcast_in_dim3A_362 = vector.broadcast %jit3A_361 : f32 to vector<16xf32>
      %select_n3A_363 = arith.select %and3A_360, %get3A_345, %broadcast_in_dim3A_362 : vector<16xi1>, vector<16xf32>
      %mul3A_364 = arith.constant 16 : i32
      %mul3A_365 = arith.muli %add3A_341, %mul3A_364 : i32
      %swap3A_366 = arith.index_cast %mul3A_365 : i32 to index
      %swap3A_367 = tpu.vector_load %arg12[%swap3A_366] {strides = array<i32>} : memref<10752xf32, #tpu.memory_space<vmem>>, vector<16xf32>,
      tpu.vector_store %arg12[%swap3A_366], %select_n3A_363 {strides = array<i32>} : memref<10752xf32, #tpu.memory_space<vmem>>, vector<16xf32>,
      %eq3A_368 = arith.constant 4 : i32
      %eq3A_369 = vector.broadcast %eq3A_368 : i32 to vector<16xi32>
      %eq3A_370 = arith.cmpi eq, %iota3A, %eq3A_369 : vector<16xi32>
      %reduce_max3A_371 = arith.constant true
      %reduce_max3A_372 = vector.broadcast %reduce_max3A_371 : i1 to vector<16xi1>
      %reduce_max3A_373 = tpu.scan <max>, %select_n3A_363 masked %reduce_max3A_372 : vector<16xf32>, vector<16xi1> -> vector<16xf32>
      %reduce_max3A_374 = vector.extract %reduce_max3A_373[15] : f32 from vector<16xf32>
      %broadcast_in_dim3A_375 = vector.broadcast %reduce_max3A_374 : f32 to vector<16xf32>
      %select_n3A_376 = arith.select %eq3A_370, %broadcast_in_dim3A_375, %select_n3A_337 : vector<16xi1>, vector<16xf32>
      %mul3A_377 = arith.constant 16 : i32
      %mul3A_378 = arith.muli %scan3A_181, %mul3A_377 : i32
      %add3A_379 = arith.constant 5 : i32
      %add3A_380 = arith.addi %mul3A_378, %add3A_379 : i32
      %mul3A_381 = arith.constant 16 : i32
      %mul3A_382 = arith.muli %add3A_380, %mul3A_381 : i32
      %get3A_383 = arith.index_cast %mul3A_382 : i32 to index
      %get3A_384 = tpu.vector_load %arg12[%get3A_383] {strides = array<i32>} : memref<10752xf32, #tpu.memory_space<vmem>>, vector<16xf32>,
      %mul3A_385 = arith.constant 16 : i32
      %mul3A_386 = arith.muli %add3A_380, %mul3A_385 : i32
      %add3A_387 = vector.broadcast %mul3A_386 : i32 to vector<16xi32>
      %add3A_388 = arith.addi %add3A_387, %iota3A : vector<16xi32>
      %gt3A_389 = arith.constant 3.000000e-01 : f32
      %gt3A_390 = vector.broadcast %gt3A_389 : f32 to vector<16xf32>
      %gt3A_391 = arith.cmpf ogt, %get3A_384, %gt3A_390 : vector<16xf32>
      %lt3A_392 = arith.constant 10647 : i32
      %lt3A_393 = vector.broadcast %lt3A_392 : i32 to vector<16xi32>
      %lt3A_394 = arith.cmpi slt, %add3A_388, %lt3A_393 : vector<16xi32>
      %and3A_395 = arith.andi %gt3A_391, %lt3A_394 : vector<16xi1>
      %lt3A_396 = arith.constant 16 : i32
      %lt3A_397 = arith.cmpi slt, %add3A, %lt3A_396 : i32
      %and3A_398 = vector.broadcast %lt3A_397 : i1 to vector<16xi1>
      %and3A_399 = arith.andi %and3A_395, %and3A_398 : vector<16xi1>
      %jit3A_400 = arith.constant -1.000000e+30 : f32
      %broadcast_in_dim3A_401 = vector.broadcast %jit3A_400 : f32 to vector<16xf32>
      %select_n3A_402 = arith.select %and3A_399, %get3A_384, %broadcast_in_dim3A_401 : vector<16xi1>, vector<16xf32>
      %mul3A_403 = arith.constant 16 : i32
      %mul3A_404 = arith.muli %add3A_380, %mul3A_403 : i32
      %swap3A_405 = arith.index_cast %mul3A_404 : i32 to index
      %swap3A_406 = tpu.vector_load %arg12[%swap3A_405] {strides = array<i32>} : memref<10752xf32, #tpu.memory_space<vmem>>, vector<16xf32>,
      tpu.vector_store %arg12[%swap3A_405], %select_n3A_402 {strides = array<i32>} : memref<10752xf32, #tpu.memory_space<vmem>>, vector<16xf32>,
      %eq3A_407 = arith.constant 5 : i32
      %eq3A_408 = vector.broadcast %eq3A_407 : i32 to vector<16xi32>
      %eq3A_409 = arith.cmpi eq, %iota3A, %eq3A_408 : vector<16xi32>
      %reduce_max3A_410 = arith.constant true
      %reduce_max3A_411 = vector.broadcast %reduce_max3A_410 : i1 to vector<16xi1>
      %reduce_max3A_412 = tpu.scan <max>, %select_n3A_402 masked %reduce_max3A_411 : vector<16xf32>, vector<16xi1> -> vector<16xf32>
      %reduce_max3A_413 = vector.extract %reduce_max3A_412[15] : f32 from vector<16xf32>
      %broadcast_in_dim3A_414 = vector.broadcast %reduce_max3A_413 : f32 to vector<16xf32>
      %select_n3A_415 = arith.select %eq3A_409, %broadcast_in_dim3A_414, %select_n3A_376 : vector<16xi1>, vector<16xf32>
      %mul3A_416 = arith.constant 16 : i32
      %mul3A_417 = arith.muli %scan3A_181, %mul3A_416 : i32
      %add3A_418 = arith.constant 6 : i32
      %add3A_419 = arith.addi %mul3A_417, %add3A_418 : i32
      %mul3A_420 = arith.constant 16 : i32
      %mul3A_421 = arith.muli %add3A_419, %mul3A_420 : i32
      %get3A_422 = arith.index_cast %mul3A_421 : i32 to index
      %get3A_423 = tpu.vector_load %arg12[%get3A_422] {strides = array<i32>} : memref<10752xf32, #tpu.memory_space<vmem>>, vector<16xf32>,
      %mul3A_424 = arith.constant 16 : i32
      %mul3A_425 = arith.muli %add3A_419, %mul3A_424 : i32
      %add3A_426 = vector.broadcast %mul3A_425 : i32 to vector<16xi32>
      %add3A_427 = arith.addi %add3A_426, %iota3A : vector<16xi32>
      %gt3A_428 = arith.constant 3.000000e-01 : f32
      %gt3A_429 = vector.broadcast %gt3A_428 : f32 to vector<16xf32>
      %gt3A_430 = arith.cmpf ogt, %get3A_423, %gt3A_429 : vector<16xf32>
      %lt3A_431 = arith.constant 10647 : i32
      %lt3A_432 = vector.broadcast %lt3A_431 : i32 to vector<16xi32>
      %lt3A_433 = arith.cmpi slt, %add3A_427, %lt3A_432 : vector<16xi32>
      %and3A_434 = arith.andi %gt3A_430, %lt3A_433 : vector<16xi1>
      %lt3A_435 = arith.constant 16 : i32
      %lt3A_436 = arith.cmpi slt, %add3A, %lt3A_435 : i32
      %and3A_437 = vector.broadcast %lt3A_436 : i1 to vector<16xi1>
      %and3A_438 = arith.andi %and3A_434, %and3A_437 : vector<16xi1>
      %jit3A_439 = arith.constant -1.000000e+30 : f32
      %broadcast_in_dim3A_440 = vector.broadcast %jit3A_439 : f32 to vector<16xf32>
      %select_n3A_441 = arith.select %and3A_438, %get3A_423, %broadcast_in_dim3A_440 : vector<16xi1>, vector<16xf32>
      %mul3A_442 = arith.constant 16 : i32
      %mul3A_443 = arith.muli %add3A_419, %mul3A_442 : i32
      %swap3A_444 = arith.index_cast %mul3A_443 : i32 to index
      %swap3A_445 = tpu.vector_load %arg12[%swap3A_444] {strides = array<i32>} : memref<10752xf32, #tpu.memory_space<vmem>>, vector<16xf32>,
      tpu.vector_store %arg12[%swap3A_444], %select_n3A_441 {strides = array<i32>} : memref<10752xf32, #tpu.memory_space<vmem>>, vector<16xf32>,
      %eq3A_446 = arith.constant 6 : i32
      %eq3A_447 = vector.broadcast %eq3A_446 : i32 to vector<16xi32>
      %eq3A_448 = arith.cmpi eq, %iota3A, %eq3A_447 : vector<16xi32>
      %reduce_max3A_449 = arith.constant true
      %reduce_max3A_450 = vector.broadcast %reduce_max3A_449 : i1 to vector<16xi1>
      %reduce_max3A_451 = tpu.scan <max>, %select_n3A_441 masked %reduce_max3A_450 : vector<16xf32>, vector<16xi1> -> vector<16xf32>
      %reduce_max3A_452 = vector.extract %reduce_max3A_451[15] : f32 from vector<16xf32>
      %broadcast_in_dim3A_453 = vector.broadcast %reduce_max3A_452 : f32 to vector<16xf32>
      %select_n3A_454 = arith.select %eq3A_448, %broadcast_in_dim3A_453, %select_n3A_415 : vector<16xi1>, vector<16xf32>
      %mul3A_455 = arith.constant 16 : i32
      %mul3A_456 = arith.muli %scan3A_181, %mul3A_455 : i32
      %add3A_457 = arith.constant 7 : i32
      %add3A_458 = arith.addi %mul3A_456, %add3A_457 : i32
      %mul3A_459 = arith.constant 16 : i32
      %mul3A_460 = arith.muli %add3A_458, %mul3A_459 : i32
      %get3A_461 = arith.index_cast %mul3A_460 : i32 to index
      %get3A_462 = tpu.vector_load %arg12[%get3A_461] {strides = array<i32>} : memref<10752xf32, #tpu.memory_space<vmem>>, vector<16xf32>,
      %mul3A_463 = arith.constant 16 : i32
      %mul3A_464 = arith.muli %add3A_458, %mul3A_463 : i32
      %add3A_465 = vector.broadcast %mul3A_464 : i32 to vector<16xi32>
      %add3A_466 = arith.addi %add3A_465, %iota3A : vector<16xi32>
      %gt3A_467 = arith.constant 3.000000e-01 : f32
      %gt3A_468 = vector.broadcast %gt3A_467 : f32 to vector<16xf32>
      %gt3A_469 = arith.cmpf ogt, %get3A_462, %gt3A_468 : vector<16xf32>
      %lt3A_470 = arith.constant 10647 : i32
      %lt3A_471 = vector.broadcast %lt3A_470 : i32 to vector<16xi32>
      %lt3A_472 = arith.cmpi slt, %add3A_466, %lt3A_471 : vector<16xi32>
      %and3A_473 = arith.andi %gt3A_469, %lt3A_472 : vector<16xi1>
      %lt3A_474 = arith.constant 16 : i32
      %lt3A_475 = arith.cmpi slt, %add3A, %lt3A_474 : i32
      %and3A_476 = vector.broadcast %lt3A_475 : i1 to vector<16xi1>
      %and3A_477 = arith.andi %and3A_473, %and3A_476 : vector<16xi1>
      %jit3A_478 = arith.constant -1.000000e+30 : f32
      %broadcast_in_dim3A_479 = vector.broadcast %jit3A_478 : f32 to vector<16xf32>
      %select_n3A_480 = arith.select %and3A_477, %get3A_462, %broadcast_in_dim3A_479 : vector<16xi1>, vector<16xf32>
      %mul3A_481 = arith.constant 16 : i32
      %mul3A_482 = arith.muli %add3A_458, %mul3A_481 : i32
      %swap3A_483 = arith.index_cast %mul3A_482 : i32 to index
      %swap3A_484 = tpu.vector_load %arg12[%swap3A_483] {strides = array<i32>} : memref<10752xf32, #tpu.memory_space<vmem>>, vector<16xf32>,
      tpu.vector_store %arg12[%swap3A_483], %select_n3A_480 {strides = array<i32>} : memref<10752xf32, #tpu.memory_space<vmem>>, vector<16xf32>,
      %eq3A_485 = arith.constant 7 : i32
      %eq3A_486 = vector.broadcast %eq3A_485 : i32 to vector<16xi32>
      %eq3A_487 = arith.cmpi eq, %iota3A, %eq3A_486 : vector<16xi32>
      %reduce_max3A_488 = arith.constant true
      %reduce_max3A_489 = vector.broadcast %reduce_max3A_488 : i1 to vector<16xi1>
      %reduce_max3A_490 = tpu.scan <max>, %select_n3A_480 masked %reduce_max3A_489 : vector<16xf32>, vector<16xi1> -> vector<16xf32>
      %reduce_max3A_491 = vector.extract %reduce_max3A_490[15] : f32 from vector<16xf32>
      %broadcast_in_dim3A_492 = vector.broadcast %reduce_max3A_491 : f32 to vector<16xf32>
      %select_n3A_493 = arith.select %eq3A_487, %broadcast_in_dim3A_492, %select_n3A_454 : vector<16xi1>, vector<16xf32>
      %mul3A_494 = arith.constant 16 : i32
      %mul3A_495 = arith.muli %scan3A_181, %mul3A_494 : i32
      %add3A_496 = arith.constant 8 : i32
      %add3A_497 = arith.addi %mul3A_495, %add3A_496 : i32
      %mul3A_498 = arith.constant 16 : i32
      %mul3A_499 = arith.muli %add3A_497, %mul3A_498 : i32
      %get3A_500 = arith.index_cast %mul3A_499 : i32 to index
      %get3A_501 = tpu.vector_load %arg12[%get3A_500] {strides = array<i32>} : memref<10752xf32, #tpu.memory_space<vmem>>, vector<16xf32>,
      %mul3A_502 = arith.constant 16 : i32
      %mul3A_503 = arith.muli %add3A_497, %mul3A_502 : i32
      %add3A_504 = vector.broadcast %mul3A_503 : i32 to vector<16xi32>
      %add3A_505 = arith.addi %add3A_504, %iota3A : vector<16xi32>
      %gt3A_506 = arith.constant 3.000000e-01 : f32
      %gt3A_507 = vector.broadcast %gt3A_506 : f32 to vector<16xf32>
      %gt3A_508 = arith.cmpf ogt, %get3A_501, %gt3A_507 : vector<16xf32>
      %lt3A_509 = arith.constant 10647 : i32
      %lt3A_510 = vector.broadcast %lt3A_509 : i32 to vector<16xi32>
      %lt3A_511 = arith.cmpi slt, %add3A_505, %lt3A_510 : vector<16xi32>
      %and3A_512 = arith.andi %gt3A_508, %lt3A_511 : vector<16xi1>
      %lt3A_513 = arith.constant 16 : i32
      %lt3A_514 = arith.cmpi slt, %add3A, %lt3A_513 : i32
      %and3A_515 = vector.broadcast %lt3A_514 : i1 to vector<16xi1>
      %and3A_516 = arith.andi %and3A_512, %and3A_515 : vector<16xi1>
      %jit3A_517 = arith.constant -1.000000e+30 : f32
      %broadcast_in_dim3A_518 = vector.broadcast %jit3A_517 : f32 to vector<16xf32>
      %select_n3A_519 = arith.select %and3A_516, %get3A_501, %broadcast_in_dim3A_518 : vector<16xi1>, vector<16xf32>
      %mul3A_520 = arith.constant 16 : i32
      %mul3A_521 = arith.muli %add3A_497, %mul3A_520 : i32
      %swap3A_522 = arith.index_cast %mul3A_521 : i32 to index
      %swap3A_523 = tpu.vector_load %arg12[%swap3A_522] {strides = array<i32>} : memref<10752xf32, #tpu.memory_space<vmem>>, vector<16xf32>,
      tpu.vector_store %arg12[%swap3A_522], %select_n3A_519 {strides = array<i32>} : memref<10752xf32, #tpu.memory_space<vmem>>, vector<16xf32>,
      %eq3A_524 = arith.constant 8 : i32
      %eq3A_525 = vector.broadcast %eq3A_524 : i32 to vector<16xi32>
      %eq3A_526 = arith.cmpi eq, %iota3A, %eq3A_525 : vector<16xi32>
      %reduce_max3A_527 = arith.constant true
      %reduce_max3A_528 = vector.broadcast %reduce_max3A_527 : i1 to vector<16xi1>
      %reduce_max3A_529 = tpu.scan <max>, %select_n3A_519 masked %reduce_max3A_528 : vector<16xf32>, vector<16xi1> -> vector<16xf32>
      %reduce_max3A_530 = vector.extract %reduce_max3A_529[15] : f32 from vector<16xf32>
      %broadcast_in_dim3A_531 = vector.broadcast %reduce_max3A_530 : f32 to vector<16xf32>
      %select_n3A_532 = arith.select %eq3A_526, %broadcast_in_dim3A_531, %select_n3A_493 : vector<16xi1>, vector<16xf32>
      %mul3A_533 = arith.constant 16 : i32
      %mul3A_534 = arith.muli %scan3A_181, %mul3A_533 : i32
      %add3A_535 = arith.constant 9 : i32
      %add3A_536 = arith.addi %mul3A_534, %add3A_535 : i32
      %mul3A_537 = arith.constant 16 : i32
      %mul3A_538 = arith.muli %add3A_536, %mul3A_537 : i32
      %get3A_539 = arith.index_cast %mul3A_538 : i32 to index
      %get3A_540 = tpu.vector_load %arg12[%get3A_539] {strides = array<i32>} : memref<10752xf32, #tpu.memory_space<vmem>>, vector<16xf32>,
      %mul3A_541 = arith.constant 16 : i32
      %mul3A_542 = arith.muli %add3A_536, %mul3A_541 : i32
      %add3A_543 = vector.broadcast %mul3A_542 : i32 to vector<16xi32>
      %add3A_544 = arith.addi %add3A_543, %iota3A : vector<16xi32>
      %gt3A_545 = arith.constant 3.000000e-01 : f32
      %gt3A_546 = vector.broadcast %gt3A_545 : f32 to vector<16xf32>
      %gt3A_547 = arith.cmpf ogt, %get3A_540, %gt3A_546 : vector<16xf32>
      %lt3A_548 = arith.constant 10647 : i32
      %lt3A_549 = vector.broadcast %lt3A_548 : i32 to vector<16xi32>
      %lt3A_550 = arith.cmpi slt, %add3A_544, %lt3A_549 : vector<16xi32>
      %and3A_551 = arith.andi %gt3A_547, %lt3A_550 : vector<16xi1>
      %lt3A_552 = arith.constant 16 : i32
      %lt3A_553 = arith.cmpi slt, %add3A, %lt3A_552 : i32
      %and3A_554 = vector.broadcast %lt3A_553 : i1 to vector<16xi1>
      %and3A_555 = arith.andi %and3A_551, %and3A_554 : vector<16xi1>
      %jit3A_556 = arith.constant -1.000000e+30 : f32
      %broadcast_in_dim3A_557 = vector.broadcast %jit3A_556 : f32 to vector<16xf32>
      %select_n3A_558 = arith.select %and3A_555, %get3A_540, %broadcast_in_dim3A_557 : vector<16xi1>, vector<16xf32>
      %mul3A_559 = arith.constant 16 : i32
      %mul3A_560 = arith.muli %add3A_536, %mul3A_559 : i32
      %swap3A_561 = arith.index_cast %mul3A_560 : i32 to index
      %swap3A_562 = tpu.vector_load %arg12[%swap3A_561] {strides = array<i32>} : memref<10752xf32, #tpu.memory_space<vmem>>, vector<16xf32>,
      tpu.vector_store %arg12[%swap3A_561], %select_n3A_558 {strides = array<i32>} : memref<10752xf32, #tpu.memory_space<vmem>>, vector<16xf32>,
      %eq3A_563 = arith.constant 9 : i32
      %eq3A_564 = vector.broadcast %eq3A_563 : i32 to vector<16xi32>
      %eq3A_565 = arith.cmpi eq, %iota3A, %eq3A_564 : vector<16xi32>
      %reduce_max3A_566 = arith.constant true
      %reduce_max3A_567 = vector.broadcast %reduce_max3A_566 : i1 to vector<16xi1>
      %reduce_max3A_568 = tpu.scan <max>, %select_n3A_558 masked %reduce_max3A_567 : vector<16xf32>, vector<16xi1> -> vector<16xf32>
      %reduce_max3A_569 = vector.extract %reduce_max3A_568[15] : f32 from vector<16xf32>
      %broadcast_in_dim3A_570 = vector.broadcast %reduce_max3A_569 : f32 to vector<16xf32>
      %select_n3A_571 = arith.select %eq3A_565, %broadcast_in_dim3A_570, %select_n3A_532 : vector<16xi1>, vector<16xf32>
      %mul3A_572 = arith.constant 16 : i32
      %mul3A_573 = arith.muli %scan3A_181, %mul3A_572 : i32
      %add3A_574 = arith.constant 10 : i32
      %add3A_575 = arith.addi %mul3A_573, %add3A_574 : i32
      %mul3A_576 = arith.constant 16 : i32
      %mul3A_577 = arith.muli %add3A_575, %mul3A_576 : i32
      %get3A_578 = arith.index_cast %mul3A_577 : i32 to index
      %get3A_579 = tpu.vector_load %arg12[%get3A_578] {strides = array<i32>} : memref<10752xf32, #tpu.memory_space<vmem>>, vector<16xf32>,
      %mul3A_580 = arith.constant 16 : i32
      %mul3A_581 = arith.muli %add3A_575, %mul3A_580 : i32
      %add3A_582 = vector.broadcast %mul3A_581 : i32 to vector<16xi32>
      %add3A_583 = arith.addi %add3A_582, %iota3A : vector<16xi32>
      %gt3A_584 = arith.constant 3.000000e-01 : f32
      %gt3A_585 = vector.broadcast %gt3A_584 : f32 to vector<16xf32>
      %gt3A_586 = arith.cmpf ogt, %get3A_579, %gt3A_585 : vector<16xf32>
      %lt3A_587 = arith.constant 10647 : i32
      %lt3A_588 = vector.broadcast %lt3A_587 : i32 to vector<16xi32>
      %lt3A_589 = arith.cmpi slt, %add3A_583, %lt3A_588 : vector<16xi32>
      %and3A_590 = arith.andi %gt3A_586, %lt3A_589 : vector<16xi1>
      %lt3A_591 = arith.constant 16 : i32
      %lt3A_592 = arith.cmpi slt, %add3A, %lt3A_591 : i32
      %and3A_593 = vector.broadcast %lt3A_592 : i1 to vector<16xi1>
      %and3A_594 = arith.andi %and3A_590, %and3A_593 : vector<16xi1>
      %jit3A_595 = arith.constant -1.000000e+30 : f32
      %broadcast_in_dim3A_596 = vector.broadcast %jit3A_595 : f32 to vector<16xf32>
      %select_n3A_597 = arith.select %and3A_594, %get3A_579, %broadcast_in_dim3A_596 : vector<16xi1>, vector<16xf32>
      %mul3A_598 = arith.constant 16 : i32
      %mul3A_599 = arith.muli %add3A_575, %mul3A_598 : i32
      %swap3A_600 = arith.index_cast %mul3A_599 : i32 to index
      %swap3A_601 = tpu.vector_load %arg12[%swap3A_600] {strides = array<i32>} : memref<10752xf32, #tpu.memory_space<vmem>>, vector<16xf32>,
      tpu.vector_store %arg12[%swap3A_600], %select_n3A_597 {strides = array<i32>} : memref<10752xf32, #tpu.memory_space<vmem>>, vector<16xf32>,
      %eq3A_602 = arith.constant 10 : i32
      %eq3A_603 = vector.broadcast %eq3A_602 : i32 to vector<16xi32>
      %eq3A_604 = arith.cmpi eq, %iota3A, %eq3A_603 : vector<16xi32>
      %reduce_max3A_605 = arith.constant true
      %reduce_max3A_606 = vector.broadcast %reduce_max3A_605 : i1 to vector<16xi1>
      %reduce_max3A_607 = tpu.scan <max>, %select_n3A_597 masked %reduce_max3A_606 : vector<16xf32>, vector<16xi1> -> vector<16xf32>
      %reduce_max3A_608 = vector.extract %reduce_max3A_607[15] : f32 from vector<16xf32>
      %broadcast_in_dim3A_609 = vector.broadcast %reduce_max3A_608 : f32 to vector<16xf32>
      %select_n3A_610 = arith.select %eq3A_604, %broadcast_in_dim3A_609, %select_n3A_571 : vector<16xi1>, vector<16xf32>
      %mul3A_611 = arith.constant 16 : i32
      %mul3A_612 = arith.muli %scan3A_181, %mul3A_611 : i32
      %add3A_613 = arith.constant 11 : i32
      %add3A_614 = arith.addi %mul3A_612, %add3A_613 : i32
      %mul3A_615 = arith.constant 16 : i32
      %mul3A_616 = arith.muli %add3A_614, %mul3A_615 : i32
      %get3A_617 = arith.index_cast %mul3A_616 : i32 to index
      %get3A_618 = tpu.vector_load %arg12[%get3A_617] {strides = array<i32>} : memref<10752xf32, #tpu.memory_space<vmem>>, vector<16xf32>,
      %mul3A_619 = arith.constant 16 : i32
      %mul3A_620 = arith.muli %add3A_614, %mul3A_619 : i32
      %add3A_621 = vector.broadcast %mul3A_620 : i32 to vector<16xi32>
      %add3A_622 = arith.addi %add3A_621, %iota3A : vector<16xi32>
      %gt3A_623 = arith.constant 3.000000e-01 : f32
      %gt3A_624 = vector.broadcast %gt3A_623 : f32 to vector<16xf32>
      %gt3A_625 = arith.cmpf ogt, %get3A_618, %gt3A_624 : vector<16xf32>
      %lt3A_626 = arith.constant 10647 : i32
      %lt3A_627 = vector.broadcast %lt3A_626 : i32 to vector<16xi32>
      %lt3A_628 = arith.cmpi slt, %add3A_622, %lt3A_627 : vector<16xi32>
      %and3A_629 = arith.andi %gt3A_625, %lt3A_628 : vector<16xi1>
      %lt3A_630 = arith.constant 16 : i32
      %lt3A_631 = arith.cmpi slt, %add3A, %lt3A_630 : i32
      %and3A_632 = vector.broadcast %lt3A_631 : i1 to vector<16xi1>
      %and3A_633 = arith.andi %and3A_629, %and3A_632 : vector<16xi1>
      %jit3A_634 = arith.constant -1.000000e+30 : f32
      %broadcast_in_dim3A_635 = vector.broadcast %jit3A_634 : f32 to vector<16xf32>
      %select_n3A_636 = arith.select %and3A_633, %get3A_618, %broadcast_in_dim3A_635 : vector<16xi1>, vector<16xf32>
      %mul3A_637 = arith.constant 16 : i32
      %mul3A_638 = arith.muli %add3A_614, %mul3A_637 : i32
      %swap3A_639 = arith.index_cast %mul3A_638 : i32 to index
      %swap3A_640 = tpu.vector_load %arg12[%swap3A_639] {strides = array<i32>} : memref<10752xf32, #tpu.memory_space<vmem>>, vector<16xf32>,
      tpu.vector_store %arg12[%swap3A_639], %select_n3A_636 {strides = array<i32>} : memref<10752xf32, #tpu.memory_space<vmem>>, vector<16xf32>,
      %eq3A_641 = arith.constant 11 : i32
      %eq3A_642 = vector.broadcast %eq3A_641 : i32 to vector<16xi32>
      %eq3A_643 = arith.cmpi eq, %iota3A, %eq3A_642 : vector<16xi32>
      %reduce_max3A_644 = arith.constant true
      %reduce_max3A_645 = vector.broadcast %reduce_max3A_644 : i1 to vector<16xi1>
      %reduce_max3A_646 = tpu.scan <max>, %select_n3A_636 masked %reduce_max3A_645 : vector<16xf32>, vector<16xi1> -> vector<16xf32>
      %reduce_max3A_647 = vector.extract %reduce_max3A_646[15] : f32 from vector<16xf32>
      %broadcast_in_dim3A_648 = vector.broadcast %reduce_max3A_647 : f32 to vector<16xf32>
      %select_n3A_649 = arith.select %eq3A_643, %broadcast_in_dim3A_648, %select_n3A_610 : vector<16xi1>, vector<16xf32>
      %mul3A_650 = arith.constant 16 : i32
      %mul3A_651 = arith.muli %scan3A_181, %mul3A_650 : i32
      %add3A_652 = arith.constant 12 : i32
      %add3A_653 = arith.addi %mul3A_651, %add3A_652 : i32
      %mul3A_654 = arith.constant 16 : i32
      %mul3A_655 = arith.muli %add3A_653, %mul3A_654 : i32
      %get3A_656 = arith.index_cast %mul3A_655 : i32 to index
      %get3A_657 = tpu.vector_load %arg12[%get3A_656] {strides = array<i32>} : memref<10752xf32, #tpu.memory_space<vmem>>, vector<16xf32>,
      %mul3A_658 = arith.constant 16 : i32
      %mul3A_659 = arith.muli %add3A_653, %mul3A_658 : i32
      %add3A_660 = vector.broadcast %mul3A_659 : i32 to vector<16xi32>
      %add3A_661 = arith.addi %add3A_660, %iota3A : vector<16xi32>
      %gt3A_662 = arith.constant 3.000000e-01 : f32
      %gt3A_663 = vector.broadcast %gt3A_662 : f32 to vector<16xf32>
      %gt3A_664 = arith.cmpf ogt, %get3A_657, %gt3A_663 : vector<16xf32>
      %lt3A_665 = arith.constant 10647 : i32
      %lt3A_666 = vector.broadcast %lt3A_665 : i32 to vector<16xi32>
      %lt3A_667 = arith.cmpi slt, %add3A_661, %lt3A_666 : vector<16xi32>
      %and3A_668 = arith.andi %gt3A_664, %lt3A_667 : vector<16xi1>
      %lt3A_669 = arith.constant 16 : i32
      %lt3A_670 = arith.cmpi slt, %add3A, %lt3A_669 : i32
      %and3A_671 = vector.broadcast %lt3A_670 : i1 to vector<16xi1>
      %and3A_672 = arith.andi %and3A_668, %and3A_671 : vector<16xi1>
      %jit3A_673 = arith.constant -1.000000e+30 : f32
      %broadcast_in_dim3A_674 = vector.broadcast %jit3A_673 : f32 to vector<16xf32>
      %select_n3A_675 = arith.select %and3A_672, %get3A_657, %broadcast_in_dim3A_674 : vector<16xi1>, vector<16xf32>
      %mul3A_676 = arith.constant 16 : i32
      %mul3A_677 = arith.muli %add3A_653, %mul3A_676 : i32
      %swap3A_678 = arith.index_cast %mul3A_677 : i32 to index
      %swap3A_679 = tpu.vector_load %arg12[%swap3A_678] {strides = array<i32>} : memref<10752xf32, #tpu.memory_space<vmem>>, vector<16xf32>,
      tpu.vector_store %arg12[%swap3A_678], %select_n3A_675 {strides = array<i32>} : memref<10752xf32, #tpu.memory_space<vmem>>, vector<16xf32>,
      %eq3A_680 = arith.constant 12 : i32
      %eq3A_681 = vector.broadcast %eq3A_680 : i32 to vector<16xi32>
      %eq3A_682 = arith.cmpi eq, %iota3A, %eq3A_681 : vector<16xi32>
      %reduce_max3A_683 = arith.constant true
      %reduce_max3A_684 = vector.broadcast %reduce_max3A_683 : i1 to vector<16xi1>
      %reduce_max3A_685 = tpu.scan <max>, %select_n3A_675 masked %reduce_max3A_684 : vector<16xf32>, vector<16xi1> -> vector<16xf32>
      %reduce_max3A_686 = vector.extract %reduce_max3A_685[15] : f32 from vector<16xf32>
      %broadcast_in_dim3A_687 = vector.broadcast %reduce_max3A_686 : f32 to vector<16xf32>
      %select_n3A_688 = arith.select %eq3A_682, %broadcast_in_dim3A_687, %select_n3A_649 : vector<16xi1>, vector<16xf32>
      %mul3A_689 = arith.constant 16 : i32
      %mul3A_690 = arith.muli %scan3A_181, %mul3A_689 : i32
      %add3A_691 = arith.constant 13 : i32
      %add3A_692 = arith.addi %mul3A_690, %add3A_691 : i32
      %mul3A_693 = arith.constant 16 : i32
      %mul3A_694 = arith.muli %add3A_692, %mul3A_693 : i32
      %get3A_695 = arith.index_cast %mul3A_694 : i32 to index
      %get3A_696 = tpu.vector_load %arg12[%get3A_695] {strides = array<i32>} : memref<10752xf32, #tpu.memory_space<vmem>>, vector<16xf32>,
      %mul3A_697 = arith.constant 16 : i32
      %mul3A_698 = arith.muli %add3A_692, %mul3A_697 : i32
      %add3A_699 = vector.broadcast %mul3A_698 : i32 to vector<16xi32>
      %add3A_700 = arith.addi %add3A_699, %iota3A : vector<16xi32>
      %gt3A_701 = arith.constant 3.000000e-01 : f32
      %gt3A_702 = vector.broadcast %gt3A_701 : f32 to vector<16xf32>
      %gt3A_703 = arith.cmpf ogt, %get3A_696, %gt3A_702 : vector<16xf32>
      %lt3A_704 = arith.constant 10647 : i32
      %lt3A_705 = vector.broadcast %lt3A_704 : i32 to vector<16xi32>
      %lt3A_706 = arith.cmpi slt, %add3A_700, %lt3A_705 : vector<16xi32>
      %and3A_707 = arith.andi %gt3A_703, %lt3A_706 : vector<16xi1>
      %lt3A_708 = arith.constant 16 : i32
      %lt3A_709 = arith.cmpi slt, %add3A, %lt3A_708 : i32
      %and3A_710 = vector.broadcast %lt3A_709 : i1 to vector<16xi1>
      %and3A_711 = arith.andi %and3A_707, %and3A_710 : vector<16xi1>
      %jit3A_712 = arith.constant -1.000000e+30 : f32
      %broadcast_in_dim3A_713 = vector.broadcast %jit3A_712 : f32 to vector<16xf32>
      %select_n3A_714 = arith.select %and3A_711, %get3A_696, %broadcast_in_dim3A_713 : vector<16xi1>, vector<16xf32>
      %mul3A_715 = arith.constant 16 : i32
      %mul3A_716 = arith.muli %add3A_692, %mul3A_715 : i32
      %swap3A_717 = arith.index_cast %mul3A_716 : i32 to index
      %swap3A_718 = tpu.vector_load %arg12[%swap3A_717] {strides = array<i32>} : memref<10752xf32, #tpu.memory_space<vmem>>, vector<16xf32>,
      tpu.vector_store %arg12[%swap3A_717], %select_n3A_714 {strides = array<i32>} : memref<10752xf32, #tpu.memory_space<vmem>>, vector<16xf32>,
      %eq3A_719 = arith.constant 13 : i32
      %eq3A_720 = vector.broadcast %eq3A_719 : i32 to vector<16xi32>
      %eq3A_721 = arith.cmpi eq, %iota3A, %eq3A_720 : vector<16xi32>
      %reduce_max3A_722 = arith.constant true
      %reduce_max3A_723 = vector.broadcast %reduce_max3A_722 : i1 to vector<16xi1>
      %reduce_max3A_724 = tpu.scan <max>, %select_n3A_714 masked %reduce_max3A_723 : vector<16xf32>, vector<16xi1> -> vector<16xf32>
      %reduce_max3A_725 = vector.extract %reduce_max3A_724[15] : f32 from vector<16xf32>
      %broadcast_in_dim3A_726 = vector.broadcast %reduce_max3A_725 : f32 to vector<16xf32>
      %select_n3A_727 = arith.select %eq3A_721, %broadcast_in_dim3A_726, %select_n3A_688 : vector<16xi1>, vector<16xf32>
      %mul3A_728 = arith.constant 16 : i32
      %mul3A_729 = arith.muli %scan3A_181, %mul3A_728 : i32
      %add3A_730 = arith.constant 14 : i32
      %add3A_731 = arith.addi %mul3A_729, %add3A_730 : i32
      %mul3A_732 = arith.constant 16 : i32
      %mul3A_733 = arith.muli %add3A_731, %mul3A_732 : i32
      %get3A_734 = arith.index_cast %mul3A_733 : i32 to index
      %get3A_735 = tpu.vector_load %arg12[%get3A_734] {strides = array<i32>} : memref<10752xf32, #tpu.memory_space<vmem>>, vector<16xf32>,
      %mul3A_736 = arith.constant 16 : i32
      %mul3A_737 = arith.muli %add3A_731, %mul3A_736 : i32
      %add3A_738 = vector.broadcast %mul3A_737 : i32 to vector<16xi32>
      %add3A_739 = arith.addi %add3A_738, %iota3A : vector<16xi32>
      %gt3A_740 = arith.constant 3.000000e-01 : f32
      %gt3A_741 = vector.broadcast %gt3A_740 : f32 to vector<16xf32>
      %gt3A_742 = arith.cmpf ogt, %get3A_735, %gt3A_741 : vector<16xf32>
      %lt3A_743 = arith.constant 10647 : i32
      %lt3A_744 = vector.broadcast %lt3A_743 : i32 to vector<16xi32>
      %lt3A_745 = arith.cmpi slt, %add3A_739, %lt3A_744 : vector<16xi32>
      %and3A_746 = arith.andi %gt3A_742, %lt3A_745 : vector<16xi1>
      %lt3A_747 = arith.constant 16 : i32
      %lt3A_748 = arith.cmpi slt, %add3A, %lt3A_747 : i32
      %and3A_749 = vector.broadcast %lt3A_748 : i1 to vector<16xi1>
      %and3A_750 = arith.andi %and3A_746, %and3A_749 : vector<16xi1>
      %jit3A_751 = arith.constant -1.000000e+30 : f32
      %broadcast_in_dim3A_752 = vector.broadcast %jit3A_751 : f32 to vector<16xf32>
      %select_n3A_753 = arith.select %and3A_750, %get3A_735, %broadcast_in_dim3A_752 : vector<16xi1>, vector<16xf32>
      %mul3A_754 = arith.constant 16 : i32
      %mul3A_755 = arith.muli %add3A_731, %mul3A_754 : i32
      %swap3A_756 = arith.index_cast %mul3A_755 : i32 to index
      %swap3A_757 = tpu.vector_load %arg12[%swap3A_756] {strides = array<i32>} : memref<10752xf32, #tpu.memory_space<vmem>>, vector<16xf32>,
      tpu.vector_store %arg12[%swap3A_756], %select_n3A_753 {strides = array<i32>} : memref<10752xf32, #tpu.memory_space<vmem>>, vector<16xf32>,
      %eq3A_758 = arith.constant 14 : i32
      %eq3A_759 = vector.broadcast %eq3A_758 : i32 to vector<16xi32>
      %eq3A_760 = arith.cmpi eq, %iota3A, %eq3A_759 : vector<16xi32>
      %reduce_max3A_761 = arith.constant true
      %reduce_max3A_762 = vector.broadcast %reduce_max3A_761 : i1 to vector<16xi1>
      %reduce_max3A_763 = tpu.scan <max>, %select_n3A_753 masked %reduce_max3A_762 : vector<16xf32>, vector<16xi1> -> vector<16xf32>
      %reduce_max3A_764 = vector.extract %reduce_max3A_763[15] : f32 from vector<16xf32>
      %broadcast_in_dim3A_765 = vector.broadcast %reduce_max3A_764 : f32 to vector<16xf32>
      %select_n3A_766 = arith.select %eq3A_760, %broadcast_in_dim3A_765, %select_n3A_727 : vector<16xi1>, vector<16xf32>
      %mul3A_767 = arith.constant 16 : i32
      %mul3A_768 = arith.muli %scan3A_181, %mul3A_767 : i32
      %add3A_769 = arith.constant 15 : i32
      %add3A_770 = arith.addi %mul3A_768, %add3A_769 : i32
      %mul3A_771 = arith.constant 16 : i32
      %mul3A_772 = arith.muli %add3A_770, %mul3A_771 : i32
      %get3A_773 = arith.index_cast %mul3A_772 : i32 to index
      %get3A_774 = tpu.vector_load %arg12[%get3A_773] {strides = array<i32>} : memref<10752xf32, #tpu.memory_space<vmem>>, vector<16xf32>,
      %mul3A_775 = arith.constant 16 : i32
      %mul3A_776 = arith.muli %add3A_770, %mul3A_775 : i32
      %add3A_777 = vector.broadcast %mul3A_776 : i32 to vector<16xi32>
      %add3A_778 = arith.addi %add3A_777, %iota3A : vector<16xi32>
      %gt3A_779 = arith.constant 3.000000e-01 : f32
      %gt3A_780 = vector.broadcast %gt3A_779 : f32 to vector<16xf32>
      %gt3A_781 = arith.cmpf ogt, %get3A_774, %gt3A_780 : vector<16xf32>
      %lt3A_782 = arith.constant 10647 : i32
      %lt3A_783 = vector.broadcast %lt3A_782 : i32 to vector<16xi32>
      %lt3A_784 = arith.cmpi slt, %add3A_778, %lt3A_783 : vector<16xi32>
      %and3A_785 = arith.andi %gt3A_781, %lt3A_784 : vector<16xi1>
      %lt3A_786 = arith.constant 16 : i32
      %lt3A_787 = arith.cmpi slt, %add3A, %lt3A_786 : i32
      %and3A_788 = vector.broadcast %lt3A_787 : i1 to vector<16xi1>
      %and3A_789 = arith.andi %and3A_785, %and3A_788 : vector<16xi1>
      %jit3A_790 = arith.constant -1.000000e+30 : f32
      %broadcast_in_dim3A_791 = vector.broadcast %jit3A_790 : f32 to vector<16xf32>
      %select_n3A_792 = arith.select %and3A_789, %get3A_774, %broadcast_in_dim3A_791 : vector<16xi1>, vector<16xf32>
      %mul3A_793 = arith.constant 16 : i32
      %mul3A_794 = arith.muli %add3A_770, %mul3A_793 : i32
      %swap3A_795 = arith.index_cast %mul3A_794 : i32 to index
      %swap3A_796 = tpu.vector_load %arg12[%swap3A_795] {strides = array<i32>} : memref<10752xf32, #tpu.memory_space<vmem>>, vector<16xf32>,
      tpu.vector_store %arg12[%swap3A_795], %select_n3A_792 {strides = array<i32>} : memref<10752xf32, #tpu.memory_space<vmem>>, vector<16xf32>,
      %eq3A_797 = arith.constant 15 : i32
      %eq3A_798 = vector.broadcast %eq3A_797 : i32 to vector<16xi32>
      %eq3A_799 = arith.cmpi eq, %iota3A, %eq3A_798 : vector<16xi32>
      %reduce_max3A_800 = arith.constant true
      %reduce_max3A_801 = vector.broadcast %reduce_max3A_800 : i1 to vector<16xi1>
      %reduce_max3A_802 = tpu.scan <max>, %select_n3A_792 masked %reduce_max3A_801 : vector<16xf32>, vector<16xi1> -> vector<16xf32>
      %reduce_max3A_803 = vector.extract %reduce_max3A_802[15] : f32 from vector<16xf32>
      %broadcast_in_dim3A_804 = vector.broadcast %reduce_max3A_803 : f32 to vector<16xf32>
      %select_n3A_805 = arith.select %eq3A_799, %broadcast_in_dim3A_804, %select_n3A_766 : vector<16xi1>, vector<16xf32>
      %mul3A_806 = arith.constant 16 : i32
      %mul3A_807 = arith.muli %scan3A_181, %mul3A_806 : i32
      %swap3A_808 = arith.index_cast %mul3A_807 : i32 to index
      %swap3A_809 = tpu.vector_load %arg14[%swap3A_808] {strides = array<i32>} : memref<672xf32, #tpu.memory_space<vmem>>, vector<16xf32>,
      tpu.vector_store %arg14[%swap3A_808], %select_n3A_805 {strides = array<i32>} : memref<672xf32, #tpu.memory_space<vmem>>, vector<16xf32>,
      %reduce_max3A_810 = arith.constant true
      %reduce_max3A_811 = vector.broadcast %reduce_max3A_810 : i1 to vector<16xi1>
      %reduce_max3A_812 = tpu.scan <max>, %select_n3A_805 masked %reduce_max3A_811 : vector<16xf32>, vector<16xi1> -> vector<16xf32>
      %reduce_max3A_813 = vector.extract %reduce_max3A_812[15] : f32 from vector<16xf32>
      %lt3A_814 = arith.constant 16 : i32
      %lt3A_815 = arith.cmpi slt, %scan3A_181, %lt3A_814 : i32
      %eq3A_816 = vector.broadcast %scan3A_181 : i32 to vector<16xi32>
      %eq3A_817 = arith.cmpi eq, %iota3A, %eq3A_816 : vector<16xi32>
      %and3A_818 = vector.broadcast %lt3A_815 : i1 to vector<16xi1>
      %and3A_819 = arith.andi %and3A_818, %eq3A_817 : vector<16xi1>
      %broadcast_in_dim3A_820 = vector.broadcast %reduce_max3A_813 : f32 to vector<16xf32>
      %select_n3A_821 = arith.select %and3A_819, %broadcast_in_dim3A_820, %scan3A_182 : vector<16xi1>, vector<16xf32>
      %ge3A = arith.constant 16 : i32
      %ge3A_822 = arith.cmpi sge, %scan3A_181, %ge3A : i32
      %lt3A_823 = arith.constant 32 : i32
      %lt3A_824 = arith.cmpi slt, %scan3A_181, %lt3A_823 : i32
      %and3A_825 = arith.andi %ge3A_822, %lt3A_824 : i1
      %sub3A = arith.constant 16 : i32
      %sub3A_826 = arith.subi %scan3A_181, %sub3A : i32
      %eq3A_827 = vector.broadcast %sub3A_826 : i32 to vector<16xi32>
      %eq3A_828 = arith.cmpi eq, %iota3A, %eq3A_827 : vector<16xi32>
      %and3A_829 = vector.broadcast %and3A_825 : i1 to vector<16xi1>
      %and3A_830 = arith.andi %and3A_829, %eq3A_828 : vector<16xi1>
      %broadcast_in_dim3A_831 = vector.broadcast %reduce_max3A_813 : f32 to vector<16xf32>
      %select_n3A_832 = arith.select %and3A_830, %broadcast_in_dim3A_831, %scan3A_183 : vector<16xi1>, vector<16xf32>
      %ge3A_833 = arith.constant 32 : i32
      %ge3A_834 = arith.cmpi sge, %scan3A_181, %ge3A_833 : i32
      %sub3A_835 = arith.constant 32 : i32
      %sub3A_836 = arith.subi %scan3A_181, %sub3A_835 : i32
      %eq3A_837 = vector.broadcast %sub3A_836 : i32 to vector<16xi32>
      %eq3A_838 = arith.cmpi eq, %iota3A, %eq3A_837 : vector<16xi32>
      %and3A_839 = vector.broadcast %ge3A_834 : i1 to vector<16xi1>
      %and3A_840 = arith.andi %and3A_839, %eq3A_838 : vector<16xi1>
      %broadcast_in_dim3A_841 = vector.broadcast %reduce_max3A_813 : f32 to vector<16xf32>
      %select_n3A_842 = arith.select %and3A_840, %broadcast_in_dim3A_841, %scan3A_184 : vector<16xi1>, vector<16xf32>
      scf.yield %select_n3A_821, %select_n3A_832, %select_n3A_842 : vector<16xf32>, vector<16xf32>, vector<16xf32>
    }
    %scan3A_158 = arith.constant 42 : i32
    %reduce_max3A = arith.constant true
    %reduce_max3A_159 = vector.broadcast %reduce_max3A : i1 to vector<16xi1>
    %reduce_max3A_160 = tpu.scan <max>, %scan3A_157#0 masked %reduce_max3A_159 : vector<16xf32>, vector<16xi1> -> vector<16xf32>
    %reduce_max3A_161 = vector.extract %reduce_max3A_160[15] : f32 from vector<16xf32>
    %reduce_max3A_162 = arith.constant true
    %reduce_max3A_163 = vector.broadcast %reduce_max3A_162 : i1 to vector<16xi1>
    %reduce_max3A_164 = tpu.scan <max>, %scan3A_157#1 masked %reduce_max3A_163 : vector<16xf32>, vector<16xi1> -> vector<16xf32>
    %reduce_max3A_165 = vector.extract %reduce_max3A_164[15] : f32 from vector<16xf32>
    %max3A = arith.maximumf %reduce_max3A_161, %reduce_max3A_165 : f32
    %reduce_max3A_166 = arith.constant true
    %reduce_max3A_167 = vector.broadcast %reduce_max3A_166 : i1 to vector<16xi1>
    %reduce_max3A_168 = tpu.scan <max>, %scan3A_157#2 masked %reduce_max3A_167 : vector<16xf32>, vector<16xi1> -> vector<16xf32>
    %reduce_max3A_169 = vector.extract %reduce_max3A_168[15] : f32 from vector<16xf32>
    %max3A_170 = arith.maximumf %max3A, %reduce_max3A_169 : f32
    %while3A = arith.constant 0 : i32
    %while3A_171:5 = scf.while (%while3A_181 = %while3A, %while3A_182 = %scan3A_157#0, %while3A_183 = %scan3A_157#1, %while3A_184 = %scan3A_157#2, %while3A_185 = %max3A_170) : (i32, vector<16xf32>, vector<16xf32>, vector<16xf32>, f32) -> (i32, vector<16xf32>, vector<16xf32>, vector<16xf32>, f32) {
      %lt3A_186 = arith.constant 100 : i32
      %lt3A_187 = arith.cmpi slt, %while3A_181, %lt3A_186 : i32
      %gt3A = arith.constant 3.000000e-01 : f32
      %gt3A_188 = arith.cmpf ogt, %while3A_185, %gt3A : f32
      %and3A = arith.andi %lt3A_187, %gt3A_188 : i1
      scf.condition(%and3A) %while3A_181, %while3A_182, %while3A_183, %while3A_184, %while3A_185 : i32, vector<16xf32>, vector<16xf32>, vector<16xf32>, f32
    } do {
    ^bb0(%while3A_181: i32, %while3A_182: vector<16xf32>, %while3A_183: vector<16xf32>, %while3A_184: vector<16xf32>, %while3A_185: f32):
      %eq3A_186 = vector.broadcast %while3A_185 : f32 to vector<16xf32>
      %eq3A_187 = arith.cmpf oeq, %while3A_182, %eq3A_186 : vector<16xf32>
      %jit3A_188 = arith.constant 9999 : i32
      %broadcast_in_dim3A_189 = vector.broadcast %jit3A_188 : i32 to vector<16xi32>
      %select_n3A_190 = arith.select %eq3A_187, %iota3A, %broadcast_in_dim3A_189 : vector<16xi1>, vector<16xi32>
      %reduce_min3A = arith.constant true
      %reduce_min3A_191 = vector.broadcast %reduce_min3A : i1 to vector<16xi1>
      %reduce_min3A_192 = arith.constant -2147483648 : i32
      %reduce_min3A_193 = vector.broadcast %reduce_min3A_192 : i32 to vector<16xi32>
      %reduce_min3A_194 = arith.xori %select_n3A_190, %reduce_min3A_193 : vector<16xi32>
      %reduce_min3A_195 = tpu.scan <min>, %reduce_min3A_194 masked %reduce_min3A_191 : vector<16xi32>, vector<16xi1> -> vector<16xi32>
      %reduce_min3A_196 = arith.xori %reduce_min3A_195, %reduce_min3A_193 : vector<16xi32>
      %reduce_min3A_197 = vector.extract %reduce_min3A_196[15] : i32 from vector<16xi32>
      %eq3A_198 = vector.broadcast %while3A_185 : f32 to vector<16xf32>
      %eq3A_199 = arith.cmpf oeq, %while3A_183, %eq3A_198 : vector<16xf32>
      %add3A_200 = arith.constant 16 : i32
      %add3A_201 = vector.broadcast %add3A_200 : i32 to vector<16xi32>
      %add3A_202 = arith.addi %iota3A, %add3A_201 : vector<16xi32>
      %jit3A_203 = arith.constant 9999 : i32
      %broadcast_in_dim3A_204 = vector.broadcast %jit3A_203 : i32 to vector<16xi32>
      %select_n3A_205 = arith.select %eq3A_199, %add3A_202, %broadcast_in_dim3A_204 : vector<16xi1>, vector<16xi32>
      %reduce_min3A_206 = arith.constant true
      %reduce_min3A_207 = vector.broadcast %reduce_min3A_206 : i1 to vector<16xi1>
      %reduce_min3A_208 = arith.constant -2147483648 : i32
      %reduce_min3A_209 = vector.broadcast %reduce_min3A_208 : i32 to vector<16xi32>
      %reduce_min3A_210 = arith.xori %select_n3A_205, %reduce_min3A_209 : vector<16xi32>
      %reduce_min3A_211 = tpu.scan <min>, %reduce_min3A_210 masked %reduce_min3A_207 : vector<16xi32>, vector<16xi1> -> vector<16xi32>
      %reduce_min3A_212 = arith.xori %reduce_min3A_211, %reduce_min3A_209 : vector<16xi32>
      %reduce_min3A_213 = vector.extract %reduce_min3A_212[15] : i32 from vector<16xi32>
      %eq3A_214 = vector.broadcast %while3A_185 : f32 to vector<16xf32>
      %eq3A_215 = arith.cmpf oeq, %while3A_184, %eq3A_214 : vector<16xf32>
      %add3A_216 = arith.constant 32 : i32
      %add3A_217 = vector.broadcast %add3A_216 : i32 to vector<16xi32>
      %add3A_218 = arith.addi %iota3A, %add3A_217 : vector<16xi32>
      %jit3A_219 = arith.constant 9999 : i32
      %broadcast_in_dim3A_220 = vector.broadcast %jit3A_219 : i32 to vector<16xi32>
      %select_n3A_221 = arith.select %eq3A_215, %add3A_218, %broadcast_in_dim3A_220 : vector<16xi1>, vector<16xi32>
      %reduce_min3A_222 = arith.constant true
      %reduce_min3A_223 = vector.broadcast %reduce_min3A_222 : i1 to vector<16xi1>
      %reduce_min3A_224 = arith.constant -2147483648 : i32
      %reduce_min3A_225 = vector.broadcast %reduce_min3A_224 : i32 to vector<16xi32>
      %reduce_min3A_226 = arith.xori %select_n3A_221, %reduce_min3A_225 : vector<16xi32>
      %reduce_min3A_227 = tpu.scan <min>, %reduce_min3A_226 masked %reduce_min3A_223 : vector<16xi32>, vector<16xi1> -> vector<16xi32>
      %reduce_min3A_228 = arith.xori %reduce_min3A_227, %reduce_min3A_225 : vector<16xi32>
      %reduce_min3A_229 = vector.extract %reduce_min3A_228[15] : i32 from vector<16xi32>
      %min3A_230 = arith.minsi %reduce_min3A_197, %reduce_min3A_213 : i32
      %min3A_231 = arith.minsi %min3A_230, %reduce_min3A_229 : i32
      %mul3A_232 = arith.constant 16 : i32
      %mul3A_233 = arith.muli %min3A_231, %mul3A_232 : i32
      %get3A = arith.index_cast %mul3A_233 : i32 to index
      %get3A_234 = tpu.vector_load %arg14[%get3A] {strides = array<i32>} : memref<672xf32, #tpu.memory_space<vmem>>, vector<16xf32>,
      %eq3A_235 = vector.broadcast %while3A_185 : f32 to vector<16xf32>
      %eq3A_236 = arith.cmpf oeq, %get3A_234, %eq3A_235 : vector<16xf32>
      %jit3A_237 = arith.constant 9999 : i32
      %broadcast_in_dim3A_238 = vector.broadcast %jit3A_237 : i32 to vector<16xi32>
      %select_n3A_239 = arith.select %eq3A_236, %iota3A, %broadcast_in_dim3A_238 : vector<16xi1>, vector<16xi32>
      %reduce_min3A_240 = arith.constant true
      %reduce_min3A_241 = vector.broadcast %reduce_min3A_240 : i1 to vector<16xi1>
      %reduce_min3A_242 = arith.constant -2147483648 : i32
      %reduce_min3A_243 = vector.broadcast %reduce_min3A_242 : i32 to vector<16xi32>
      %reduce_min3A_244 = arith.xori %select_n3A_239, %reduce_min3A_243 : vector<16xi32>
      %reduce_min3A_245 = tpu.scan <min>, %reduce_min3A_244 masked %reduce_min3A_241 : vector<16xi32>, vector<16xi1> -> vector<16xi32>
      %reduce_min3A_246 = arith.xori %reduce_min3A_245, %reduce_min3A_243 : vector<16xi32>
      %reduce_min3A_247 = vector.extract %reduce_min3A_246[15] : i32 from vector<16xi32>
      %mul3A_248 = arith.constant 16 : i32
      %mul3A_249 = arith.muli %min3A_231, %mul3A_248 : i32
      %add3A_250 = arith.addi %mul3A_249, %reduce_min3A_247 : i32
      %mul3A_251 = arith.constant 16 : i32
      %mul3A_252 = arith.muli %add3A_250, %mul3A_251 : i32
      %get3A_253 = arith.index_cast %mul3A_252 : i32 to index
      %get3A_254 = tpu.vector_load %arg12[%get3A_253] {strides = array<i32>} : memref<10752xf32, #tpu.memory_space<vmem>>, vector<16xf32>,
      %eq3A_255 = vector.broadcast %while3A_185 : f32 to vector<16xf32>
      %eq3A_256 = arith.cmpf oeq, %get3A_254, %eq3A_255 : vector<16xf32>
      %jit3A_257 = arith.constant 9999 : i32
      %broadcast_in_dim3A_258 = vector.broadcast %jit3A_257 : i32 to vector<16xi32>
      %select_n3A_259 = arith.select %eq3A_256, %iota3A, %broadcast_in_dim3A_258 : vector<16xi1>, vector<16xi32>
      %reduce_min3A_260 = arith.constant true
      %reduce_min3A_261 = vector.broadcast %reduce_min3A_260 : i1 to vector<16xi1>
      %reduce_min3A_262 = arith.constant -2147483648 : i32
      %reduce_min3A_263 = vector.broadcast %reduce_min3A_262 : i32 to vector<16xi32>
      %reduce_min3A_264 = arith.xori %select_n3A_259, %reduce_min3A_263 : vector<16xi32>
      %reduce_min3A_265 = tpu.scan <min>, %reduce_min3A_264 masked %reduce_min3A_261 : vector<16xi32>, vector<16xi1> -> vector<16xi32>
      %reduce_min3A_266 = arith.xori %reduce_min3A_265, %reduce_min3A_263 : vector<16xi32>
      %reduce_min3A_267 = vector.extract %reduce_min3A_266[15] : i32 from vector<16xi32>
      %eq3A_268 = vector.broadcast %reduce_min3A_267 : i32 to vector<16xi32>
      %eq3A_269 = arith.cmpi eq, %iota3A, %eq3A_268 : vector<16xi32>
      %mul3A_270 = arith.constant 16 : i32
      %mul3A_271 = arith.muli %add3A_250, %mul3A_270 : i32
      %add3A_272 = arith.addi %mul3A_271, %reduce_min3A_267 : i32
      %mul3A_273 = arith.constant 4 : i32
      %mul3A_274 = arith.muli %add3A_272, %mul3A_273 : i32
      %ge3A = arith.constant 2535 : i32
      %ge3A_275 = arith.cmpi sge, %add3A_272, %ge3A : i32
      %ge3A_276 = arith.constant 507 : i32
      %ge3A_277 = arith.cmpi sge, %add3A_272, %ge3A_276 : i32
      %jit3A_278 = arith.constant 20 : i32
      %jit3A_279 = arith.constant 0 : i32
      %select_n3A_280 = arith.select %ge3A_277, %jit3A_278, %jit3A_279 : i32
      %jit3A_281 = arith.constant 100 : i32
      %select_n3A_282 = arith.select %ge3A_275, %jit3A_281, %select_n3A_280 : i32
      %add3A_283 = arith.addi %mul3A_274, %select_n3A_282 : i32
      %min3A_284 = arith.constant 3 : i32
      %min3A_285 = vector.broadcast %min3A_284 : i32 to vector<16xi32>
      %min3A_286 = arith.minsi %iota3A, %min3A_285 : vector<16xi32>
      %add3A_287 = vector.broadcast %add3A_283 : i32 to vector<16xi32>
      %add3A_288 = arith.addi %add3A_287, %min3A_286 : vector<16xi32>
      %gather3A = tpu.vector_load_idx %arg13[%add3A_288] : memref<42752xf32, #tpu.memory_space<vmem>>[vector<16xi32>], vector<16xf32>,
      %eq3A_289 = arith.constant 0 : i32
      %eq3A_290 = vector.broadcast %eq3A_289 : i32 to vector<16xi32>
      %eq3A_291 = arith.cmpi eq, %iota3A, %eq3A_290 : vector<16xi32>
      %jit3A_292 = arith.constant -1.000000e+30 : f32
      %broadcast_in_dim3A_293 = vector.broadcast %jit3A_292 : f32 to vector<16xf32>
      %select_n3A_294 = arith.select %eq3A_291, %gather3A, %broadcast_in_dim3A_293 : vector<16xi1>, vector<16xf32>
      %reduce_max3A_295 = arith.constant true
      %reduce_max3A_296 = vector.broadcast %reduce_max3A_295 : i1 to vector<16xi1>
      %reduce_max3A_297 = tpu.scan <max>, %select_n3A_294 masked %reduce_max3A_296 : vector<16xf32>, vector<16xi1> -> vector<16xf32>
      %reduce_max3A_298 = vector.extract %reduce_max3A_297[15] : f32 from vector<16xf32>
      %eq3A_299 = arith.constant 1 : i32
      %eq3A_300 = vector.broadcast %eq3A_299 : i32 to vector<16xi32>
      %eq3A_301 = arith.cmpi eq, %iota3A, %eq3A_300 : vector<16xi32>
      %jit3A_302 = arith.constant -1.000000e+30 : f32
      %broadcast_in_dim3A_303 = vector.broadcast %jit3A_302 : f32 to vector<16xf32>
      %select_n3A_304 = arith.select %eq3A_301, %gather3A, %broadcast_in_dim3A_303 : vector<16xi1>, vector<16xf32>
      %reduce_max3A_305 = arith.constant true
      %reduce_max3A_306 = vector.broadcast %reduce_max3A_305 : i1 to vector<16xi1>
      %reduce_max3A_307 = tpu.scan <max>, %select_n3A_304 masked %reduce_max3A_306 : vector<16xf32>, vector<16xi1> -> vector<16xf32>
      %reduce_max3A_308 = vector.extract %reduce_max3A_307[15] : f32 from vector<16xf32>
      %eq3A_309 = arith.constant 2 : i32
      %eq3A_310 = vector.broadcast %eq3A_309 : i32 to vector<16xi32>
      %eq3A_311 = arith.cmpi eq, %iota3A, %eq3A_310 : vector<16xi32>
      %jit3A_312 = arith.constant -1.000000e+30 : f32
      %broadcast_in_dim3A_313 = vector.broadcast %jit3A_312 : f32 to vector<16xf32>
      %select_n3A_314 = arith.select %eq3A_311, %gather3A, %broadcast_in_dim3A_313 : vector<16xi1>, vector<16xf32>
      %reduce_max3A_315 = arith.constant true
      %reduce_max3A_316 = vector.broadcast %reduce_max3A_315 : i1 to vector<16xi1>
      %reduce_max3A_317 = tpu.scan <max>, %select_n3A_314 masked %reduce_max3A_316 : vector<16xf32>, vector<16xi1> -> vector<16xf32>
      %reduce_max3A_318 = vector.extract %reduce_max3A_317[15] : f32 from vector<16xf32>
      %eq3A_319 = arith.constant 3 : i32
      %eq3A_320 = vector.broadcast %eq3A_319 : i32 to vector<16xi32>
      %eq3A_321 = arith.cmpi eq, %iota3A, %eq3A_320 : vector<16xi32>
      %jit3A_322 = arith.constant -1.000000e+30 : f32
      %broadcast_in_dim3A_323 = vector.broadcast %jit3A_322 : f32 to vector<16xf32>
      %select_n3A_324 = arith.select %eq3A_321, %gather3A, %broadcast_in_dim3A_323 : vector<16xi1>, vector<16xf32>
      %reduce_max3A_325 = arith.constant true
      %reduce_max3A_326 = vector.broadcast %reduce_max3A_325 : i1 to vector<16xi1>
      %reduce_max3A_327 = tpu.scan <max>, %select_n3A_324 masked %reduce_max3A_326 : vector<16xf32>, vector<16xi1> -> vector<16xf32>
      %reduce_max3A_328 = vector.extract %reduce_max3A_327[15] : f32 from vector<16xf32>
      %jit3A_329 = arith.constant -1.000000e+30 : f32
      %broadcast_in_dim3A_330 = vector.broadcast %jit3A_329 : f32 to vector<16xf32>
      %select_n3A_331 = arith.select %eq3A_269, %broadcast_in_dim3A_330, %get3A_254 : vector<16xi1>, vector<16xf32>
      %mul3A_332 = arith.constant 16 : i32
      %mul3A_333 = arith.muli %add3A_250, %mul3A_332 : i32
      %swap3A_334 = arith.index_cast %mul3A_333 : i32 to index
      %swap3A_335 = tpu.vector_load %arg12[%swap3A_334] {strides = array<i32>} : memref<10752xf32, #tpu.memory_space<vmem>>, vector<16xf32>,
      tpu.vector_store %arg12[%swap3A_334], %select_n3A_331 {strides = array<i32>} : memref<10752xf32, #tpu.memory_space<vmem>>, vector<16xf32>,
      %eq3A_336 = vector.broadcast %reduce_min3A_247 : i32 to vector<16xi32>
      %eq3A_337 = arith.cmpi eq, %iota3A, %eq3A_336 : vector<16xi32>
      %reduce_max3A_338 = arith.constant true
      %reduce_max3A_339 = vector.broadcast %reduce_max3A_338 : i1 to vector<16xi1>
      %reduce_max3A_340 = tpu.scan <max>, %select_n3A_331 masked %reduce_max3A_339 : vector<16xf32>, vector<16xi1> -> vector<16xf32>
      %reduce_max3A_341 = vector.extract %reduce_max3A_340[15] : f32 from vector<16xf32>
      %broadcast_in_dim3A_342 = vector.broadcast %reduce_max3A_341 : f32 to vector<16xf32>
      %select_n3A_343 = arith.select %eq3A_337, %broadcast_in_dim3A_342, %get3A_234 : vector<16xi1>, vector<16xf32>
      %mul3A_344 = arith.constant 16 : i32
      %mul3A_345 = arith.muli %min3A_231, %mul3A_344 : i32
      %swap3A_346 = arith.index_cast %mul3A_345 : i32 to index
      %swap3A_347 = tpu.vector_load %arg14[%swap3A_346] {strides = array<i32>} : memref<672xf32, #tpu.memory_space<vmem>>, vector<16xf32>,
      tpu.vector_store %arg14[%swap3A_346], %select_n3A_343 {strides = array<i32>} : memref<672xf32, #tpu.memory_space<vmem>>, vector<16xf32>,
      %reduce_max3A_348 = arith.constant true
      %reduce_max3A_349 = vector.broadcast %reduce_max3A_348 : i1 to vector<16xi1>
      %reduce_max3A_350 = tpu.scan <max>, %select_n3A_343 masked %reduce_max3A_349 : vector<16xf32>, vector<16xi1> -> vector<16xf32>
      %reduce_max3A_351 = vector.extract %reduce_max3A_350[15] : f32 from vector<16xf32>
      %lt3A_352 = arith.constant 16 : i32
      %lt3A_353 = arith.cmpi slt, %min3A_231, %lt3A_352 : i32
      %eq3A_354 = vector.broadcast %min3A_231 : i32 to vector<16xi32>
      %eq3A_355 = arith.cmpi eq, %iota3A, %eq3A_354 : vector<16xi32>
      %and3A = vector.broadcast %lt3A_353 : i1 to vector<16xi1>
      %and3A_356 = arith.andi %and3A, %eq3A_355 : vector<16xi1>
      %broadcast_in_dim3A_357 = vector.broadcast %reduce_max3A_351 : f32 to vector<16xf32>
      %select_n3A_358 = arith.select %and3A_356, %broadcast_in_dim3A_357, %while3A_182 : vector<16xi1>, vector<16xf32>
      %ge3A_359 = arith.constant 16 : i32
      %ge3A_360 = arith.cmpi sge, %min3A_231, %ge3A_359 : i32
      %lt3A_361 = arith.constant 32 : i32
      %lt3A_362 = arith.cmpi slt, %min3A_231, %lt3A_361 : i32
      %and3A_363 = arith.andi %ge3A_360, %lt3A_362 : i1
      %sub3A = arith.constant 16 : i32
      %sub3A_364 = arith.subi %min3A_231, %sub3A : i32
      %eq3A_365 = vector.broadcast %sub3A_364 : i32 to vector<16xi32>
      %eq3A_366 = arith.cmpi eq, %iota3A, %eq3A_365 : vector<16xi32>
      %and3A_367 = vector.broadcast %and3A_363 : i1 to vector<16xi1>
      %and3A_368 = arith.andi %and3A_367, %eq3A_366 : vector<16xi1>
      %broadcast_in_dim3A_369 = vector.broadcast %reduce_max3A_351 : f32 to vector<16xf32>
      %select_n3A_370 = arith.select %and3A_368, %broadcast_in_dim3A_369, %while3A_183 : vector<16xi1>, vector<16xf32>
      %ge3A_371 = arith.constant 32 : i32
      %ge3A_372 = arith.cmpi sge, %min3A_231, %ge3A_371 : i32
      %sub3A_373 = arith.constant 32 : i32
      %sub3A_374 = arith.subi %min3A_231, %sub3A_373 : i32
      %eq3A_375 = vector.broadcast %sub3A_374 : i32 to vector<16xi32>
      %eq3A_376 = arith.cmpi eq, %iota3A, %eq3A_375 : vector<16xi32>
      %and3A_377 = vector.broadcast %ge3A_372 : i1 to vector<16xi1>
      %and3A_378 = arith.andi %and3A_377, %eq3A_376 : vector<16xi1>
      %broadcast_in_dim3A_379 = vector.broadcast %reduce_max3A_351 : f32 to vector<16xf32>
      %select_n3A_380 = arith.select %and3A_378, %broadcast_in_dim3A_379, %while3A_184 : vector<16xi1>, vector<16xf32>
      %sub3A_381 = arith.subf %reduce_max3A_318, %reduce_max3A_298 : f32
      %max3A_382 = arith.constant 0.000000e+00 : f32
      %max3A_383 = arith.maximumf %sub3A_381, %max3A_382 : f32
      %sub3A_384 = arith.subf %reduce_max3A_328, %reduce_max3A_308 : f32
      %max3A_385 = arith.constant 0.000000e+00 : f32
      %max3A_386 = arith.maximumf %sub3A_384, %max3A_385 : f32
      %mul3A_387 = arith.mulf %max3A_383, %max3A_386 : f32
      %broadcast_in_dim3A_388 = arith.constant 0 : i32
      %broadcast_in_dim3A_389 = vector.broadcast %broadcast_in_dim3A_388 : i32 to vector<16xi32>
      %get3A_390 = arith.constant 0 : index
      %get3A_391 = tpu.vector_load %arg15[%get3A_390] {strides = array<i32>} : memref<112xf32, #tpu.memory_space<vmem>>, vector<16xf32>,
      %get3A_392 = arith.constant 0 : index
      %get3A_393 = tpu.vector_load %arg16[%get3A_392] {strides = array<i32>} : memref<112xf32, #tpu.memory_space<vmem>>, vector<16xf32>,
      %get3A_394 = arith.constant 0 : index
      %get3A_395 = tpu.vector_load %arg17[%get3A_394] {strides = array<i32>} : memref<112xf32, #tpu.memory_space<vmem>>, vector<16xf32>,
      %get3A_396 = arith.constant 0 : index
      %get3A_397 = tpu.vector_load %arg18[%get3A_396] {strides = array<i32>} : memref<112xf32, #tpu.memory_space<vmem>>, vector<16xf32>,
      %get3A_398 = arith.constant 0 : index
      %get3A_399 = tpu.vector_load %arg19[%get3A_398] {strides = array<i32>} : memref<112xf32, #tpu.memory_space<vmem>>, vector<16xf32>,
      %max3A_400 = vector.broadcast %reduce_max3A_298 : f32 to vector<16xf32>
      %max3A_401 = arith.maximumf %max3A_400, %get3A_391 : vector<16xf32>
      %max3A_402 = vector.broadcast %reduce_max3A_308 : f32 to vector<16xf32>
      %max3A_403 = arith.maximumf %max3A_402, %get3A_393 : vector<16xf32>
      %min3A_404 = vector.broadcast %reduce_max3A_318 : f32 to vector<16xf32>
      %min3A_405 = arith.minimumf %min3A_404, %get3A_395 : vector<16xf32>
      %min3A_406 = vector.broadcast %reduce_max3A_328 : f32 to vector<16xf32>
      %min3A_407 = arith.minimumf %min3A_406, %get3A_397 : vector<16xf32>
      %sub3A_408 = arith.subf %min3A_405, %max3A_401 : vector<16xf32>
      %max3A_409 = arith.constant 0.000000e+00 : f32
      %max3A_410 = vector.broadcast %max3A_409 : f32 to vector<16xf32>
      %max3A_411 = arith.maximumf %sub3A_408, %max3A_410 : vector<16xf32>
      %sub3A_412 = arith.subf %min3A_407, %max3A_403 : vector<16xf32>
      %max3A_413 = arith.constant 0.000000e+00 : f32
      %max3A_414 = vector.broadcast %max3A_413 : f32 to vector<16xf32>
      %max3A_415 = arith.maximumf %sub3A_412, %max3A_414 : vector<16xf32>
      %mul3A_416 = arith.mulf %max3A_411, %max3A_415 : vector<16xf32>
      %add3A_417 = vector.broadcast %mul3A_387 : f32 to vector<16xf32>
      %add3A_418 = arith.addf %add3A_417, %get3A_399 : vector<16xf32>
      %sub3A_419 = arith.subf %add3A_418, %mul3A_416 : vector<16xf32>
      %gt3A = arith.constant 0.000000e+00 : f32
      %gt3A_420 = vector.broadcast %gt3A : f32 to vector<16xf32>
      %gt3A_421 = arith.cmpf ogt, %sub3A_419, %gt3A_420 : vector<16xf32>
      %div3A = arith.divf %mul3A_416, %sub3A_419 : vector<16xf32>
      %jit3A_422 = arith.constant 0.000000e+00 : f32
      %broadcast_in_dim3A_423 = vector.broadcast %jit3A_422 : f32 to vector<16xf32>
      %select_n3A_424 = arith.select %gt3A_421, %div3A, %broadcast_in_dim3A_423 : vector<16xi1>, vector<16xf32>
      %gt3A_425 = arith.constant 5.000000e-01 : f32
      %gt3A_426 = vector.broadcast %gt3A_425 : f32 to vector<16xf32>
      %gt3A_427 = arith.cmpf ogt, %select_n3A_424, %gt3A_426 : vector<16xf32>
      %add3A_428 = arith.constant 0 : i32
      %add3A_429 = vector.broadcast %add3A_428 : i32 to vector<16xi32>
      %add3A_430 = arith.addi %add3A_429, %iota3A : vector<16xi32>
      %lt3A_431 = vector.broadcast %while3A_181 : i32 to vector<16xi32>
      %lt3A_432 = arith.cmpi slt, %add3A_430, %lt3A_431 : vector<16xi32>
      %and3A_433 = arith.andi %gt3A_427, %lt3A_432 : vector<16xi1>
      %jit3A_434 = arith.constant 1 : i32
      %jit3A_435 = arith.constant 0 : i32
      %broadcast_in_dim3A_436 = vector.broadcast %jit3A_434 : i32 to vector<16xi32>
      %broadcast_in_dim3A_437 = vector.broadcast %jit3A_435 : i32 to vector<16xi32>
      %select_n3A_438 = arith.select %and3A_433, %broadcast_in_dim3A_436, %broadcast_in_dim3A_437 : vector<16xi1>, vector<16xi32>
      %or3A = arith.ori %broadcast_in_dim3A_389, %select_n3A_438 : vector<16xi32>
      %get3A_439 = arith.constant 16 : index
      %get3A_440 = tpu.vector_load %arg15[%get3A_439] {strides = array<i32>} : memref<112xf32, #tpu.memory_space<vmem>>, vector<16xf32>,
      %get3A_441 = arith.constant 16 : index
      %get3A_442 = tpu.vector_load %arg16[%get3A_441] {strides = array<i32>} : memref<112xf32, #tpu.memory_space<vmem>>, vector<16xf32>,
      %get3A_443 = arith.constant 16 : index
      %get3A_444 = tpu.vector_load %arg17[%get3A_443] {strides = array<i32>} : memref<112xf32, #tpu.memory_space<vmem>>, vector<16xf32>,
      %get3A_445 = arith.constant 16 : index
      %get3A_446 = tpu.vector_load %arg18[%get3A_445] {strides = array<i32>} : memref<112xf32, #tpu.memory_space<vmem>>, vector<16xf32>,
      %get3A_447 = arith.constant 16 : index
      %get3A_448 = tpu.vector_load %arg19[%get3A_447] {strides = array<i32>} : memref<112xf32, #tpu.memory_space<vmem>>, vector<16xf32>,
      %max3A_449 = vector.broadcast %reduce_max3A_298 : f32 to vector<16xf32>
      %max3A_450 = arith.maximumf %max3A_449, %get3A_440 : vector<16xf32>
      %max3A_451 = vector.broadcast %reduce_max3A_308 : f32 to vector<16xf32>
      %max3A_452 = arith.maximumf %max3A_451, %get3A_442 : vector<16xf32>
      %min3A_453 = vector.broadcast %reduce_max3A_318 : f32 to vector<16xf32>
      %min3A_454 = arith.minimumf %min3A_453, %get3A_444 : vector<16xf32>
      %min3A_455 = vector.broadcast %reduce_max3A_328 : f32 to vector<16xf32>
      %min3A_456 = arith.minimumf %min3A_455, %get3A_446 : vector<16xf32>
      %sub3A_457 = arith.subf %min3A_454, %max3A_450 : vector<16xf32>
      %max3A_458 = arith.constant 0.000000e+00 : f32
      %max3A_459 = vector.broadcast %max3A_458 : f32 to vector<16xf32>
      %max3A_460 = arith.maximumf %sub3A_457, %max3A_459 : vector<16xf32>
      %sub3A_461 = arith.subf %min3A_456, %max3A_452 : vector<16xf32>
      %max3A_462 = arith.constant 0.000000e+00 : f32
      %max3A_463 = vector.broadcast %max3A_462 : f32 to vector<16xf32>
      %max3A_464 = arith.maximumf %sub3A_461, %max3A_463 : vector<16xf32>
      %mul3A_465 = arith.mulf %max3A_460, %max3A_464 : vector<16xf32>
      %add3A_466 = vector.broadcast %mul3A_387 : f32 to vector<16xf32>
      %add3A_467 = arith.addf %add3A_466, %get3A_448 : vector<16xf32>
      %sub3A_468 = arith.subf %add3A_467, %mul3A_465 : vector<16xf32>
      %gt3A_469 = arith.constant 0.000000e+00 : f32
      %gt3A_470 = vector.broadcast %gt3A_469 : f32 to vector<16xf32>
      %gt3A_471 = arith.cmpf ogt, %sub3A_468, %gt3A_470 : vector<16xf32>
      %div3A_472 = arith.divf %mul3A_465, %sub3A_468 : vector<16xf32>
      %jit3A_473 = arith.constant 0.000000e+00 : f32
      %broadcast_in_dim3A_474 = vector.broadcast %jit3A_473 : f32 to vector<16xf32>
      %select_n3A_475 = arith.select %gt3A_471, %div3A_472, %broadcast_in_dim3A_474 : vector<16xi1>, vector<16xf32>
      %gt3A_476 = arith.constant 5.000000e-01 : f32
      %gt3A_477 = vector.broadcast %gt3A_476 : f32 to vector<16xf32>
      %gt3A_478 = arith.cmpf ogt, %select_n3A_475, %gt3A_477 : vector<16xf32>
      %add3A_479 = arith.constant 16 : i32
      %add3A_480 = vector.broadcast %add3A_479 : i32 to vector<16xi32>
      %add3A_481 = arith.addi %add3A_480, %iota3A : vector<16xi32>
      %lt3A_482 = vector.broadcast %while3A_181 : i32 to vector<16xi32>
      %lt3A_483 = arith.cmpi slt, %add3A_481, %lt3A_482 : vector<16xi32>
      %and3A_484 = arith.andi %gt3A_478, %lt3A_483 : vector<16xi1>
      %jit3A_485 = arith.constant 1 : i32
      %jit3A_486 = arith.constant 0 : i32
      %broadcast_in_dim3A_487 = vector.broadcast %jit3A_485 : i32 to vector<16xi32>
      %broadcast_in_dim3A_488 = vector.broadcast %jit3A_486 : i32 to vector<16xi32>
      %select_n3A_489 = arith.select %and3A_484, %broadcast_in_dim3A_487, %broadcast_in_dim3A_488 : vector<16xi1>, vector<16xi32>
      %or3A_490 = arith.ori %or3A, %select_n3A_489 : vector<16xi32>
      %get3A_491 = arith.constant 32 : index
      %get3A_492 = tpu.vector_load %arg15[%get3A_491] {strides = array<i32>} : memref<112xf32, #tpu.memory_space<vmem>>, vector<16xf32>,
      %get3A_493 = arith.constant 32 : index
      %get3A_494 = tpu.vector_load %arg16[%get3A_493] {strides = array<i32>} : memref<112xf32, #tpu.memory_space<vmem>>, vector<16xf32>,
      %get3A_495 = arith.constant 32 : index
      %get3A_496 = tpu.vector_load %arg17[%get3A_495] {strides = array<i32>} : memref<112xf32, #tpu.memory_space<vmem>>, vector<16xf32>,
      %get3A_497 = arith.constant 32 : index
      %get3A_498 = tpu.vector_load %arg18[%get3A_497] {strides = array<i32>} : memref<112xf32, #tpu.memory_space<vmem>>, vector<16xf32>,
      %get3A_499 = arith.constant 32 : index
      %get3A_500 = tpu.vector_load %arg19[%get3A_499] {strides = array<i32>} : memref<112xf32, #tpu.memory_space<vmem>>, vector<16xf32>,
      %max3A_501 = vector.broadcast %reduce_max3A_298 : f32 to vector<16xf32>
      %max3A_502 = arith.maximumf %max3A_501, %get3A_492 : vector<16xf32>
      %max3A_503 = vector.broadcast %reduce_max3A_308 : f32 to vector<16xf32>
      %max3A_504 = arith.maximumf %max3A_503, %get3A_494 : vector<16xf32>
      %min3A_505 = vector.broadcast %reduce_max3A_318 : f32 to vector<16xf32>
      %min3A_506 = arith.minimumf %min3A_505, %get3A_496 : vector<16xf32>
      %min3A_507 = vector.broadcast %reduce_max3A_328 : f32 to vector<16xf32>
      %min3A_508 = arith.minimumf %min3A_507, %get3A_498 : vector<16xf32>
      %sub3A_509 = arith.subf %min3A_506, %max3A_502 : vector<16xf32>
      %max3A_510 = arith.constant 0.000000e+00 : f32
      %max3A_511 = vector.broadcast %max3A_510 : f32 to vector<16xf32>
      %max3A_512 = arith.maximumf %sub3A_509, %max3A_511 : vector<16xf32>
      %sub3A_513 = arith.subf %min3A_508, %max3A_504 : vector<16xf32>
      %max3A_514 = arith.constant 0.000000e+00 : f32
      %max3A_515 = vector.broadcast %max3A_514 : f32 to vector<16xf32>
      %max3A_516 = arith.maximumf %sub3A_513, %max3A_515 : vector<16xf32>
      %mul3A_517 = arith.mulf %max3A_512, %max3A_516 : vector<16xf32>
      %add3A_518 = vector.broadcast %mul3A_387 : f32 to vector<16xf32>
      %add3A_519 = arith.addf %add3A_518, %get3A_500 : vector<16xf32>
      %sub3A_520 = arith.subf %add3A_519, %mul3A_517 : vector<16xf32>
      %gt3A_521 = arith.constant 0.000000e+00 : f32
      %gt3A_522 = vector.broadcast %gt3A_521 : f32 to vector<16xf32>
      %gt3A_523 = arith.cmpf ogt, %sub3A_520, %gt3A_522 : vector<16xf32>
      %div3A_524 = arith.divf %mul3A_517, %sub3A_520 : vector<16xf32>
      %jit3A_525 = arith.constant 0.000000e+00 : f32
      %broadcast_in_dim3A_526 = vector.broadcast %jit3A_525 : f32 to vector<16xf32>
      %select_n3A_527 = arith.select %gt3A_523, %div3A_524, %broadcast_in_dim3A_526 : vector<16xi1>, vector<16xf32>
      %gt3A_528 = arith.constant 5.000000e-01 : f32
      %gt3A_529 = vector.broadcast %gt3A_528 : f32 to vector<16xf32>
      %gt3A_530 = arith.cmpf ogt, %select_n3A_527, %gt3A_529 : vector<16xf32>
      %add3A_531 = arith.constant 32 : i32
      %add3A_532 = vector.broadcast %add3A_531 : i32 to vector<16xi32>
      %add3A_533 = arith.addi %add3A_532, %iota3A : vector<16xi32>
      %lt3A_534 = vector.broadcast %while3A_181 : i32 to vector<16xi32>
      %lt3A_535 = arith.cmpi slt, %add3A_533, %lt3A_534 : vector<16xi32>
      %and3A_536 = arith.andi %gt3A_530, %lt3A_535 : vector<16xi1>
      %jit3A_537 = arith.constant 1 : i32
      %jit3A_538 = arith.constant 0 : i32
      %broadcast_in_dim3A_539 = vector.broadcast %jit3A_537 : i32 to vector<16xi32>
      %broadcast_in_dim3A_540 = vector.broadcast %jit3A_538 : i32 to vector<16xi32>
      %select_n3A_541 = arith.select %and3A_536, %broadcast_in_dim3A_539, %broadcast_in_dim3A_540 : vector<16xi1>, vector<16xi32>
      %or3A_542 = arith.ori %or3A_490, %select_n3A_541 : vector<16xi32>
      %get3A_543 = arith.constant 48 : index
      %get3A_544 = tpu.vector_load %arg15[%get3A_543] {strides = array<i32>} : memref<112xf32, #tpu.memory_space<vmem>>, vector<16xf32>,
      %get3A_545 = arith.constant 48 : index
      %get3A_546 = tpu.vector_load %arg16[%get3A_545] {strides = array<i32>} : memref<112xf32, #tpu.memory_space<vmem>>, vector<16xf32>,
      %get3A_547 = arith.constant 48 : index
      %get3A_548 = tpu.vector_load %arg17[%get3A_547] {strides = array<i32>} : memref<112xf32, #tpu.memory_space<vmem>>, vector<16xf32>,
      %get3A_549 = arith.constant 48 : index
      %get3A_550 = tpu.vector_load %arg18[%get3A_549] {strides = array<i32>} : memref<112xf32, #tpu.memory_space<vmem>>, vector<16xf32>,
      %get3A_551 = arith.constant 48 : index
      %get3A_552 = tpu.vector_load %arg19[%get3A_551] {strides = array<i32>} : memref<112xf32, #tpu.memory_space<vmem>>, vector<16xf32>,
      %max3A_553 = vector.broadcast %reduce_max3A_298 : f32 to vector<16xf32>
      %max3A_554 = arith.maximumf %max3A_553, %get3A_544 : vector<16xf32>
      %max3A_555 = vector.broadcast %reduce_max3A_308 : f32 to vector<16xf32>
      %max3A_556 = arith.maximumf %max3A_555, %get3A_546 : vector<16xf32>
      %min3A_557 = vector.broadcast %reduce_max3A_318 : f32 to vector<16xf32>
      %min3A_558 = arith.minimumf %min3A_557, %get3A_548 : vector<16xf32>
      %min3A_559 = vector.broadcast %reduce_max3A_328 : f32 to vector<16xf32>
      %min3A_560 = arith.minimumf %min3A_559, %get3A_550 : vector<16xf32>
      %sub3A_561 = arith.subf %min3A_558, %max3A_554 : vector<16xf32>
      %max3A_562 = arith.constant 0.000000e+00 : f32
      %max3A_563 = vector.broadcast %max3A_562 : f32 to vector<16xf32>
      %max3A_564 = arith.maximumf %sub3A_561, %max3A_563 : vector<16xf32>
      %sub3A_565 = arith.subf %min3A_560, %max3A_556 : vector<16xf32>
      %max3A_566 = arith.constant 0.000000e+00 : f32
      %max3A_567 = vector.broadcast %max3A_566 : f32 to vector<16xf32>
      %max3A_568 = arith.maximumf %sub3A_565, %max3A_567 : vector<16xf32>
      %mul3A_569 = arith.mulf %max3A_564, %max3A_568 : vector<16xf32>
      %add3A_570 = vector.broadcast %mul3A_387 : f32 to vector<16xf32>
      %add3A_571 = arith.addf %add3A_570, %get3A_552 : vector<16xf32>
      %sub3A_572 = arith.subf %add3A_571, %mul3A_569 : vector<16xf32>
      %gt3A_573 = arith.constant 0.000000e+00 : f32
      %gt3A_574 = vector.broadcast %gt3A_573 : f32 to vector<16xf32>
      %gt3A_575 = arith.cmpf ogt, %sub3A_572, %gt3A_574 : vector<16xf32>
      %div3A_576 = arith.divf %mul3A_569, %sub3A_572 : vector<16xf32>
      %jit3A_577 = arith.constant 0.000000e+00 : f32
      %broadcast_in_dim3A_578 = vector.broadcast %jit3A_577 : f32 to vector<16xf32>
      %select_n3A_579 = arith.select %gt3A_575, %div3A_576, %broadcast_in_dim3A_578 : vector<16xi1>, vector<16xf32>
      %gt3A_580 = arith.constant 5.000000e-01 : f32
      %gt3A_581 = vector.broadcast %gt3A_580 : f32 to vector<16xf32>
      %gt3A_582 = arith.cmpf ogt, %select_n3A_579, %gt3A_581 : vector<16xf32>
      %add3A_583 = arith.constant 48 : i32
      %add3A_584 = vector.broadcast %add3A_583 : i32 to vector<16xi32>
      %add3A_585 = arith.addi %add3A_584, %iota3A : vector<16xi32>
      %lt3A_586 = vector.broadcast %while3A_181 : i32 to vector<16xi32>
      %lt3A_587 = arith.cmpi slt, %add3A_585, %lt3A_586 : vector<16xi32>
      %and3A_588 = arith.andi %gt3A_582, %lt3A_587 : vector<16xi1>
      %jit3A_589 = arith.constant 1 : i32
      %jit3A_590 = arith.constant 0 : i32
      %broadcast_in_dim3A_591 = vector.broadcast %jit3A_589 : i32 to vector<16xi32>
      %broadcast_in_dim3A_592 = vector.broadcast %jit3A_590 : i32 to vector<16xi32>
      %select_n3A_593 = arith.select %and3A_588, %broadcast_in_dim3A_591, %broadcast_in_dim3A_592 : vector<16xi1>, vector<16xi32>
      %or3A_594 = arith.ori %or3A_542, %select_n3A_593 : vector<16xi32>
      %get3A_595 = arith.constant 64 : index
      %get3A_596 = tpu.vector_load %arg15[%get3A_595] {strides = array<i32>} : memref<112xf32, #tpu.memory_space<vmem>>, vector<16xf32>,
      %get3A_597 = arith.constant 64 : index
      %get3A_598 = tpu.vector_load %arg16[%get3A_597] {strides = array<i32>} : memref<112xf32, #tpu.memory_space<vmem>>, vector<16xf32>,
      %get3A_599 = arith.constant 64 : index
      %get3A_600 = tpu.vector_load %arg17[%get3A_599] {strides = array<i32>} : memref<112xf32, #tpu.memory_space<vmem>>, vector<16xf32>,
      %get3A_601 = arith.constant 64 : index
      %get3A_602 = tpu.vector_load %arg18[%get3A_601] {strides = array<i32>} : memref<112xf32, #tpu.memory_space<vmem>>, vector<16xf32>,
      %get3A_603 = arith.constant 64 : index
      %get3A_604 = tpu.vector_load %arg19[%get3A_603] {strides = array<i32>} : memref<112xf32, #tpu.memory_space<vmem>>, vector<16xf32>,
      %max3A_605 = vector.broadcast %reduce_max3A_298 : f32 to vector<16xf32>
      %max3A_606 = arith.maximumf %max3A_605, %get3A_596 : vector<16xf32>
      %max3A_607 = vector.broadcast %reduce_max3A_308 : f32 to vector<16xf32>
      %max3A_608 = arith.maximumf %max3A_607, %get3A_598 : vector<16xf32>
      %min3A_609 = vector.broadcast %reduce_max3A_318 : f32 to vector<16xf32>
      %min3A_610 = arith.minimumf %min3A_609, %get3A_600 : vector<16xf32>
      %min3A_611 = vector.broadcast %reduce_max3A_328 : f32 to vector<16xf32>
      %min3A_612 = arith.minimumf %min3A_611, %get3A_602 : vector<16xf32>
      %sub3A_613 = arith.subf %min3A_610, %max3A_606 : vector<16xf32>
      %max3A_614 = arith.constant 0.000000e+00 : f32
      %max3A_615 = vector.broadcast %max3A_614 : f32 to vector<16xf32>
      %max3A_616 = arith.maximumf %sub3A_613, %max3A_615 : vector<16xf32>
      %sub3A_617 = arith.subf %min3A_612, %max3A_608 : vector<16xf32>
      %max3A_618 = arith.constant 0.000000e+00 : f32
      %max3A_619 = vector.broadcast %max3A_618 : f32 to vector<16xf32>
      %max3A_620 = arith.maximumf %sub3A_617, %max3A_619 : vector<16xf32>
      %mul3A_621 = arith.mulf %max3A_616, %max3A_620 : vector<16xf32>
      %add3A_622 = vector.broadcast %mul3A_387 : f32 to vector<16xf32>
      %add3A_623 = arith.addf %add3A_622, %get3A_604 : vector<16xf32>
      %sub3A_624 = arith.subf %add3A_623, %mul3A_621 : vector<16xf32>
      %gt3A_625 = arith.constant 0.000000e+00 : f32
      %gt3A_626 = vector.broadcast %gt3A_625 : f32 to vector<16xf32>
      %gt3A_627 = arith.cmpf ogt, %sub3A_624, %gt3A_626 : vector<16xf32>
      %div3A_628 = arith.divf %mul3A_621, %sub3A_624 : vector<16xf32>
      %jit3A_629 = arith.constant 0.000000e+00 : f32
      %broadcast_in_dim3A_630 = vector.broadcast %jit3A_629 : f32 to vector<16xf32>
      %select_n3A_631 = arith.select %gt3A_627, %div3A_628, %broadcast_in_dim3A_630 : vector<16xi1>, vector<16xf32>
      %gt3A_632 = arith.constant 5.000000e-01 : f32
      %gt3A_633 = vector.broadcast %gt3A_632 : f32 to vector<16xf32>
      %gt3A_634 = arith.cmpf ogt, %select_n3A_631, %gt3A_633 : vector<16xf32>
      %add3A_635 = arith.constant 64 : i32
      %add3A_636 = vector.broadcast %add3A_635 : i32 to vector<16xi32>
      %add3A_637 = arith.addi %add3A_636, %iota3A : vector<16xi32>
      %lt3A_638 = vector.broadcast %while3A_181 : i32 to vector<16xi32>
      %lt3A_639 = arith.cmpi slt, %add3A_637, %lt3A_638 : vector<16xi32>
      %and3A_640 = arith.andi %gt3A_634, %lt3A_639 : vector<16xi1>
      %jit3A_641 = arith.constant 1 : i32
      %jit3A_642 = arith.constant 0 : i32
      %broadcast_in_dim3A_643 = vector.broadcast %jit3A_641 : i32 to vector<16xi32>
      %broadcast_in_dim3A_644 = vector.broadcast %jit3A_642 : i32 to vector<16xi32>
      %select_n3A_645 = arith.select %and3A_640, %broadcast_in_dim3A_643, %broadcast_in_dim3A_644 : vector<16xi1>, vector<16xi32>
      %or3A_646 = arith.ori %or3A_594, %select_n3A_645 : vector<16xi32>
      %get3A_647 = arith.constant 80 : index
      %get3A_648 = tpu.vector_load %arg15[%get3A_647] {strides = array<i32>} : memref<112xf32, #tpu.memory_space<vmem>>, vector<16xf32>,
      %get3A_649 = arith.constant 80 : index
      %get3A_650 = tpu.vector_load %arg16[%get3A_649] {strides = array<i32>} : memref<112xf32, #tpu.memory_space<vmem>>, vector<16xf32>,
      %get3A_651 = arith.constant 80 : index
      %get3A_652 = tpu.vector_load %arg17[%get3A_651] {strides = array<i32>} : memref<112xf32, #tpu.memory_space<vmem>>, vector<16xf32>,
      %get3A_653 = arith.constant 80 : index
      %get3A_654 = tpu.vector_load %arg18[%get3A_653] {strides = array<i32>} : memref<112xf32, #tpu.memory_space<vmem>>, vector<16xf32>,
      %get3A_655 = arith.constant 80 : index
      %get3A_656 = tpu.vector_load %arg19[%get3A_655] {strides = array<i32>} : memref<112xf32, #tpu.memory_space<vmem>>, vector<16xf32>,
      %max3A_657 = vector.broadcast %reduce_max3A_298 : f32 to vector<16xf32>
      %max3A_658 = arith.maximumf %max3A_657, %get3A_648 : vector<16xf32>
      %max3A_659 = vector.broadcast %reduce_max3A_308 : f32 to vector<16xf32>
      %max3A_660 = arith.maximumf %max3A_659, %get3A_650 : vector<16xf32>
      %min3A_661 = vector.broadcast %reduce_max3A_318 : f32 to vector<16xf32>
      %min3A_662 = arith.minimumf %min3A_661, %get3A_652 : vector<16xf32>
      %min3A_663 = vector.broadcast %reduce_max3A_328 : f32 to vector<16xf32>
      %min3A_664 = arith.minimumf %min3A_663, %get3A_654 : vector<16xf32>
      %sub3A_665 = arith.subf %min3A_662, %max3A_658 : vector<16xf32>
      %max3A_666 = arith.constant 0.000000e+00 : f32
      %max3A_667 = vector.broadcast %max3A_666 : f32 to vector<16xf32>
      %max3A_668 = arith.maximumf %sub3A_665, %max3A_667 : vector<16xf32>
      %sub3A_669 = arith.subf %min3A_664, %max3A_660 : vector<16xf32>
      %max3A_670 = arith.constant 0.000000e+00 : f32
      %max3A_671 = vector.broadcast %max3A_670 : f32 to vector<16xf32>
      %max3A_672 = arith.maximumf %sub3A_669, %max3A_671 : vector<16xf32>
      %mul3A_673 = arith.mulf %max3A_668, %max3A_672 : vector<16xf32>
      %add3A_674 = vector.broadcast %mul3A_387 : f32 to vector<16xf32>
      %add3A_675 = arith.addf %add3A_674, %get3A_656 : vector<16xf32>
      %sub3A_676 = arith.subf %add3A_675, %mul3A_673 : vector<16xf32>
      %gt3A_677 = arith.constant 0.000000e+00 : f32
      %gt3A_678 = vector.broadcast %gt3A_677 : f32 to vector<16xf32>
      %gt3A_679 = arith.cmpf ogt, %sub3A_676, %gt3A_678 : vector<16xf32>
      %div3A_680 = arith.divf %mul3A_673, %sub3A_676 : vector<16xf32>
      %jit3A_681 = arith.constant 0.000000e+00 : f32
      %broadcast_in_dim3A_682 = vector.broadcast %jit3A_681 : f32 to vector<16xf32>
      %select_n3A_683 = arith.select %gt3A_679, %div3A_680, %broadcast_in_dim3A_682 : vector<16xi1>, vector<16xf32>
      %gt3A_684 = arith.constant 5.000000e-01 : f32
      %gt3A_685 = vector.broadcast %gt3A_684 : f32 to vector<16xf32>
      %gt3A_686 = arith.cmpf ogt, %select_n3A_683, %gt3A_685 : vector<16xf32>
      %add3A_687 = arith.constant 80 : i32
      %add3A_688 = vector.broadcast %add3A_687 : i32 to vector<16xi32>
      %add3A_689 = arith.addi %add3A_688, %iota3A : vector<16xi32>
      %lt3A_690 = vector.broadcast %while3A_181 : i32 to vector<16xi32>
      %lt3A_691 = arith.cmpi slt, %add3A_689, %lt3A_690 : vector<16xi32>
      %and3A_692 = arith.andi %gt3A_686, %lt3A_691 : vector<16xi1>
      %jit3A_693 = arith.constant 1 : i32
      %jit3A_694 = arith.constant 0 : i32
      %broadcast_in_dim3A_695 = vector.broadcast %jit3A_693 : i32 to vector<16xi32>
      %broadcast_in_dim3A_696 = vector.broadcast %jit3A_694 : i32 to vector<16xi32>
      %select_n3A_697 = arith.select %and3A_692, %broadcast_in_dim3A_695, %broadcast_in_dim3A_696 : vector<16xi1>, vector<16xi32>
      %or3A_698 = arith.ori %or3A_646, %select_n3A_697 : vector<16xi32>
      %get3A_699 = arith.constant 96 : index
      %get3A_700 = tpu.vector_load %arg15[%get3A_699] {strides = array<i32>} : memref<112xf32, #tpu.memory_space<vmem>>, vector<16xf32>,
      %get3A_701 = arith.constant 96 : index
      %get3A_702 = tpu.vector_load %arg16[%get3A_701] {strides = array<i32>} : memref<112xf32, #tpu.memory_space<vmem>>, vector<16xf32>,
      %get3A_703 = arith.constant 96 : index
      %get3A_704 = tpu.vector_load %arg17[%get3A_703] {strides = array<i32>} : memref<112xf32, #tpu.memory_space<vmem>>, vector<16xf32>,
      %get3A_705 = arith.constant 96 : index
      %get3A_706 = tpu.vector_load %arg18[%get3A_705] {strides = array<i32>} : memref<112xf32, #tpu.memory_space<vmem>>, vector<16xf32>,
      %get3A_707 = arith.constant 96 : index
      %get3A_708 = tpu.vector_load %arg19[%get3A_707] {strides = array<i32>} : memref<112xf32, #tpu.memory_space<vmem>>, vector<16xf32>,
      %max3A_709 = vector.broadcast %reduce_max3A_298 : f32 to vector<16xf32>
      %max3A_710 = arith.maximumf %max3A_709, %get3A_700 : vector<16xf32>
      %max3A_711 = vector.broadcast %reduce_max3A_308 : f32 to vector<16xf32>
      %max3A_712 = arith.maximumf %max3A_711, %get3A_702 : vector<16xf32>
      %min3A_713 = vector.broadcast %reduce_max3A_318 : f32 to vector<16xf32>
      %min3A_714 = arith.minimumf %min3A_713, %get3A_704 : vector<16xf32>
      %min3A_715 = vector.broadcast %reduce_max3A_328 : f32 to vector<16xf32>
      %min3A_716 = arith.minimumf %min3A_715, %get3A_706 : vector<16xf32>
      %sub3A_717 = arith.subf %min3A_714, %max3A_710 : vector<16xf32>
      %max3A_718 = arith.constant 0.000000e+00 : f32
      %max3A_719 = vector.broadcast %max3A_718 : f32 to vector<16xf32>
      %max3A_720 = arith.maximumf %sub3A_717, %max3A_719 : vector<16xf32>
      %sub3A_721 = arith.subf %min3A_716, %max3A_712 : vector<16xf32>
      %max3A_722 = arith.constant 0.000000e+00 : f32
      %max3A_723 = vector.broadcast %max3A_722 : f32 to vector<16xf32>
      %max3A_724 = arith.maximumf %sub3A_721, %max3A_723 : vector<16xf32>
      %mul3A_725 = arith.mulf %max3A_720, %max3A_724 : vector<16xf32>
      %add3A_726 = vector.broadcast %mul3A_387 : f32 to vector<16xf32>
      %add3A_727 = arith.addf %add3A_726, %get3A_708 : vector<16xf32>
      %sub3A_728 = arith.subf %add3A_727, %mul3A_725 : vector<16xf32>
      %gt3A_729 = arith.constant 0.000000e+00 : f32
      %gt3A_730 = vector.broadcast %gt3A_729 : f32 to vector<16xf32>
      %gt3A_731 = arith.cmpf ogt, %sub3A_728, %gt3A_730 : vector<16xf32>
      %div3A_732 = arith.divf %mul3A_725, %sub3A_728 : vector<16xf32>
      %jit3A_733 = arith.constant 0.000000e+00 : f32
      %broadcast_in_dim3A_734 = vector.broadcast %jit3A_733 : f32 to vector<16xf32>
      %select_n3A_735 = arith.select %gt3A_731, %div3A_732, %broadcast_in_dim3A_734 : vector<16xi1>, vector<16xf32>
      %gt3A_736 = arith.constant 5.000000e-01 : f32
      %gt3A_737 = vector.broadcast %gt3A_736 : f32 to vector<16xf32>
      %gt3A_738 = arith.cmpf ogt, %select_n3A_735, %gt3A_737 : vector<16xf32>
      %add3A_739 = arith.constant 96 : i32
      %add3A_740 = vector.broadcast %add3A_739 : i32 to vector<16xi32>
      %add3A_741 = arith.addi %add3A_740, %iota3A : vector<16xi32>
      %lt3A_742 = vector.broadcast %while3A_181 : i32 to vector<16xi32>
      %lt3A_743 = arith.cmpi slt, %add3A_741, %lt3A_742 : vector<16xi32>
      %and3A_744 = arith.andi %gt3A_738, %lt3A_743 : vector<16xi1>
      %jit3A_745 = arith.constant 1 : i32
      %jit3A_746 = arith.constant 0 : i32
      %broadcast_in_dim3A_747 = vector.broadcast %jit3A_745 : i32 to vector<16xi32>
      %broadcast_in_dim3A_748 = vector.broadcast %jit3A_746 : i32 to vector<16xi32>
      %select_n3A_749 = arith.select %and3A_744, %broadcast_in_dim3A_747, %broadcast_in_dim3A_748 : vector<16xi1>, vector<16xi32>
      %or3A_750 = arith.ori %or3A_698, %select_n3A_749 : vector<16xi32>
      %reduce_max3A_751 = arith.constant true
      %reduce_max3A_752 = vector.broadcast %reduce_max3A_751 : i1 to vector<16xi1>
      %reduce_max3A_753 = arith.constant -2147483648 : i32
      %reduce_max3A_754 = vector.broadcast %reduce_max3A_753 : i32 to vector<16xi32>
      %reduce_max3A_755 = arith.xori %or3A_750, %reduce_max3A_754 : vector<16xi32>
      %reduce_max3A_756 = tpu.scan <max>, %reduce_max3A_755 masked %reduce_max3A_752 : vector<16xi32>, vector<16xi1> -> vector<16xi32>
      %reduce_max3A_757 = arith.xori %reduce_max3A_756, %reduce_max3A_754 : vector<16xi32>
      %reduce_max3A_758 = vector.extract %reduce_max3A_757[15] : i32 from vector<16xi32>
      %gt3A_759 = arith.constant 0 : i32
      %gt3A_760 = arith.cmpi sgt, %reduce_max3A_758, %gt3A_759 : i32
      %jit3A_761 = arith.constant 16 : i32
      %div3A_762 = arith.divsi %while3A_181, %jit3A_761 : i32
      %sign3A = arith.constant 0 : i32
      %sign3A_763 = arith.cmpi sgt, %while3A_181, %sign3A : i32
      %sign3A_764 = arith.extui %sign3A_763 : i1 to i32
      %sign3A_765 = arith.constant 0 : i32
      %sign3A_766 = arith.cmpi slt, %while3A_181, %sign3A_765 : i32
      %sign3A_767 = arith.extui %sign3A_766 : i1 to i32
      %sign3A_768 = arith.subi %sign3A_764, %sign3A_767 : i32
      %sign3A_769 = arith.constant 0 : i32
      %sign3A_770 = arith.cmpi sgt, %jit3A_761, %sign3A_769 : i32
      %sign3A_771 = arith.extui %sign3A_770 : i1 to i32
      %sign3A_772 = arith.constant 0 : i32
      %sign3A_773 = arith.cmpi slt, %jit3A_761, %sign3A_772 : i32
      %sign3A_774 = arith.extui %sign3A_773 : i1 to i32
      %sign3A_775 = arith.subi %sign3A_771, %sign3A_774 : i32
      %ne3A = arith.cmpi ne, %sign3A_768, %sign3A_775 : i32
      %rem3A = arith.remsi %while3A_181, %jit3A_761 : i32
      %ne3A_776 = arith.constant 0 : i32
      %ne3A_777 = arith.cmpi ne, %rem3A, %ne3A_776 : i32
      %and3A_778 = arith.andi %ne3A, %ne3A_777 : i1
      %sub3A_779 = arith.constant 1 : i32
      %sub3A_780 = arith.subi %div3A_762, %sub3A_779 : i32
      %select_n3A_781 = arith.select %and3A_778, %sub3A_780, %div3A_762 : i32
      %mul3A_782 = arith.constant 16 : i32
      %mul3A_783 = arith.muli %select_n3A_781, %mul3A_782 : i32
      %jit3A_784 = arith.constant 16 : i32
      %eq3A_785 = arith.constant 0 : i32
      %eq3A_786 = arith.cmpi eq, %jit3A_784, %eq3A_785 : i32
      %jit3A_787 = arith.constant 1 : i32
      %select_n3A_788 = arith.select %eq3A_786, %jit3A_787, %jit3A_784 : i32
      %rem3A_789 = arith.remsi %while3A_181, %select_n3A_788 : i32
      %ne3A_790 = arith.constant 0 : i32
      %ne3A_791 = arith.cmpi ne, %rem3A_789, %ne3A_790 : i32
      %lt3A_792 = arith.constant 0 : i32
      %lt3A_793 = arith.cmpi slt, %rem3A_789, %lt3A_792 : i32
      %lt3A_794 = arith.constant 0 : i32
      %lt3A_795 = arith.cmpi slt, %select_n3A_788, %lt3A_794 : i32
      %ne3A_796 = arith.xori %lt3A_793, %lt3A_795 : i1
      %and3A_797 = arith.andi %ne3A_796, %ne3A_791 : i1
      %add3A_798 = arith.addi %rem3A_789, %select_n3A_788 : i32
      %select_n3A_799 = arith.select %and3A_797, %add3A_798, %rem3A_789 : i32
      %eq3A_800 = vector.broadcast %select_n3A_799 : i32 to vector<16xi32>
      %eq3A_801 = arith.cmpi eq, %iota3A, %eq3A_800 : vector<16xi32>
      %not3A = arith.constant true
      %not3A_802 = arith.xori %gt3A_760, %not3A : i1
      %and3A_803 = vector.broadcast %not3A_802 : i1 to vector<16xi1>
      %and3A_804 = arith.andi %eq3A_801, %and3A_803 : vector<16xi1>
      %get3A_805 = arith.index_cast %mul3A_783 : i32 to index
      %get3A_806 = tpu.vector_load %arg15[%get3A_805] {strides = array<i32>} : memref<112xf32, #tpu.memory_space<vmem>>, vector<16xf32>,
      %broadcast_in_dim3A_807 = vector.broadcast %reduce_max3A_298 : f32 to vector<16xf32>
      %select_n3A_808 = arith.select %and3A_804, %broadcast_in_dim3A_807, %get3A_806 : vector<16xi1>, vector<16xf32>
      %swap3A_809 = arith.index_cast %mul3A_783 : i32 to index
      %swap3A_810 = tpu.vector_load %arg15[%swap3A_809] {strides = array<i32>} : memref<112xf32, #tpu.memory_space<vmem>>, vector<16xf32>,
      tpu.vector_store %arg15[%swap3A_809], %select_n3A_808 {strides = array<i32>} : memref<112xf32, #tpu.memory_space<vmem>>, vector<16xf32>,
      %get3A_811 = arith.index_cast %mul3A_783 : i32 to index
      %get3A_812 = tpu.vector_load %arg16[%get3A_811] {strides = array<i32>} : memref<112xf32, #tpu.memory_space<vmem>>, vector<16xf32>,
      %broadcast_in_dim3A_813 = vector.broadcast %reduce_max3A_308 : f32 to vector<16xf32>
      %select_n3A_814 = arith.select %and3A_804, %broadcast_in_dim3A_813, %get3A_812 : vector<16xi1>, vector<16xf32>
      %swap3A_815 = arith.index_cast %mul3A_783 : i32 to index
      %swap3A_816 = tpu.vector_load %arg16[%swap3A_815] {strides = array<i32>} : memref<112xf32, #tpu.memory_space<vmem>>, vector<16xf32>,
      tpu.vector_store %arg16[%swap3A_815], %select_n3A_814 {strides = array<i32>} : memref<112xf32, #tpu.memory_space<vmem>>, vector<16xf32>,
      %get3A_817 = arith.index_cast %mul3A_783 : i32 to index
      %get3A_818 = tpu.vector_load %arg17[%get3A_817] {strides = array<i32>} : memref<112xf32, #tpu.memory_space<vmem>>, vector<16xf32>,
      %broadcast_in_dim3A_819 = vector.broadcast %reduce_max3A_318 : f32 to vector<16xf32>
      %select_n3A_820 = arith.select %and3A_804, %broadcast_in_dim3A_819, %get3A_818 : vector<16xi1>, vector<16xf32>
      %swap3A_821 = arith.index_cast %mul3A_783 : i32 to index
      %swap3A_822 = tpu.vector_load %arg17[%swap3A_821] {strides = array<i32>} : memref<112xf32, #tpu.memory_space<vmem>>, vector<16xf32>,
      tpu.vector_store %arg17[%swap3A_821], %select_n3A_820 {strides = array<i32>} : memref<112xf32, #tpu.memory_space<vmem>>, vector<16xf32>,
      %get3A_823 = arith.index_cast %mul3A_783 : i32 to index
      %get3A_824 = tpu.vector_load %arg18[%get3A_823] {strides = array<i32>} : memref<112xf32, #tpu.memory_space<vmem>>, vector<16xf32>,
      %broadcast_in_dim3A_825 = vector.broadcast %reduce_max3A_328 : f32 to vector<16xf32>
      %select_n3A_826 = arith.select %and3A_804, %broadcast_in_dim3A_825, %get3A_824 : vector<16xi1>, vector<16xf32>
      %swap3A_827 = arith.index_cast %mul3A_783 : i32 to index
      %swap3A_828 = tpu.vector_load %arg18[%swap3A_827] {strides = array<i32>} : memref<112xf32, #tpu.memory_space<vmem>>, vector<16xf32>,
      tpu.vector_store %arg18[%swap3A_827], %select_n3A_826 {strides = array<i32>} : memref<112xf32, #tpu.memory_space<vmem>>, vector<16xf32>,
      %get3A_829 = arith.index_cast %mul3A_783 : i32 to index
      %get3A_830 = tpu.vector_load %arg19[%get3A_829] {strides = array<i32>} : memref<112xf32, #tpu.memory_space<vmem>>, vector<16xf32>,
      %broadcast_in_dim3A_831 = vector.broadcast %mul3A_387 : f32 to vector<16xf32>
      %select_n3A_832 = arith.select %and3A_804, %broadcast_in_dim3A_831, %get3A_830 : vector<16xi1>, vector<16xf32>
      %swap3A_833 = arith.index_cast %mul3A_783 : i32 to index
      %swap3A_834 = tpu.vector_load %arg19[%swap3A_833] {strides = array<i32>} : memref<112xf32, #tpu.memory_space<vmem>>, vector<16xf32>,
      tpu.vector_store %arg19[%swap3A_833], %select_n3A_832 {strides = array<i32>} : memref<112xf32, #tpu.memory_space<vmem>>, vector<16xf32>,
      %jit3A_835 = arith.constant 0.000000e+00 : f32
      %jit3A_836 = arith.constant 1.000000e+00 : f32
      %max3A_837 = arith.maximumf %jit3A_835, %reduce_max3A_298 : f32
      %min3A_838 = arith.minimumf %jit3A_836, %max3A_837 : f32
      %get3A_839 = arith.index_cast %mul3A_783 : i32 to index
      %get3A_840 = tpu.vector_load %arg20[%get3A_839] {strides = array<i32>} : memref<128xf32, #tpu.memory_space<vmem>>, vector<16xf32>,
      %broadcast_in_dim3A_841 = vector.broadcast %min3A_838 : f32 to vector<16xf32>
      %select_n3A_842 = arith.select %and3A_804, %broadcast_in_dim3A_841, %get3A_840 : vector<16xi1>, vector<16xf32>
      %swap3A_843 = arith.index_cast %mul3A_783 : i32 to index
      %swap3A_844 = tpu.vector_load %arg20[%swap3A_843] {strides = array<i32>} : memref<128xf32, #tpu.memory_space<vmem>>, vector<16xf32>,
      tpu.vector_store %arg20[%swap3A_843], %select_n3A_842 {strides = array<i32>} : memref<128xf32, #tpu.memory_space<vmem>>, vector<16xf32>,
      %jit3A_845 = arith.constant 0.000000e+00 : f32
      %jit3A_846 = arith.constant 1.000000e+00 : f32
      %max3A_847 = arith.maximumf %jit3A_845, %reduce_max3A_308 : f32
      %min3A_848 = arith.minimumf %jit3A_846, %max3A_847 : f32
      %get3A_849 = arith.index_cast %mul3A_783 : i32 to index
      %get3A_850 = tpu.vector_load %arg21[%get3A_849] {strides = array<i32>} : memref<128xf32, #tpu.memory_space<vmem>>, vector<16xf32>,
      %broadcast_in_dim3A_851 = vector.broadcast %min3A_848 : f32 to vector<16xf32>
      %select_n3A_852 = arith.select %and3A_804, %broadcast_in_dim3A_851, %get3A_850 : vector<16xi1>, vector<16xf32>
      %swap3A_853 = arith.index_cast %mul3A_783 : i32 to index
      %swap3A_854 = tpu.vector_load %arg21[%swap3A_853] {strides = array<i32>} : memref<128xf32, #tpu.memory_space<vmem>>, vector<16xf32>,
      tpu.vector_store %arg21[%swap3A_853], %select_n3A_852 {strides = array<i32>} : memref<128xf32, #tpu.memory_space<vmem>>, vector<16xf32>,
      %jit3A_855 = arith.constant 0.000000e+00 : f32
      %jit3A_856 = arith.constant 1.000000e+00 : f32
      %max3A_857 = arith.maximumf %jit3A_855, %reduce_max3A_318 : f32
      %min3A_858 = arith.minimumf %jit3A_856, %max3A_857 : f32
      %get3A_859 = arith.index_cast %mul3A_783 : i32 to index
      %get3A_860 = tpu.vector_load %arg22[%get3A_859] {strides = array<i32>} : memref<128xf32, #tpu.memory_space<vmem>>, vector<16xf32>,
      %broadcast_in_dim3A_861 = vector.broadcast %min3A_858 : f32 to vector<16xf32>
      %select_n3A_862 = arith.select %and3A_804, %broadcast_in_dim3A_861, %get3A_860 : vector<16xi1>, vector<16xf32>
      %swap3A_863 = arith.index_cast %mul3A_783 : i32 to index
      %swap3A_864 = tpu.vector_load %arg22[%swap3A_863] {strides = array<i32>} : memref<128xf32, #tpu.memory_space<vmem>>, vector<16xf32>,
      tpu.vector_store %arg22[%swap3A_863], %select_n3A_862 {strides = array<i32>} : memref<128xf32, #tpu.memory_space<vmem>>, vector<16xf32>,
      %jit3A_865 = arith.constant 0.000000e+00 : f32
      %jit3A_866 = arith.constant 1.000000e+00 : f32
      %max3A_867 = arith.maximumf %jit3A_865, %reduce_max3A_328 : f32
      %min3A_868 = arith.minimumf %jit3A_866, %max3A_867 : f32
      %get3A_869 = arith.index_cast %mul3A_783 : i32 to index
      %get3A_870 = tpu.vector_load %arg23[%get3A_869] {strides = array<i32>} : memref<128xf32, #tpu.memory_space<vmem>>, vector<16xf32>,
      %broadcast_in_dim3A_871 = vector.broadcast %min3A_868 : f32 to vector<16xf32>
      %select_n3A_872 = arith.select %and3A_804, %broadcast_in_dim3A_871, %get3A_870 : vector<16xi1>, vector<16xf32>
      %swap3A_873 = arith.index_cast %mul3A_783 : i32 to index
      %swap3A_874 = tpu.vector_load %arg23[%swap3A_873] {strides = array<i32>} : memref<128xf32, #tpu.memory_space<vmem>>, vector<16xf32>,
      tpu.vector_store %arg23[%swap3A_873], %select_n3A_872 {strides = array<i32>} : memref<128xf32, #tpu.memory_space<vmem>>, vector<16xf32>,
      %get3A_875 = arith.index_cast %mul3A_783 : i32 to index
      %get3A_876 = tpu.vector_load %arg24[%get3A_875] {strides = array<i32>} : memref<128xf32, #tpu.memory_space<vmem>>, vector<16xf32>,
      %broadcast_in_dim3A_877 = vector.broadcast %while3A_185 : f32 to vector<16xf32>
      %select_n3A_878 = arith.select %and3A_804, %broadcast_in_dim3A_877, %get3A_876 : vector<16xi1>, vector<16xf32>
      %swap3A_879 = arith.index_cast %mul3A_783 : i32 to index
      %swap3A_880 = tpu.vector_load %arg24[%swap3A_879] {strides = array<i32>} : memref<128xf32, #tpu.memory_space<vmem>>, vector<16xf32>,
      tpu.vector_store %arg24[%swap3A_879], %select_n3A_878 {strides = array<i32>} : memref<128xf32, #tpu.memory_space<vmem>>, vector<16xf32>,
      %add3A_881 = arith.constant 1 : i32
      %add3A_882 = arith.addi %while3A_181, %add3A_881 : i32
      %select_n3A_883 = arith.select %gt3A_760, %while3A_181, %add3A_882 : i32
      %reduce_max3A_884 = arith.constant true
      %reduce_max3A_885 = vector.broadcast %reduce_max3A_884 : i1 to vector<16xi1>
      %reduce_max3A_886 = tpu.scan <max>, %select_n3A_358 masked %reduce_max3A_885 : vector<16xf32>, vector<16xi1> -> vector<16xf32>
      %reduce_max3A_887 = vector.extract %reduce_max3A_886[15] : f32 from vector<16xf32>
      %reduce_max3A_888 = arith.constant true
      %reduce_max3A_889 = vector.broadcast %reduce_max3A_888 : i1 to vector<16xi1>
      %reduce_max3A_890 = tpu.scan <max>, %select_n3A_370 masked %reduce_max3A_889 : vector<16xf32>, vector<16xi1> -> vector<16xf32>
      %reduce_max3A_891 = vector.extract %reduce_max3A_890[15] : f32 from vector<16xf32>
      %max3A_892 = arith.maximumf %reduce_max3A_887, %reduce_max3A_891 : f32
      %reduce_max3A_893 = arith.constant true
      %reduce_max3A_894 = vector.broadcast %reduce_max3A_893 : i1 to vector<16xi1>
      %reduce_max3A_895 = tpu.scan <max>, %select_n3A_380 masked %reduce_max3A_894 : vector<16xf32>, vector<16xi1> -> vector<16xf32>
      %reduce_max3A_896 = vector.extract %reduce_max3A_895[15] : f32 from vector<16xf32>
      %max3A_897 = arith.maximumf %max3A_892, %reduce_max3A_896 : f32
      scf.yield %select_n3A_883, %select_n3A_358, %select_n3A_370, %select_n3A_380, %max3A_897 : i32, vector<16xf32>, vector<16xf32>, vector<16xf32>, f32
    }
    %eq3A = arith.constant 0 : i32
    %eq3A_172 = vector.broadcast %eq3A : i32 to vector<16xi32>
    %eq3A_173 = arith.cmpi eq, %iota3A, %eq3A_172 : vector<16xi32>
    %convert_element_type3A = arith.sitofp %while3A_171#0 : i32 to f32
    %jit3A = arith.constant 0.000000e+00 : f32
    %broadcast_in_dim3A_174 = vector.broadcast %convert_element_type3A : f32 to vector<16xf32>
    %broadcast_in_dim3A_175 = vector.broadcast %jit3A : f32 to vector<16xf32>
    %select_n3A = arith.select %eq3A_173, %broadcast_in_dim3A_174, %broadcast_in_dim3A_175 : vector<16xi1>, vector<16xf32>
    %swap3A_176 = arith.constant 0 : index
    %swap3A_177 = tpu.vector_load %arg25[%swap3A_176] {strides = array<i32>} : memref<16xf32, #tpu.memory_space<vmem>>, vector<16xf32>,
    tpu.vector_store %arg25[%swap3A_176], %select_n3A {strides = array<i32>} : memref<16xf32, #tpu.memory_space<vmem>>, vector<16xf32>,
    %lt3A = arith.constant 16 : i32
    %lt3A_178 = arith.cmpi slt, %add3A, %lt3A : i32
    %convert_element_type3A_179 = arith.extui %lt3A_178 : i1 to i32
    %cond3A = arith.constant 0 : i32
    %cond3A_180 = arith.cmpi ne, %convert_element_type3A_179, %cond3A : i32
    scf.if %cond3A_180 {
      "tpu.region"() ({
        %run_scoped3A = tpu.sem_alloc : memref<!tpu.dma_semaphore, #tpu.memory_space<semaphore_mem>>
        %dma_start3A = arith.constant 0 : i32
        %dma_start3A_181 = tpu.memref_slice %arg6[%min3A_1, %dma_start3A] : memref<16x128xf32, #tpu.memory_space<hbm>> -> memref<1x128xf32, #tpu.memory_space<hbm>>
        %dma_start3A_182 = tpu.memref_squeeze %dma_start3A_181 : memref<1x128xf32, #tpu.memory_space<hbm>> -> memref<128xf32, #tpu.memory_space<hbm>>
        %dma_start3A_183 = arith.constant 0 : i32
        %dma_start3A_184 = tpu.memref_slice %arg6[%min3A_1, %dma_start3A_183] : memref<16x128xf32, #tpu.memory_space<hbm>> -> memref<1x128xf32, #tpu.memory_space<hbm>>
        %dma_start3A_185 = tpu.memref_squeeze %dma_start3A_184 : memref<1x128xf32, #tpu.memory_space<hbm>> -> memref<128xf32, #tpu.memory_space<hbm>>
        tpu.enqueue_dma source(%arg20 : memref<128xf32, #tpu.memory_space<vmem>>) target(%dma_start3A_185 : memref<128xf32, #tpu.memory_space<hbm>>) target_semaphore(%run_scoped3A : memref<!tpu.dma_semaphore, #tpu.memory_space<semaphore_mem>>)
        %dma_wait3A = arith.constant 0 : i32
        %dma_wait3A_186 = tpu.memref_slice %arg6[%min3A_1, %dma_wait3A] : memref<16x128xf32, #tpu.memory_space<hbm>> -> memref<1x128xf32, #tpu.memory_space<hbm>>
        %dma_wait3A_187 = tpu.memref_squeeze %dma_wait3A_186 : memref<1x128xf32, #tpu.memory_space<hbm>> -> memref<128xf32, #tpu.memory_space<hbm>>
        %dma_wait3A_188 = arith.constant 0 : i32
        %dma_wait3A_189 = tpu.memref_slice %arg6[%min3A_1, %dma_wait3A_188] : memref<16x128xf32, #tpu.memory_space<hbm>> -> memref<1x128xf32, #tpu.memory_space<hbm>>
        %dma_wait3A_190 = tpu.memref_squeeze %dma_wait3A_189 : memref<1x128xf32, #tpu.memory_space<hbm>> -> memref<128xf32, #tpu.memory_space<hbm>>
        tpu.wait_dma2 semaphore(%run_scoped3A : memref<!tpu.dma_semaphore, #tpu.memory_space<semaphore_mem>>) src(%arg20 : memref<128xf32, #tpu.memory_space<vmem>>) dst(%dma_wait3A_190 : memref<128xf32, #tpu.memory_space<hbm>>)
        tpu.yield
      }) : () -> ()
      "tpu.region"() ({
        %run_scoped3A = tpu.sem_alloc : memref<!tpu.dma_semaphore, #tpu.memory_space<semaphore_mem>>
        %dma_start3A = arith.constant 0 : i32
        %dma_start3A_181 = tpu.memref_slice %arg7[%min3A_1, %dma_start3A] : memref<16x128xf32, #tpu.memory_space<hbm>> -> memref<1x128xf32, #tpu.memory_space<hbm>>
        %dma_start3A_182 = tpu.memref_squeeze %dma_start3A_181 : memref<1x128xf32, #tpu.memory_space<hbm>> -> memref<128xf32, #tpu.memory_space<hbm>>
        %dma_start3A_183 = arith.constant 0 : i32
        %dma_start3A_184 = tpu.memref_slice %arg7[%min3A_1, %dma_start3A_183] : memref<16x128xf32, #tpu.memory_space<hbm>> -> memref<1x128xf32, #tpu.memory_space<hbm>>
        %dma_start3A_185 = tpu.memref_squeeze %dma_start3A_184 : memref<1x128xf32, #tpu.memory_space<hbm>> -> memref<128xf32, #tpu.memory_space<hbm>>
        tpu.enqueue_dma source(%arg21 : memref<128xf32, #tpu.memory_space<vmem>>) target(%dma_start3A_185 : memref<128xf32, #tpu.memory_space<hbm>>) target_semaphore(%run_scoped3A : memref<!tpu.dma_semaphore, #tpu.memory_space<semaphore_mem>>)
        %dma_wait3A = arith.constant 0 : i32
        %dma_wait3A_186 = tpu.memref_slice %arg7[%min3A_1, %dma_wait3A] : memref<16x128xf32, #tpu.memory_space<hbm>> -> memref<1x128xf32, #tpu.memory_space<hbm>>
        %dma_wait3A_187 = tpu.memref_squeeze %dma_wait3A_186 : memref<1x128xf32, #tpu.memory_space<hbm>> -> memref<128xf32, #tpu.memory_space<hbm>>
        %dma_wait3A_188 = arith.constant 0 : i32
        %dma_wait3A_189 = tpu.memref_slice %arg7[%min3A_1, %dma_wait3A_188] : memref<16x128xf32, #tpu.memory_space<hbm>> -> memref<1x128xf32, #tpu.memory_space<hbm>>
        %dma_wait3A_190 = tpu.memref_squeeze %dma_wait3A_189 : memref<1x128xf32, #tpu.memory_space<hbm>> -> memref<128xf32, #tpu.memory_space<hbm>>
        tpu.wait_dma2 semaphore(%run_scoped3A : memref<!tpu.dma_semaphore, #tpu.memory_space<semaphore_mem>>) src(%arg21 : memref<128xf32, #tpu.memory_space<vmem>>) dst(%dma_wait3A_190 : memref<128xf32, #tpu.memory_space<hbm>>)
        tpu.yield
      }) : () -> ()
      "tpu.region"() ({
        %run_scoped3A = tpu.sem_alloc : memref<!tpu.dma_semaphore, #tpu.memory_space<semaphore_mem>>
        %dma_start3A = arith.constant 0 : i32
        %dma_start3A_181 = tpu.memref_slice %arg8[%min3A_1, %dma_start3A] : memref<16x128xf32, #tpu.memory_space<hbm>> -> memref<1x128xf32, #tpu.memory_space<hbm>>
        %dma_start3A_182 = tpu.memref_squeeze %dma_start3A_181 : memref<1x128xf32, #tpu.memory_space<hbm>> -> memref<128xf32, #tpu.memory_space<hbm>>
        %dma_start3A_183 = arith.constant 0 : i32
        %dma_start3A_184 = tpu.memref_slice %arg8[%min3A_1, %dma_start3A_183] : memref<16x128xf32, #tpu.memory_space<hbm>> -> memref<1x128xf32, #tpu.memory_space<hbm>>
        %dma_start3A_185 = tpu.memref_squeeze %dma_start3A_184 : memref<1x128xf32, #tpu.memory_space<hbm>> -> memref<128xf32, #tpu.memory_space<hbm>>
        tpu.enqueue_dma source(%arg22 : memref<128xf32, #tpu.memory_space<vmem>>) target(%dma_start3A_185 : memref<128xf32, #tpu.memory_space<hbm>>) target_semaphore(%run_scoped3A : memref<!tpu.dma_semaphore, #tpu.memory_space<semaphore_mem>>)
        %dma_wait3A = arith.constant 0 : i32
        %dma_wait3A_186 = tpu.memref_slice %arg8[%min3A_1, %dma_wait3A] : memref<16x128xf32, #tpu.memory_space<hbm>> -> memref<1x128xf32, #tpu.memory_space<hbm>>
        %dma_wait3A_187 = tpu.memref_squeeze %dma_wait3A_186 : memref<1x128xf32, #tpu.memory_space<hbm>> -> memref<128xf32, #tpu.memory_space<hbm>>
        %dma_wait3A_188 = arith.constant 0 : i32
        %dma_wait3A_189 = tpu.memref_slice %arg8[%min3A_1, %dma_wait3A_188] : memref<16x128xf32, #tpu.memory_space<hbm>> -> memref<1x128xf32, #tpu.memory_space<hbm>>
        %dma_wait3A_190 = tpu.memref_squeeze %dma_wait3A_189 : memref<1x128xf32, #tpu.memory_space<hbm>> -> memref<128xf32, #tpu.memory_space<hbm>>
        tpu.wait_dma2 semaphore(%run_scoped3A : memref<!tpu.dma_semaphore, #tpu.memory_space<semaphore_mem>>) src(%arg22 : memref<128xf32, #tpu.memory_space<vmem>>) dst(%dma_wait3A_190 : memref<128xf32, #tpu.memory_space<hbm>>)
        tpu.yield
      }) : () -> ()
      "tpu.region"() ({
        %run_scoped3A = tpu.sem_alloc : memref<!tpu.dma_semaphore, #tpu.memory_space<semaphore_mem>>
        %dma_start3A = arith.constant 0 : i32
        %dma_start3A_181 = tpu.memref_slice %arg9[%min3A_1, %dma_start3A] : memref<16x128xf32, #tpu.memory_space<hbm>> -> memref<1x128xf32, #tpu.memory_space<hbm>>
        %dma_start3A_182 = tpu.memref_squeeze %dma_start3A_181 : memref<1x128xf32, #tpu.memory_space<hbm>> -> memref<128xf32, #tpu.memory_space<hbm>>
        %dma_start3A_183 = arith.constant 0 : i32
        %dma_start3A_184 = tpu.memref_slice %arg9[%min3A_1, %dma_start3A_183] : memref<16x128xf32, #tpu.memory_space<hbm>> -> memref<1x128xf32, #tpu.memory_space<hbm>>
        %dma_start3A_185 = tpu.memref_squeeze %dma_start3A_184 : memref<1x128xf32, #tpu.memory_space<hbm>> -> memref<128xf32, #tpu.memory_space<hbm>>
        tpu.enqueue_dma source(%arg23 : memref<128xf32, #tpu.memory_space<vmem>>) target(%dma_start3A_185 : memref<128xf32, #tpu.memory_space<hbm>>) target_semaphore(%run_scoped3A : memref<!tpu.dma_semaphore, #tpu.memory_space<semaphore_mem>>)
        %dma_wait3A = arith.constant 0 : i32
        %dma_wait3A_186 = tpu.memref_slice %arg9[%min3A_1, %dma_wait3A] : memref<16x128xf32, #tpu.memory_space<hbm>> -> memref<1x128xf32, #tpu.memory_space<hbm>>
        %dma_wait3A_187 = tpu.memref_squeeze %dma_wait3A_186 : memref<1x128xf32, #tpu.memory_space<hbm>> -> memref<128xf32, #tpu.memory_space<hbm>>
        %dma_wait3A_188 = arith.constant 0 : i32
        %dma_wait3A_189 = tpu.memref_slice %arg9[%min3A_1, %dma_wait3A_188] : memref<16x128xf32, #tpu.memory_space<hbm>> -> memref<1x128xf32, #tpu.memory_space<hbm>>
        %dma_wait3A_190 = tpu.memref_squeeze %dma_wait3A_189 : memref<1x128xf32, #tpu.memory_space<hbm>> -> memref<128xf32, #tpu.memory_space<hbm>>
        tpu.wait_dma2 semaphore(%run_scoped3A : memref<!tpu.dma_semaphore, #tpu.memory_space<semaphore_mem>>) src(%arg23 : memref<128xf32, #tpu.memory_space<vmem>>) dst(%dma_wait3A_190 : memref<128xf32, #tpu.memory_space<hbm>>)
        tpu.yield
      }) : () -> ()
      "tpu.region"() ({
        %run_scoped3A = tpu.sem_alloc : memref<!tpu.dma_semaphore, #tpu.memory_space<semaphore_mem>>
        %dma_start3A = arith.constant 0 : i32
        %dma_start3A_181 = tpu.memref_slice %arg10[%min3A_1, %dma_start3A] : memref<16x128xf32, #tpu.memory_space<hbm>> -> memref<1x128xf32, #tpu.memory_space<hbm>>
        %dma_start3A_182 = tpu.memref_squeeze %dma_start3A_181 : memref<1x128xf32, #tpu.memory_space<hbm>> -> memref<128xf32, #tpu.memory_space<hbm>>
        %dma_start3A_183 = arith.constant 0 : i32
        %dma_start3A_184 = tpu.memref_slice %arg10[%min3A_1, %dma_start3A_183] : memref<16x128xf32, #tpu.memory_space<hbm>> -> memref<1x128xf32, #tpu.memory_space<hbm>>
        %dma_start3A_185 = tpu.memref_squeeze %dma_start3A_184 : memref<1x128xf32, #tpu.memory_space<hbm>> -> memref<128xf32, #tpu.memory_space<hbm>>
        tpu.enqueue_dma source(%arg24 : memref<128xf32, #tpu.memory_space<vmem>>) target(%dma_start3A_185 : memref<128xf32, #tpu.memory_space<hbm>>) target_semaphore(%run_scoped3A : memref<!tpu.dma_semaphore, #tpu.memory_space<semaphore_mem>>)
        %dma_wait3A = arith.constant 0 : i32
        %dma_wait3A_186 = tpu.memref_slice %arg10[%min3A_1, %dma_wait3A] : memref<16x128xf32, #tpu.memory_space<hbm>> -> memref<1x128xf32, #tpu.memory_space<hbm>>
        %dma_wait3A_187 = tpu.memref_squeeze %dma_wait3A_186 : memref<1x128xf32, #tpu.memory_space<hbm>> -> memref<128xf32, #tpu.memory_space<hbm>>
        %dma_wait3A_188 = arith.constant 0 : i32
        %dma_wait3A_189 = tpu.memref_slice %arg10[%min3A_1, %dma_wait3A_188] : memref<16x128xf32, #tpu.memory_space<hbm>> -> memref<1x128xf32, #tpu.memory_space<hbm>>
        %dma_wait3A_190 = tpu.memref_squeeze %dma_wait3A_189 : memref<1x128xf32, #tpu.memory_space<hbm>> -> memref<128xf32, #tpu.memory_space<hbm>>
        tpu.wait_dma2 semaphore(%run_scoped3A : memref<!tpu.dma_semaphore, #tpu.memory_space<semaphore_mem>>) src(%arg24 : memref<128xf32, #tpu.memory_space<vmem>>) dst(%dma_wait3A_190 : memref<128xf32, #tpu.memory_space<hbm>>)
        tpu.yield
      }) : () -> ()
      "tpu.region"() ({
        %run_scoped3A = tpu.sem_alloc : memref<!tpu.dma_semaphore, #tpu.memory_space<semaphore_mem>>
        %dma_start3A = arith.constant 0 : i32
        %dma_start3A_181 = tpu.memref_slice %arg11[%min3A_1, %dma_start3A] : memref<16x16xf32, #tpu.memory_space<hbm>> -> memref<1x16xf32, #tpu.memory_space<hbm>>
        %dma_start3A_182 = tpu.memref_squeeze %dma_start3A_181 : memref<1x16xf32, #tpu.memory_space<hbm>> -> memref<16xf32, #tpu.memory_space<hbm>>
        %dma_start3A_183 = arith.constant 0 : i32
        %dma_start3A_184 = tpu.memref_slice %arg11[%min3A_1, %dma_start3A_183] : memref<16x16xf32, #tpu.memory_space<hbm>> -> memref<1x16xf32, #tpu.memory_space<hbm>>
        %dma_start3A_185 = tpu.memref_squeeze %dma_start3A_184 : memref<1x16xf32, #tpu.memory_space<hbm>> -> memref<16xf32, #tpu.memory_space<hbm>>
        tpu.enqueue_dma source(%arg25 : memref<16xf32, #tpu.memory_space<vmem>>) target(%dma_start3A_185 : memref<16xf32, #tpu.memory_space<hbm>>) target_semaphore(%run_scoped3A : memref<!tpu.dma_semaphore, #tpu.memory_space<semaphore_mem>>)
        %dma_wait3A = arith.constant 0 : i32
        %dma_wait3A_186 = tpu.memref_slice %arg11[%min3A_1, %dma_wait3A] : memref<16x16xf32, #tpu.memory_space<hbm>> -> memref<1x16xf32, #tpu.memory_space<hbm>>
        %dma_wait3A_187 = tpu.memref_squeeze %dma_wait3A_186 : memref<1x16xf32, #tpu.memory_space<hbm>> -> memref<16xf32, #tpu.memory_space<hbm>>
        %dma_wait3A_188 = arith.constant 0 : i32
        %dma_wait3A_189 = tpu.memref_slice %arg11[%min3A_1, %dma_wait3A_188] : memref<16x16xf32, #tpu.memory_space<hbm>> -> memref<1x16xf32, #tpu.memory_space<hbm>>
        %dma_wait3A_190 = tpu.memref_squeeze %dma_wait3A_189 : memref<1x16xf32, #tpu.memory_space<hbm>> -> memref<16xf32, #tpu.memory_space<hbm>>
        tpu.wait_dma2 semaphore(%run_scoped3A : memref<!tpu.dma_semaphore, #tpu.memory_space<semaphore_mem>>) src(%arg25 : memref<16xf32, #tpu.memory_space<vmem>>) dst(%dma_wait3A_190 : memref<16xf32, #tpu.memory_space<hbm>>)
        tpu.yield
      }) : () -> ()
    } else {
    }
    return
  }
}

module attributes {stable_mosaic.version = 14 : i64} {
  func.func @_score_body(%arg0: i32, %arg1: memref<1x507x80xf32, #tpu.memory_space<vmem>>, %arg2: memref<1x2028x80xf32, #tpu.memory_space<vmem>>, %arg3: memref<1x8112x80xf32, #tpu.memory_space<vmem>>, %arg4: memref<1x1x507xf32, #tpu.memory_space<vmem>>, %arg5: memref<1x1x2028xf32, #tpu.memory_space<vmem>>, %arg6: memref<1x1x8112xf32, #tpu.memory_space<vmem>>, %arg7: memref<1x1x10752xf32, #tpu.memory_space<vmem>>) attributes {dimension_semantics = [#tpu.dimension_semantics<arbitrary>], iteration_bounds = array<i64: 16>, scalar_prefetch = 0 : i64, scratch_operands = 0 : i64, tpu.core_type = #tpu.core_type<tc>, window_params = [{transform_indices = @transform_0, window_bounds = array<i64: 1, 507, 80>}, {transform_indices = @transform_1, window_bounds = array<i64: 1, 2028, 80>}, {transform_indices = @transform_2, window_bounds = array<i64: 1, 8112, 80>}, {transform_indices = @transform_3, window_bounds = array<i64: 1, 1, 507>}, {transform_indices = @transform_4, window_bounds = array<i64: 1, 1, 2028>}, {transform_indices = @transform_5, window_bounds = array<i64: 1, 1, 8112>}, {transform_indices = @transform_6, window_bounds = array<i64: 1, 1, 10752>}]} {
    %get3A = arith.constant 0 : index
    %get3A_0 = arith.constant 0 : index
    %get3A_1 = arith.constant 0 : index
    %get3A_2 = vector.load %arg1[%get3A, %get3A_0, %get3A_1] : memref<1x507x80xf32, #tpu.memory_space<vmem>>, vector<1x507x80xf32>
    %get3A_3 = vector.shape_cast %get3A_2 : vector<1x507x80xf32> to vector<507x80xf32>
    %reduce_max3A = arith.constant dense<0xFF800000> : vector<507xf32>
    %reduce_max3A_4 = vector.multi_reduction <maximumf>, %get3A_3, %reduce_max3A [1] : vector<507x80xf32> to vector<507xf32>
    %broadcast_in_dim3A = vector.shape_cast %reduce_max3A_4 : vector<507xf32> to vector<507x1xf32>
    %iota3A = tpu.iota {dimensions = array<i32: 1>} : vector<507x80xi32>
    %eq3A = vector.broadcast %broadcast_in_dim3A : vector<507x1xf32> to vector<507x80xf32>
    %eq3A_5 = arith.cmpf oeq, %get3A_3, %eq3A : vector<507x80xf32>
    %jit3A = arith.constant 80 : i32
    %broadcast_in_dim3A_6 = vector.broadcast %jit3A : i32 to vector<507x80xi32>
    %select_n3A = arith.select %eq3A_5, %iota3A, %broadcast_in_dim3A_6 : vector<507x80xi1>, vector<507x80xi32>
    %reduce_min3A = arith.constant dense<2147483647> : vector<507xi32>
    %reduce_min3A_7 = vector.multi_reduction <minsi>, %select_n3A, %reduce_min3A [1] : vector<507x80xi32> to vector<507xi32>
    %broadcast_in_dim3A_8 = vector.shape_cast %reduce_min3A_7 : vector<507xi32> to vector<507x1xi32>
    %get3A_9 = arith.constant 0 : index
    %get3A_10 = arith.constant 0 : index
    %get3A_11 = arith.constant 0 : index
    %get3A_12 = vector.load %arg4[%get3A_9, %get3A_10, %get3A_11] : memref<1x1x507xf32, #tpu.memory_space<vmem>>, vector<1x1x507xf32>
    %get3A_13 = vector.shape_cast %get3A_12 : vector<1x1x507xf32> to vector<1x507xf32>
    %convert_element_type3A = arith.sitofp %broadcast_in_dim3A_8 : vector<507x1xi32> to vector<507x1xf32>
    %broadcast_in_dim3A_14 = arith.constant 0.000000e+00 : f32
    %broadcast_in_dim3A_15 = vector.broadcast %broadcast_in_dim3A_14 : f32 to vector<5x1xf32>
    %concatenate3A = tpu.concatenate %convert_element_type3A, %broadcast_in_dim3A_15 in 0 : vector<507x1xf32>, vector<5x1xf32> -> vector<512x1xf32>
    %reshape3A = vector.shape_cast %concatenate3A : vector<512x1xf32> to vector<4x128x1xf32>
    %iota3A_16 = tpu.iota {dimensions = array<i32: 0>} : vector<128x128xi32>
    %iota3A_17 = tpu.iota {dimensions = array<i32: 1>} : vector<128x128xi32>
    %eq3A_18 = arith.cmpi eq, %iota3A_16, %iota3A_17 : vector<128x128xi32>
    %convert_element_type3A_19 = arith.extui %eq3A_18 : vector<128x128xi1> to vector<128x128xi32>
    %convert_element_type3A_20 = arith.sitofp %convert_element_type3A_19 : vector<128x128xi32> to vector<128x128xf32>
    %slice3A = vector.extract_strided_slice %reshape3A {offsets = [0, 0, 0], sizes = [1, 128, 1], strides = [1, 1, 1]} : vector<4x128x1xf32> to vector<1x128x1xf32>
    %squeeze3A = vector.shape_cast %slice3A : vector<1x128x1xf32> to vector<128x1xf32>
    %dot_general3A = arith.constant dense<0.000000e+00> : vector<1x128xf32>
    %dot_general3A_21 = tpu.matmul %squeeze3A, %convert_element_type3A_20, %dot_general3A {dimension_numbers = #tpu.dot_dimension_numbers<[0], [0], [1], [1], [0, 1, 1, 1], [], []>, transpose_lhs_hint = false} : vector<128x1xf32>, vector<128x128xf32>, vector<1x128xf32> -> vector<1x128xf32>
    %slice3A_22 = vector.extract_strided_slice %reshape3A {offsets = [1, 0, 0], sizes = [1, 128, 1], strides = [1, 1, 1]} : vector<4x128x1xf32> to vector<1x128x1xf32>
    %squeeze3A_23 = vector.shape_cast %slice3A_22 : vector<1x128x1xf32> to vector<128x1xf32>
    %dot_general3A_24 = arith.constant dense<0.000000e+00> : vector<1x128xf32>
    %dot_general3A_25 = tpu.matmul %squeeze3A_23, %convert_element_type3A_20, %dot_general3A_24 {dimension_numbers = #tpu.dot_dimension_numbers<[0], [0], [1], [1], [0, 1, 1, 1], [], []>, transpose_lhs_hint = false} : vector<128x1xf32>, vector<128x128xf32>, vector<1x128xf32> -> vector<1x128xf32>
    %slice3A_26 = vector.extract_strided_slice %reshape3A {offsets = [2, 0, 0], sizes = [1, 128, 1], strides = [1, 1, 1]} : vector<4x128x1xf32> to vector<1x128x1xf32>
    %squeeze3A_27 = vector.shape_cast %slice3A_26 : vector<1x128x1xf32> to vector<128x1xf32>
    %dot_general3A_28 = arith.constant dense<0.000000e+00> : vector<1x128xf32>
    %dot_general3A_29 = tpu.matmul %squeeze3A_27, %convert_element_type3A_20, %dot_general3A_28 {dimension_numbers = #tpu.dot_dimension_numbers<[0], [0], [1], [1], [0, 1, 1, 1], [], []>, transpose_lhs_hint = false} : vector<128x1xf32>, vector<128x128xf32>, vector<1x128xf32> -> vector<1x128xf32>
    %slice3A_30 = vector.extract_strided_slice %reshape3A {offsets = [3, 0, 0], sizes = [1, 128, 1], strides = [1, 1, 1]} : vector<4x128x1xf32> to vector<1x128x1xf32>
    %squeeze3A_31 = vector.shape_cast %slice3A_30 : vector<1x128x1xf32> to vector<128x1xf32>
    %dot_general3A_32 = arith.constant dense<0.000000e+00> : vector<1x128xf32>
    %dot_general3A_33 = tpu.matmul %squeeze3A_31, %convert_element_type3A_20, %dot_general3A_32 {dimension_numbers = #tpu.dot_dimension_numbers<[0], [0], [1], [1], [0, 1, 1, 1], [], []>, transpose_lhs_hint = false} : vector<128x1xf32>, vector<128x128xf32>, vector<1x128xf32> -> vector<1x128xf32>
    %concatenate3A_34 = tpu.concatenate %dot_general3A_21, %dot_general3A_25, %dot_general3A_29, %dot_general3A_33 in 1 : vector<1x128xf32>, vector<1x128xf32>, vector<1x128xf32>, vector<1x128xf32> -> vector<1x512xf32>
    %slice3A_35 = vector.extract_strided_slice %concatenate3A_34 {offsets = [0, 0], sizes = [1, 507], strides = [1, 1]} : vector<1x512xf32> to vector<1x507xf32>
    %mul3A = arith.mulf %get3A_13, %slice3A_35 : vector<1x507xf32>
    %get3A_36 = arith.constant 0 : index
    %get3A_37 = arith.constant 0 : index
    %get3A_38 = arith.constant 0 : index
    %get3A_39 = vector.load %arg2[%get3A_36, %get3A_37, %get3A_38] : memref<1x2028x80xf32, #tpu.memory_space<vmem>>, vector<1x2028x80xf32>
    %get3A_40 = vector.shape_cast %get3A_39 : vector<1x2028x80xf32> to vector<2028x80xf32>
    %reduce_max3A_41 = arith.constant dense<0xFF800000> : vector<2028xf32>
    %reduce_max3A_42 = vector.multi_reduction <maximumf>, %get3A_40, %reduce_max3A_41 [1] : vector<2028x80xf32> to vector<2028xf32>
    %broadcast_in_dim3A_43 = vector.shape_cast %reduce_max3A_42 : vector<2028xf32> to vector<2028x1xf32>
    %iota3A_44 = tpu.iota {dimensions = array<i32: 1>} : vector<2028x80xi32>
    %eq3A_45 = vector.broadcast %broadcast_in_dim3A_43 : vector<2028x1xf32> to vector<2028x80xf32>
    %eq3A_46 = arith.cmpf oeq, %get3A_40, %eq3A_45 : vector<2028x80xf32>
    %jit3A_47 = arith.constant 80 : i32
    %broadcast_in_dim3A_48 = vector.broadcast %jit3A_47 : i32 to vector<2028x80xi32>
    %select_n3A_49 = arith.select %eq3A_46, %iota3A_44, %broadcast_in_dim3A_48 : vector<2028x80xi1>, vector<2028x80xi32>
    %reduce_min3A_50 = arith.constant dense<2147483647> : vector<2028xi32>
    %reduce_min3A_51 = vector.multi_reduction <minsi>, %select_n3A_49, %reduce_min3A_50 [1] : vector<2028x80xi32> to vector<2028xi32>
    %broadcast_in_dim3A_52 = vector.shape_cast %reduce_min3A_51 : vector<2028xi32> to vector<2028x1xi32>
    %get3A_53 = arith.constant 0 : index
    %get3A_54 = arith.constant 0 : index
    %get3A_55 = arith.constant 0 : index
    %get3A_56 = vector.load %arg5[%get3A_53, %get3A_54, %get3A_55] : memref<1x1x2028xf32, #tpu.memory_space<vmem>>, vector<1x1x2028xf32>
    %get3A_57 = vector.shape_cast %get3A_56 : vector<1x1x2028xf32> to vector<1x2028xf32>
    %convert_element_type3A_58 = arith.sitofp %broadcast_in_dim3A_52 : vector<2028x1xi32> to vector<2028x1xf32>
    %broadcast_in_dim3A_59 = arith.constant 0.000000e+00 : f32
    %broadcast_in_dim3A_60 = vector.broadcast %broadcast_in_dim3A_59 : f32 to vector<20x1xf32>
    %concatenate3A_61 = tpu.concatenate %convert_element_type3A_58, %broadcast_in_dim3A_60 in 0 : vector<2028x1xf32>, vector<20x1xf32> -> vector<2048x1xf32>
    %reshape3A_62 = vector.shape_cast %concatenate3A_61 : vector<2048x1xf32> to vector<16x128x1xf32>
    %iota3A_63 = tpu.iota {dimensions = array<i32: 0>} : vector<128x128xi32>
    %iota3A_64 = tpu.iota {dimensions = array<i32: 1>} : vector<128x128xi32>
    %eq3A_65 = arith.cmpi eq, %iota3A_63, %iota3A_64 : vector<128x128xi32>
    %convert_element_type3A_66 = arith.extui %eq3A_65 : vector<128x128xi1> to vector<128x128xi32>
    %convert_element_type3A_67 = arith.sitofp %convert_element_type3A_66 : vector<128x128xi32> to vector<128x128xf32>
    %slice3A_68 = vector.extract_strided_slice %reshape3A_62 {offsets = [0, 0, 0], sizes = [1, 128, 1], strides = [1, 1, 1]} : vector<16x128x1xf32> to vector<1x128x1xf32>
    %squeeze3A_69 = vector.shape_cast %slice3A_68 : vector<1x128x1xf32> to vector<128x1xf32>
    %dot_general3A_70 = arith.constant dense<0.000000e+00> : vector<1x128xf32>
    %dot_general3A_71 = tpu.matmul %squeeze3A_69, %convert_element_type3A_67, %dot_general3A_70 {dimension_numbers = #tpu.dot_dimension_numbers<[0], [0], [1], [1], [0, 1, 1, 1], [], []>, transpose_lhs_hint = false} : vector<128x1xf32>, vector<128x128xf32>, vector<1x128xf32> -> vector<1x128xf32>
    %slice3A_72 = vector.extract_strided_slice %reshape3A_62 {offsets = [1, 0, 0], sizes = [1, 128, 1], strides = [1, 1, 1]} : vector<16x128x1xf32> to vector<1x128x1xf32>
    %squeeze3A_73 = vector.shape_cast %slice3A_72 : vector<1x128x1xf32> to vector<128x1xf32>
    %dot_general3A_74 = arith.constant dense<0.000000e+00> : vector<1x128xf32>
    %dot_general3A_75 = tpu.matmul %squeeze3A_73, %convert_element_type3A_67, %dot_general3A_74 {dimension_numbers = #tpu.dot_dimension_numbers<[0], [0], [1], [1], [0, 1, 1, 1], [], []>, transpose_lhs_hint = false} : vector<128x1xf32>, vector<128x128xf32>, vector<1x128xf32> -> vector<1x128xf32>
    %slice3A_76 = vector.extract_strided_slice %reshape3A_62 {offsets = [2, 0, 0], sizes = [1, 128, 1], strides = [1, 1, 1]} : vector<16x128x1xf32> to vector<1x128x1xf32>
    %squeeze3A_77 = vector.shape_cast %slice3A_76 : vector<1x128x1xf32> to vector<128x1xf32>
    %dot_general3A_78 = arith.constant dense<0.000000e+00> : vector<1x128xf32>
    %dot_general3A_79 = tpu.matmul %squeeze3A_77, %convert_element_type3A_67, %dot_general3A_78 {dimension_numbers = #tpu.dot_dimension_numbers<[0], [0], [1], [1], [0, 1, 1, 1], [], []>, transpose_lhs_hint = false} : vector<128x1xf32>, vector<128x128xf32>, vector<1x128xf32> -> vector<1x128xf32>
    %slice3A_80 = vector.extract_strided_slice %reshape3A_62 {offsets = [3, 0, 0], sizes = [1, 128, 1], strides = [1, 1, 1]} : vector<16x128x1xf32> to vector<1x128x1xf32>
    %squeeze3A_81 = vector.shape_cast %slice3A_80 : vector<1x128x1xf32> to vector<128x1xf32>
    %dot_general3A_82 = arith.constant dense<0.000000e+00> : vector<1x128xf32>
    %dot_general3A_83 = tpu.matmul %squeeze3A_81, %convert_element_type3A_67, %dot_general3A_82 {dimension_numbers = #tpu.dot_dimension_numbers<[0], [0], [1], [1], [0, 1, 1, 1], [], []>, transpose_lhs_hint = false} : vector<128x1xf32>, vector<128x128xf32>, vector<1x128xf32> -> vector<1x128xf32>
    %slice3A_84 = vector.extract_strided_slice %reshape3A_62 {offsets = [4, 0, 0], sizes = [1, 128, 1], strides = [1, 1, 1]} : vector<16x128x1xf32> to vector<1x128x1xf32>
    %squeeze3A_85 = vector.shape_cast %slice3A_84 : vector<1x128x1xf32> to vector<128x1xf32>
    %dot_general3A_86 = arith.constant dense<0.000000e+00> : vector<1x128xf32>
    %dot_general3A_87 = tpu.matmul %squeeze3A_85, %convert_element_type3A_67, %dot_general3A_86 {dimension_numbers = #tpu.dot_dimension_numbers<[0], [0], [1], [1], [0, 1, 1, 1], [], []>, transpose_lhs_hint = false} : vector<128x1xf32>, vector<128x128xf32>, vector<1x128xf32> -> vector<1x128xf32>
    %slice3A_88 = vector.extract_strided_slice %reshape3A_62 {offsets = [5, 0, 0], sizes = [1, 128, 1], strides = [1, 1, 1]} : vector<16x128x1xf32> to vector<1x128x1xf32>
    %squeeze3A_89 = vector.shape_cast %slice3A_88 : vector<1x128x1xf32> to vector<128x1xf32>
    %dot_general3A_90 = arith.constant dense<0.000000e+00> : vector<1x128xf32>
    %dot_general3A_91 = tpu.matmul %squeeze3A_89, %convert_element_type3A_67, %dot_general3A_90 {dimension_numbers = #tpu.dot_dimension_numbers<[0], [0], [1], [1], [0, 1, 1, 1], [], []>, transpose_lhs_hint = false} : vector<128x1xf32>, vector<128x128xf32>, vector<1x128xf32> -> vector<1x128xf32>
    %slice3A_92 = vector.extract_strided_slice %reshape3A_62 {offsets = [6, 0, 0], sizes = [1, 128, 1], strides = [1, 1, 1]} : vector<16x128x1xf32> to vector<1x128x1xf32>
    %squeeze3A_93 = vector.shape_cast %slice3A_92 : vector<1x128x1xf32> to vector<128x1xf32>
    %dot_general3A_94 = arith.constant dense<0.000000e+00> : vector<1x128xf32>
    %dot_general3A_95 = tpu.matmul %squeeze3A_93, %convert_element_type3A_67, %dot_general3A_94 {dimension_numbers = #tpu.dot_dimension_numbers<[0], [0], [1], [1], [0, 1, 1, 1], [], []>, transpose_lhs_hint = false} : vector<128x1xf32>, vector<128x128xf32>, vector<1x128xf32> -> vector<1x128xf32>
    %slice3A_96 = vector.extract_strided_slice %reshape3A_62 {offsets = [7, 0, 0], sizes = [1, 128, 1], strides = [1, 1, 1]} : vector<16x128x1xf32> to vector<1x128x1xf32>
    %squeeze3A_97 = vector.shape_cast %slice3A_96 : vector<1x128x1xf32> to vector<128x1xf32>
    %dot_general3A_98 = arith.constant dense<0.000000e+00> : vector<1x128xf32>
    %dot_general3A_99 = tpu.matmul %squeeze3A_97, %convert_element_type3A_67, %dot_general3A_98 {dimension_numbers = #tpu.dot_dimension_numbers<[0], [0], [1], [1], [0, 1, 1, 1], [], []>, transpose_lhs_hint = false} : vector<128x1xf32>, vector<128x128xf32>, vector<1x128xf32> -> vector<1x128xf32>
    %slice3A_100 = vector.extract_strided_slice %reshape3A_62 {offsets = [8, 0, 0], sizes = [1, 128, 1], strides = [1, 1, 1]} : vector<16x128x1xf32> to vector<1x128x1xf32>
    %squeeze3A_101 = vector.shape_cast %slice3A_100 : vector<1x128x1xf32> to vector<128x1xf32>
    %dot_general3A_102 = arith.constant dense<0.000000e+00> : vector<1x128xf32>
    %dot_general3A_103 = tpu.matmul %squeeze3A_101, %convert_element_type3A_67, %dot_general3A_102 {dimension_numbers = #tpu.dot_dimension_numbers<[0], [0], [1], [1], [0, 1, 1, 1], [], []>, transpose_lhs_hint = false} : vector<128x1xf32>, vector<128x128xf32>, vector<1x128xf32> -> vector<1x128xf32>
    %slice3A_104 = vector.extract_strided_slice %reshape3A_62 {offsets = [9, 0, 0], sizes = [1, 128, 1], strides = [1, 1, 1]} : vector<16x128x1xf32> to vector<1x128x1xf32>
    %squeeze3A_105 = vector.shape_cast %slice3A_104 : vector<1x128x1xf32> to vector<128x1xf32>
    %dot_general3A_106 = arith.constant dense<0.000000e+00> : vector<1x128xf32>
    %dot_general3A_107 = tpu.matmul %squeeze3A_105, %convert_element_type3A_67, %dot_general3A_106 {dimension_numbers = #tpu.dot_dimension_numbers<[0], [0], [1], [1], [0, 1, 1, 1], [], []>, transpose_lhs_hint = false} : vector<128x1xf32>, vector<128x128xf32>, vector<1x128xf32> -> vector<1x128xf32>
    %slice3A_108 = vector.extract_strided_slice %reshape3A_62 {offsets = [10, 0, 0], sizes = [1, 128, 1], strides = [1, 1, 1]} : vector<16x128x1xf32> to vector<1x128x1xf32>
    %squeeze3A_109 = vector.shape_cast %slice3A_108 : vector<1x128x1xf32> to vector<128x1xf32>
    %dot_general3A_110 = arith.constant dense<0.000000e+00> : vector<1x128xf32>
    %dot_general3A_111 = tpu.matmul %squeeze3A_109, %convert_element_type3A_67, %dot_general3A_110 {dimension_numbers = #tpu.dot_dimension_numbers<[0], [0], [1], [1], [0, 1, 1, 1], [], []>, transpose_lhs_hint = false} : vector<128x1xf32>, vector<128x128xf32>, vector<1x128xf32> -> vector<1x128xf32>
    %slice3A_112 = vector.extract_strided_slice %reshape3A_62 {offsets = [11, 0, 0], sizes = [1, 128, 1], strides = [1, 1, 1]} : vector<16x128x1xf32> to vector<1x128x1xf32>
    %squeeze3A_113 = vector.shape_cast %slice3A_112 : vector<1x128x1xf32> to vector<128x1xf32>
    %dot_general3A_114 = arith.constant dense<0.000000e+00> : vector<1x128xf32>
    %dot_general3A_115 = tpu.matmul %squeeze3A_113, %convert_element_type3A_67, %dot_general3A_114 {dimension_numbers = #tpu.dot_dimension_numbers<[0], [0], [1], [1], [0, 1, 1, 1], [], []>, transpose_lhs_hint = false} : vector<128x1xf32>, vector<128x128xf32>, vector<1x128xf32> -> vector<1x128xf32>
    %slice3A_116 = vector.extract_strided_slice %reshape3A_62 {offsets = [12, 0, 0], sizes = [1, 128, 1], strides = [1, 1, 1]} : vector<16x128x1xf32> to vector<1x128x1xf32>
    %squeeze3A_117 = vector.shape_cast %slice3A_116 : vector<1x128x1xf32> to vector<128x1xf32>
    %dot_general3A_118 = arith.constant dense<0.000000e+00> : vector<1x128xf32>
    %dot_general3A_119 = tpu.matmul %squeeze3A_117, %convert_element_type3A_67, %dot_general3A_118 {dimension_numbers = #tpu.dot_dimension_numbers<[0], [0], [1], [1], [0, 1, 1, 1], [], []>, transpose_lhs_hint = false} : vector<128x1xf32>, vector<128x128xf32>, vector<1x128xf32> -> vector<1x128xf32>
    %slice3A_120 = vector.extract_strided_slice %reshape3A_62 {offsets = [13, 0, 0], sizes = [1, 128, 1], strides = [1, 1, 1]} : vector<16x128x1xf32> to vector<1x128x1xf32>
    %squeeze3A_121 = vector.shape_cast %slice3A_120 : vector<1x128x1xf32> to vector<128x1xf32>
    %dot_general3A_122 = arith.constant dense<0.000000e+00> : vector<1x128xf32>
    %dot_general3A_123 = tpu.matmul %squeeze3A_121, %convert_element_type3A_67, %dot_general3A_122 {dimension_numbers = #tpu.dot_dimension_numbers<[0], [0], [1], [1], [0, 1, 1, 1], [], []>, transpose_lhs_hint = false} : vector<128x1xf32>, vector<128x128xf32>, vector<1x128xf32> -> vector<1x128xf32>
    %slice3A_124 = vector.extract_strided_slice %reshape3A_62 {offsets = [14, 0, 0], sizes = [1, 128, 1], strides = [1, 1, 1]} : vector<16x128x1xf32> to vector<1x128x1xf32>
    %squeeze3A_125 = vector.shape_cast %slice3A_124 : vector<1x128x1xf32> to vector<128x1xf32>
    %dot_general3A_126 = arith.constant dense<0.000000e+00> : vector<1x128xf32>
    %dot_general3A_127 = tpu.matmul %squeeze3A_125, %convert_element_type3A_67, %dot_general3A_126 {dimension_numbers = #tpu.dot_dimension_numbers<[0], [0], [1], [1], [0, 1, 1, 1], [], []>, transpose_lhs_hint = false} : vector<128x1xf32>, vector<128x128xf32>, vector<1x128xf32> -> vector<1x128xf32>
    %slice3A_128 = vector.extract_strided_slice %reshape3A_62 {offsets = [15, 0, 0], sizes = [1, 128, 1], strides = [1, 1, 1]} : vector<16x128x1xf32> to vector<1x128x1xf32>
    %squeeze3A_129 = vector.shape_cast %slice3A_128 : vector<1x128x1xf32> to vector<128x1xf32>
    %dot_general3A_130 = arith.constant dense<0.000000e+00> : vector<1x128xf32>
    %dot_general3A_131 = tpu.matmul %squeeze3A_129, %convert_element_type3A_67, %dot_general3A_130 {dimension_numbers = #tpu.dot_dimension_numbers<[0], [0], [1], [1], [0, 1, 1, 1], [], []>, transpose_lhs_hint = false} : vector<128x1xf32>, vector<128x128xf32>, vector<1x128xf32> -> vector<1x128xf32>
    %concatenate3A_132 = tpu.concatenate %dot_general3A_71, %dot_general3A_75, %dot_general3A_79, %dot_general3A_83, %dot_general3A_87, %dot_general3A_91, %dot_general3A_95, %dot_general3A_99, %dot_general3A_103, %dot_general3A_107, %dot_general3A_111, %dot_general3A_115, %dot_general3A_119, %dot_general3A_123, %dot_general3A_127, %dot_general3A_131 in 1 : vector<1x128xf32>, vector<1x128xf32>, vector<1x128xf32>, vector<1x128xf32>, vector<1x128xf32>, vector<1x128xf32>, vector<1x128xf32>, vector<1x128xf32>, vector<1x128xf32>, vector<1x128xf32>, vector<1x128xf32>, vector<1x128xf32>, vector<1x128xf32>, vector<1x128xf32>, vector<1x128xf32>, vector<1x128xf32> -> vector<1x2048xf32>
    %slice3A_133 = vector.extract_strided_slice %concatenate3A_132 {offsets = [0, 0], sizes = [1, 2028], strides = [1, 1]} : vector<1x2048xf32> to vector<1x2028xf32>
    %mul3A_134 = arith.mulf %get3A_57, %slice3A_133 : vector<1x2028xf32>
    %get3A_135 = arith.constant 0 : index
    %get3A_136 = arith.constant 0 : index
    %get3A_137 = arith.constant 0 : index
    %get3A_138 = vector.load %arg3[%get3A_135, %get3A_136, %get3A_137] : memref<1x8112x80xf32, #tpu.memory_space<vmem>>, vector<1x8112x80xf32>
    %get3A_139 = vector.shape_cast %get3A_138 : vector<1x8112x80xf32> to vector<8112x80xf32>
    %reduce_max3A_140 = arith.constant dense<0xFF800000> : vector<8112xf32>
    %reduce_max3A_141 = vector.multi_reduction <maximumf>, %get3A_139, %reduce_max3A_140 [1] : vector<8112x80xf32> to vector<8112xf32>
    %broadcast_in_dim3A_142 = vector.shape_cast %reduce_max3A_141 : vector<8112xf32> to vector<8112x1xf32>
    %iota3A_143 = tpu.iota {dimensions = array<i32: 1>} : vector<8112x80xi32>
    %eq3A_144 = vector.broadcast %broadcast_in_dim3A_142 : vector<8112x1xf32> to vector<8112x80xf32>
    %eq3A_145 = arith.cmpf oeq, %get3A_139, %eq3A_144 : vector<8112x80xf32>
    %jit3A_146 = arith.constant 80 : i32
    %broadcast_in_dim3A_147 = vector.broadcast %jit3A_146 : i32 to vector<8112x80xi32>
    %select_n3A_148 = arith.select %eq3A_145, %iota3A_143, %broadcast_in_dim3A_147 : vector<8112x80xi1>, vector<8112x80xi32>
    %reduce_min3A_149 = arith.constant dense<2147483647> : vector<8112xi32>
    %reduce_min3A_150 = vector.multi_reduction <minsi>, %select_n3A_148, %reduce_min3A_149 [1] : vector<8112x80xi32> to vector<8112xi32>
    %broadcast_in_dim3A_151 = vector.shape_cast %reduce_min3A_150 : vector<8112xi32> to vector<8112x1xi32>
    %get3A_152 = arith.constant 0 : index
    %get3A_153 = arith.constant 0 : index
    %get3A_154 = arith.constant 0 : index
    %get3A_155 = vector.load %arg6[%get3A_152, %get3A_153, %get3A_154] : memref<1x1x8112xf32, #tpu.memory_space<vmem>>, vector<1x1x8112xf32>
    %get3A_156 = vector.shape_cast %get3A_155 : vector<1x1x8112xf32> to vector<1x8112xf32>
    %convert_element_type3A_157 = arith.sitofp %broadcast_in_dim3A_151 : vector<8112x1xi32> to vector<8112x1xf32>
    %broadcast_in_dim3A_158 = arith.constant 0.000000e+00 : f32
    %broadcast_in_dim3A_159 = vector.broadcast %broadcast_in_dim3A_158 : f32 to vector<80x1xf32>
    %concatenate3A_160 = tpu.concatenate %convert_element_type3A_157, %broadcast_in_dim3A_159 in 0 : vector<8112x1xf32>, vector<80x1xf32> -> vector<8192x1xf32>
    %reshape3A_161 = vector.shape_cast %concatenate3A_160 : vector<8192x1xf32> to vector<64x128x1xf32>
    %iota3A_162 = tpu.iota {dimensions = array<i32: 0>} : vector<128x128xi32>
    %iota3A_163 = tpu.iota {dimensions = array<i32: 1>} : vector<128x128xi32>
    %eq3A_164 = arith.cmpi eq, %iota3A_162, %iota3A_163 : vector<128x128xi32>
    %convert_element_type3A_165 = arith.extui %eq3A_164 : vector<128x128xi1> to vector<128x128xi32>
    %convert_element_type3A_166 = arith.sitofp %convert_element_type3A_165 : vector<128x128xi32> to vector<128x128xf32>
    %slice3A_167 = vector.extract_strided_slice %reshape3A_161 {offsets = [0, 0, 0], sizes = [1, 128, 1], strides = [1, 1, 1]} : vector<64x128x1xf32> to vector<1x128x1xf32>
    %squeeze3A_168 = vector.shape_cast %slice3A_167 : vector<1x128x1xf32> to vector<128x1xf32>
    %dot_general3A_169 = arith.constant dense<0.000000e+00> : vector<1x128xf32>
    %dot_general3A_170 = tpu.matmul %squeeze3A_168, %convert_element_type3A_166, %dot_general3A_169 {dimension_numbers = #tpu.dot_dimension_numbers<[0], [0], [1], [1], [0, 1, 1, 1], [], []>, transpose_lhs_hint = false} : vector<128x1xf32>, vector<128x128xf32>, vector<1x128xf32> -> vector<1x128xf32>
    %slice3A_171 = vector.extract_strided_slice %reshape3A_161 {offsets = [1, 0, 0], sizes = [1, 128, 1], strides = [1, 1, 1]} : vector<64x128x1xf32> to vector<1x128x1xf32>
    %squeeze3A_172 = vector.shape_cast %slice3A_171 : vector<1x128x1xf32> to vector<128x1xf32>
    %dot_general3A_173 = arith.constant dense<0.000000e+00> : vector<1x128xf32>
    %dot_general3A_174 = tpu.matmul %squeeze3A_172, %convert_element_type3A_166, %dot_general3A_173 {dimension_numbers = #tpu.dot_dimension_numbers<[0], [0], [1], [1], [0, 1, 1, 1], [], []>, transpose_lhs_hint = false} : vector<128x1xf32>, vector<128x128xf32>, vector<1x128xf32> -> vector<1x128xf32>
    %slice3A_175 = vector.extract_strided_slice %reshape3A_161 {offsets = [2, 0, 0], sizes = [1, 128, 1], strides = [1, 1, 1]} : vector<64x128x1xf32> to vector<1x128x1xf32>
    %squeeze3A_176 = vector.shape_cast %slice3A_175 : vector<1x128x1xf32> to vector<128x1xf32>
    %dot_general3A_177 = arith.constant dense<0.000000e+00> : vector<1x128xf32>
    %dot_general3A_178 = tpu.matmul %squeeze3A_176, %convert_element_type3A_166, %dot_general3A_177 {dimension_numbers = #tpu.dot_dimension_numbers<[0], [0], [1], [1], [0, 1, 1, 1], [], []>, transpose_lhs_hint = false} : vector<128x1xf32>, vector<128x128xf32>, vector<1x128xf32> -> vector<1x128xf32>
    %slice3A_179 = vector.extract_strided_slice %reshape3A_161 {offsets = [3, 0, 0], sizes = [1, 128, 1], strides = [1, 1, 1]} : vector<64x128x1xf32> to vector<1x128x1xf32>
    %squeeze3A_180 = vector.shape_cast %slice3A_179 : vector<1x128x1xf32> to vector<128x1xf32>
    %dot_general3A_181 = arith.constant dense<0.000000e+00> : vector<1x128xf32>
    %dot_general3A_182 = tpu.matmul %squeeze3A_180, %convert_element_type3A_166, %dot_general3A_181 {dimension_numbers = #tpu.dot_dimension_numbers<[0], [0], [1], [1], [0, 1, 1, 1], [], []>, transpose_lhs_hint = false} : vector<128x1xf32>, vector<128x128xf32>, vector<1x128xf32> -> vector<1x128xf32>
    %slice3A_183 = vector.extract_strided_slice %reshape3A_161 {offsets = [4, 0, 0], sizes = [1, 128, 1], strides = [1, 1, 1]} : vector<64x128x1xf32> to vector<1x128x1xf32>
    %squeeze3A_184 = vector.shape_cast %slice3A_183 : vector<1x128x1xf32> to vector<128x1xf32>
    %dot_general3A_185 = arith.constant dense<0.000000e+00> : vector<1x128xf32>
    %dot_general3A_186 = tpu.matmul %squeeze3A_184, %convert_element_type3A_166, %dot_general3A_185 {dimension_numbers = #tpu.dot_dimension_numbers<[0], [0], [1], [1], [0, 1, 1, 1], [], []>, transpose_lhs_hint = false} : vector<128x1xf32>, vector<128x128xf32>, vector<1x128xf32> -> vector<1x128xf32>
    %slice3A_187 = vector.extract_strided_slice %reshape3A_161 {offsets = [5, 0, 0], sizes = [1, 128, 1], strides = [1, 1, 1]} : vector<64x128x1xf32> to vector<1x128x1xf32>
    %squeeze3A_188 = vector.shape_cast %slice3A_187 : vector<1x128x1xf32> to vector<128x1xf32>
    %dot_general3A_189 = arith.constant dense<0.000000e+00> : vector<1x128xf32>
    %dot_general3A_190 = tpu.matmul %squeeze3A_188, %convert_element_type3A_166, %dot_general3A_189 {dimension_numbers = #tpu.dot_dimension_numbers<[0], [0], [1], [1], [0, 1, 1, 1], [], []>, transpose_lhs_hint = false} : vector<128x1xf32>, vector<128x128xf32>, vector<1x128xf32> -> vector<1x128xf32>
    %slice3A_191 = vector.extract_strided_slice %reshape3A_161 {offsets = [6, 0, 0], sizes = [1, 128, 1], strides = [1, 1, 1]} : vector<64x128x1xf32> to vector<1x128x1xf32>
    %squeeze3A_192 = vector.shape_cast %slice3A_191 : vector<1x128x1xf32> to vector<128x1xf32>
    %dot_general3A_193 = arith.constant dense<0.000000e+00> : vector<1x128xf32>
    %dot_general3A_194 = tpu.matmul %squeeze3A_192, %convert_element_type3A_166, %dot_general3A_193 {dimension_numbers = #tpu.dot_dimension_numbers<[0], [0], [1], [1], [0, 1, 1, 1], [], []>, transpose_lhs_hint = false} : vector<128x1xf32>, vector<128x128xf32>, vector<1x128xf32> -> vector<1x128xf32>
    %slice3A_195 = vector.extract_strided_slice %reshape3A_161 {offsets = [7, 0, 0], sizes = [1, 128, 1], strides = [1, 1, 1]} : vector<64x128x1xf32> to vector<1x128x1xf32>
    %squeeze3A_196 = vector.shape_cast %slice3A_195 : vector<1x128x1xf32> to vector<128x1xf32>
    %dot_general3A_197 = arith.constant dense<0.000000e+00> : vector<1x128xf32>
    %dot_general3A_198 = tpu.matmul %squeeze3A_196, %convert_element_type3A_166, %dot_general3A_197 {dimension_numbers = #tpu.dot_dimension_numbers<[0], [0], [1], [1], [0, 1, 1, 1], [], []>, transpose_lhs_hint = false} : vector<128x1xf32>, vector<128x128xf32>, vector<1x128xf32> -> vector<1x128xf32>
    %slice3A_199 = vector.extract_strided_slice %reshape3A_161 {offsets = [8, 0, 0], sizes = [1, 128, 1], strides = [1, 1, 1]} : vector<64x128x1xf32> to vector<1x128x1xf32>
    %squeeze3A_200 = vector.shape_cast %slice3A_199 : vector<1x128x1xf32> to vector<128x1xf32>
    %dot_general3A_201 = arith.constant dense<0.000000e+00> : vector<1x128xf32>
    %dot_general3A_202 = tpu.matmul %squeeze3A_200, %convert_element_type3A_166, %dot_general3A_201 {dimension_numbers = #tpu.dot_dimension_numbers<[0], [0], [1], [1], [0, 1, 1, 1], [], []>, transpose_lhs_hint = false} : vector<128x1xf32>, vector<128x128xf32>, vector<1x128xf32> -> vector<1x128xf32>
    %slice3A_203 = vector.extract_strided_slice %reshape3A_161 {offsets = [9, 0, 0], sizes = [1, 128, 1], strides = [1, 1, 1]} : vector<64x128x1xf32> to vector<1x128x1xf32>
    %squeeze3A_204 = vector.shape_cast %slice3A_203 : vector<1x128x1xf32> to vector<128x1xf32>
    %dot_general3A_205 = arith.constant dense<0.000000e+00> : vector<1x128xf32>
    %dot_general3A_206 = tpu.matmul %squeeze3A_204, %convert_element_type3A_166, %dot_general3A_205 {dimension_numbers = #tpu.dot_dimension_numbers<[0], [0], [1], [1], [0, 1, 1, 1], [], []>, transpose_lhs_hint = false} : vector<128x1xf32>, vector<128x128xf32>, vector<1x128xf32> -> vector<1x128xf32>
    %slice3A_207 = vector.extract_strided_slice %reshape3A_161 {offsets = [10, 0, 0], sizes = [1, 128, 1], strides = [1, 1, 1]} : vector<64x128x1xf32> to vector<1x128x1xf32>
    %squeeze3A_208 = vector.shape_cast %slice3A_207 : vector<1x128x1xf32> to vector<128x1xf32>
    %dot_general3A_209 = arith.constant dense<0.000000e+00> : vector<1x128xf32>
    %dot_general3A_210 = tpu.matmul %squeeze3A_208, %convert_element_type3A_166, %dot_general3A_209 {dimension_numbers = #tpu.dot_dimension_numbers<[0], [0], [1], [1], [0, 1, 1, 1], [], []>, transpose_lhs_hint = false} : vector<128x1xf32>, vector<128x128xf32>, vector<1x128xf32> -> vector<1x128xf32>
    %slice3A_211 = vector.extract_strided_slice %reshape3A_161 {offsets = [11, 0, 0], sizes = [1, 128, 1], strides = [1, 1, 1]} : vector<64x128x1xf32> to vector<1x128x1xf32>
    %squeeze3A_212 = vector.shape_cast %slice3A_211 : vector<1x128x1xf32> to vector<128x1xf32>
    %dot_general3A_213 = arith.constant dense<0.000000e+00> : vector<1x128xf32>
    %dot_general3A_214 = tpu.matmul %squeeze3A_212, %convert_element_type3A_166, %dot_general3A_213 {dimension_numbers = #tpu.dot_dimension_numbers<[0], [0], [1], [1], [0, 1, 1, 1], [], []>, transpose_lhs_hint = false} : vector<128x1xf32>, vector<128x128xf32>, vector<1x128xf32> -> vector<1x128xf32>
    %slice3A_215 = vector.extract_strided_slice %reshape3A_161 {offsets = [12, 0, 0], sizes = [1, 128, 1], strides = [1, 1, 1]} : vector<64x128x1xf32> to vector<1x128x1xf32>
    %squeeze3A_216 = vector.shape_cast %slice3A_215 : vector<1x128x1xf32> to vector<128x1xf32>
    %dot_general3A_217 = arith.constant dense<0.000000e+00> : vector<1x128xf32>
    %dot_general3A_218 = tpu.matmul %squeeze3A_216, %convert_element_type3A_166, %dot_general3A_217 {dimension_numbers = #tpu.dot_dimension_numbers<[0], [0], [1], [1], [0, 1, 1, 1], [], []>, transpose_lhs_hint = false} : vector<128x1xf32>, vector<128x128xf32>, vector<1x128xf32> -> vector<1x128xf32>
    %slice3A_219 = vector.extract_strided_slice %reshape3A_161 {offsets = [13, 0, 0], sizes = [1, 128, 1], strides = [1, 1, 1]} : vector<64x128x1xf32> to vector<1x128x1xf32>
    %squeeze3A_220 = vector.shape_cast %slice3A_219 : vector<1x128x1xf32> to vector<128x1xf32>
    %dot_general3A_221 = arith.constant dense<0.000000e+00> : vector<1x128xf32>
    %dot_general3A_222 = tpu.matmul %squeeze3A_220, %convert_element_type3A_166, %dot_general3A_221 {dimension_numbers = #tpu.dot_dimension_numbers<[0], [0], [1], [1], [0, 1, 1, 1], [], []>, transpose_lhs_hint = false} : vector<128x1xf32>, vector<128x128xf32>, vector<1x128xf32> -> vector<1x128xf32>
    %slice3A_223 = vector.extract_strided_slice %reshape3A_161 {offsets = [14, 0, 0], sizes = [1, 128, 1], strides = [1, 1, 1]} : vector<64x128x1xf32> to vector<1x128x1xf32>
    %squeeze3A_224 = vector.shape_cast %slice3A_223 : vector<1x128x1xf32> to vector<128x1xf32>
    %dot_general3A_225 = arith.constant dense<0.000000e+00> : vector<1x128xf32>
    %dot_general3A_226 = tpu.matmul %squeeze3A_224, %convert_element_type3A_166, %dot_general3A_225 {dimension_numbers = #tpu.dot_dimension_numbers<[0], [0], [1], [1], [0, 1, 1, 1], [], []>, transpose_lhs_hint = false} : vector<128x1xf32>, vector<128x128xf32>, vector<1x128xf32> -> vector<1x128xf32>
    %slice3A_227 = vector.extract_strided_slice %reshape3A_161 {offsets = [15, 0, 0], sizes = [1, 128, 1], strides = [1, 1, 1]} : vector<64x128x1xf32> to vector<1x128x1xf32>
    %squeeze3A_228 = vector.shape_cast %slice3A_227 : vector<1x128x1xf32> to vector<128x1xf32>
    %dot_general3A_229 = arith.constant dense<0.000000e+00> : vector<1x128xf32>
    %dot_general3A_230 = tpu.matmul %squeeze3A_228, %convert_element_type3A_166, %dot_general3A_229 {dimension_numbers = #tpu.dot_dimension_numbers<[0], [0], [1], [1], [0, 1, 1, 1], [], []>, transpose_lhs_hint = false} : vector<128x1xf32>, vector<128x128xf32>, vector<1x128xf32> -> vector<1x128xf32>
    %slice3A_231 = vector.extract_strided_slice %reshape3A_161 {offsets = [16, 0, 0], sizes = [1, 128, 1], strides = [1, 1, 1]} : vector<64x128x1xf32> to vector<1x128x1xf32>
    %squeeze3A_232 = vector.shape_cast %slice3A_231 : vector<1x128x1xf32> to vector<128x1xf32>
    %dot_general3A_233 = arith.constant dense<0.000000e+00> : vector<1x128xf32>
    %dot_general3A_234 = tpu.matmul %squeeze3A_232, %convert_element_type3A_166, %dot_general3A_233 {dimension_numbers = #tpu.dot_dimension_numbers<[0], [0], [1], [1], [0, 1, 1, 1], [], []>, transpose_lhs_hint = false} : vector<128x1xf32>, vector<128x128xf32>, vector<1x128xf32> -> vector<1x128xf32>
    %slice3A_235 = vector.extract_strided_slice %reshape3A_161 {offsets = [17, 0, 0], sizes = [1, 128, 1], strides = [1, 1, 1]} : vector<64x128x1xf32> to vector<1x128x1xf32>
    %squeeze3A_236 = vector.shape_cast %slice3A_235 : vector<1x128x1xf32> to vector<128x1xf32>
    %dot_general3A_237 = arith.constant dense<0.000000e+00> : vector<1x128xf32>
    %dot_general3A_238 = tpu.matmul %squeeze3A_236, %convert_element_type3A_166, %dot_general3A_237 {dimension_numbers = #tpu.dot_dimension_numbers<[0], [0], [1], [1], [0, 1, 1, 1], [], []>, transpose_lhs_hint = false} : vector<128x1xf32>, vector<128x128xf32>, vector<1x128xf32> -> vector<1x128xf32>
    %slice3A_239 = vector.extract_strided_slice %reshape3A_161 {offsets = [18, 0, 0], sizes = [1, 128, 1], strides = [1, 1, 1]} : vector<64x128x1xf32> to vector<1x128x1xf32>
    %squeeze3A_240 = vector.shape_cast %slice3A_239 : vector<1x128x1xf32> to vector<128x1xf32>
    %dot_general3A_241 = arith.constant dense<0.000000e+00> : vector<1x128xf32>
    %dot_general3A_242 = tpu.matmul %squeeze3A_240, %convert_element_type3A_166, %dot_general3A_241 {dimension_numbers = #tpu.dot_dimension_numbers<[0], [0], [1], [1], [0, 1, 1, 1], [], []>, transpose_lhs_hint = false} : vector<128x1xf32>, vector<128x128xf32>, vector<1x128xf32> -> vector<1x128xf32>
    %slice3A_243 = vector.extract_strided_slice %reshape3A_161 {offsets = [19, 0, 0], sizes = [1, 128, 1], strides = [1, 1, 1]} : vector<64x128x1xf32> to vector<1x128x1xf32>
    %squeeze3A_244 = vector.shape_cast %slice3A_243 : vector<1x128x1xf32> to vector<128x1xf32>
    %dot_general3A_245 = arith.constant dense<0.000000e+00> : vector<1x128xf32>
    %dot_general3A_246 = tpu.matmul %squeeze3A_244, %convert_element_type3A_166, %dot_general3A_245 {dimension_numbers = #tpu.dot_dimension_numbers<[0], [0], [1], [1], [0, 1, 1, 1], [], []>, transpose_lhs_hint = false} : vector<128x1xf32>, vector<128x128xf32>, vector<1x128xf32> -> vector<1x128xf32>
    %slice3A_247 = vector.extract_strided_slice %reshape3A_161 {offsets = [20, 0, 0], sizes = [1, 128, 1], strides = [1, 1, 1]} : vector<64x128x1xf32> to vector<1x128x1xf32>
    %squeeze3A_248 = vector.shape_cast %slice3A_247 : vector<1x128x1xf32> to vector<128x1xf32>
    %dot_general3A_249 = arith.constant dense<0.000000e+00> : vector<1x128xf32>
    %dot_general3A_250 = tpu.matmul %squeeze3A_248, %convert_element_type3A_166, %dot_general3A_249 {dimension_numbers = #tpu.dot_dimension_numbers<[0], [0], [1], [1], [0, 1, 1, 1], [], []>, transpose_lhs_hint = false} : vector<128x1xf32>, vector<128x128xf32>, vector<1x128xf32> -> vector<1x128xf32>
    %slice3A_251 = vector.extract_strided_slice %reshape3A_161 {offsets = [21, 0, 0], sizes = [1, 128, 1], strides = [1, 1, 1]} : vector<64x128x1xf32> to vector<1x128x1xf32>
    %squeeze3A_252 = vector.shape_cast %slice3A_251 : vector<1x128x1xf32> to vector<128x1xf32>
    %dot_general3A_253 = arith.constant dense<0.000000e+00> : vector<1x128xf32>
    %dot_general3A_254 = tpu.matmul %squeeze3A_252, %convert_element_type3A_166, %dot_general3A_253 {dimension_numbers = #tpu.dot_dimension_numbers<[0], [0], [1], [1], [0, 1, 1, 1], [], []>, transpose_lhs_hint = false} : vector<128x1xf32>, vector<128x128xf32>, vector<1x128xf32> -> vector<1x128xf32>
    %slice3A_255 = vector.extract_strided_slice %reshape3A_161 {offsets = [22, 0, 0], sizes = [1, 128, 1], strides = [1, 1, 1]} : vector<64x128x1xf32> to vector<1x128x1xf32>
    %squeeze3A_256 = vector.shape_cast %slice3A_255 : vector<1x128x1xf32> to vector<128x1xf32>
    %dot_general3A_257 = arith.constant dense<0.000000e+00> : vector<1x128xf32>
    %dot_general3A_258 = tpu.matmul %squeeze3A_256, %convert_element_type3A_166, %dot_general3A_257 {dimension_numbers = #tpu.dot_dimension_numbers<[0], [0], [1], [1], [0, 1, 1, 1], [], []>, transpose_lhs_hint = false} : vector<128x1xf32>, vector<128x128xf32>, vector<1x128xf32> -> vector<1x128xf32>
    %slice3A_259 = vector.extract_strided_slice %reshape3A_161 {offsets = [23, 0, 0], sizes = [1, 128, 1], strides = [1, 1, 1]} : vector<64x128x1xf32> to vector<1x128x1xf32>
    %squeeze3A_260 = vector.shape_cast %slice3A_259 : vector<1x128x1xf32> to vector<128x1xf32>
    %dot_general3A_261 = arith.constant dense<0.000000e+00> : vector<1x128xf32>
    %dot_general3A_262 = tpu.matmul %squeeze3A_260, %convert_element_type3A_166, %dot_general3A_261 {dimension_numbers = #tpu.dot_dimension_numbers<[0], [0], [1], [1], [0, 1, 1, 1], [], []>, transpose_lhs_hint = false} : vector<128x1xf32>, vector<128x128xf32>, vector<1x128xf32> -> vector<1x128xf32>
    %slice3A_263 = vector.extract_strided_slice %reshape3A_161 {offsets = [24, 0, 0], sizes = [1, 128, 1], strides = [1, 1, 1]} : vector<64x128x1xf32> to vector<1x128x1xf32>
    %squeeze3A_264 = vector.shape_cast %slice3A_263 : vector<1x128x1xf32> to vector<128x1xf32>
    %dot_general3A_265 = arith.constant dense<0.000000e+00> : vector<1x128xf32>
    %dot_general3A_266 = tpu.matmul %squeeze3A_264, %convert_element_type3A_166, %dot_general3A_265 {dimension_numbers = #tpu.dot_dimension_numbers<[0], [0], [1], [1], [0, 1, 1, 1], [], []>, transpose_lhs_hint = false} : vector<128x1xf32>, vector<128x128xf32>, vector<1x128xf32> -> vector<1x128xf32>
    %slice3A_267 = vector.extract_strided_slice %reshape3A_161 {offsets = [25, 0, 0], sizes = [1, 128, 1], strides = [1, 1, 1]} : vector<64x128x1xf32> to vector<1x128x1xf32>
    %squeeze3A_268 = vector.shape_cast %slice3A_267 : vector<1x128x1xf32> to vector<128x1xf32>
    %dot_general3A_269 = arith.constant dense<0.000000e+00> : vector<1x128xf32>
    %dot_general3A_270 = tpu.matmul %squeeze3A_268, %convert_element_type3A_166, %dot_general3A_269 {dimension_numbers = #tpu.dot_dimension_numbers<[0], [0], [1], [1], [0, 1, 1, 1], [], []>, transpose_lhs_hint = false} : vector<128x1xf32>, vector<128x128xf32>, vector<1x128xf32> -> vector<1x128xf32>
    %slice3A_271 = vector.extract_strided_slice %reshape3A_161 {offsets = [26, 0, 0], sizes = [1, 128, 1], strides = [1, 1, 1]} : vector<64x128x1xf32> to vector<1x128x1xf32>
    %squeeze3A_272 = vector.shape_cast %slice3A_271 : vector<1x128x1xf32> to vector<128x1xf32>
    %dot_general3A_273 = arith.constant dense<0.000000e+00> : vector<1x128xf32>
    %dot_general3A_274 = tpu.matmul %squeeze3A_272, %convert_element_type3A_166, %dot_general3A_273 {dimension_numbers = #tpu.dot_dimension_numbers<[0], [0], [1], [1], [0, 1, 1, 1], [], []>, transpose_lhs_hint = false} : vector<128x1xf32>, vector<128x128xf32>, vector<1x128xf32> -> vector<1x128xf32>
    %slice3A_275 = vector.extract_strided_slice %reshape3A_161 {offsets = [27, 0, 0], sizes = [1, 128, 1], strides = [1, 1, 1]} : vector<64x128x1xf32> to vector<1x128x1xf32>
    %squeeze3A_276 = vector.shape_cast %slice3A_275 : vector<1x128x1xf32> to vector<128x1xf32>
    %dot_general3A_277 = arith.constant dense<0.000000e+00> : vector<1x128xf32>
    %dot_general3A_278 = tpu.matmul %squeeze3A_276, %convert_element_type3A_166, %dot_general3A_277 {dimension_numbers = #tpu.dot_dimension_numbers<[0], [0], [1], [1], [0, 1, 1, 1], [], []>, transpose_lhs_hint = false} : vector<128x1xf32>, vector<128x128xf32>, vector<1x128xf32> -> vector<1x128xf32>
    %slice3A_279 = vector.extract_strided_slice %reshape3A_161 {offsets = [28, 0, 0], sizes = [1, 128, 1], strides = [1, 1, 1]} : vector<64x128x1xf32> to vector<1x128x1xf32>
    %squeeze3A_280 = vector.shape_cast %slice3A_279 : vector<1x128x1xf32> to vector<128x1xf32>
    %dot_general3A_281 = arith.constant dense<0.000000e+00> : vector<1x128xf32>
    %dot_general3A_282 = tpu.matmul %squeeze3A_280, %convert_element_type3A_166, %dot_general3A_281 {dimension_numbers = #tpu.dot_dimension_numbers<[0], [0], [1], [1], [0, 1, 1, 1], [], []>, transpose_lhs_hint = false} : vector<128x1xf32>, vector<128x128xf32>, vector<1x128xf32> -> vector<1x128xf32>
    %slice3A_283 = vector.extract_strided_slice %reshape3A_161 {offsets = [29, 0, 0], sizes = [1, 128, 1], strides = [1, 1, 1]} : vector<64x128x1xf32> to vector<1x128x1xf32>
    %squeeze3A_284 = vector.shape_cast %slice3A_283 : vector<1x128x1xf32> to vector<128x1xf32>
    %dot_general3A_285 = arith.constant dense<0.000000e+00> : vector<1x128xf32>
    %dot_general3A_286 = tpu.matmul %squeeze3A_284, %convert_element_type3A_166, %dot_general3A_285 {dimension_numbers = #tpu.dot_dimension_numbers<[0], [0], [1], [1], [0, 1, 1, 1], [], []>, transpose_lhs_hint = false} : vector<128x1xf32>, vector<128x128xf32>, vector<1x128xf32> -> vector<1x128xf32>
    %slice3A_287 = vector.extract_strided_slice %reshape3A_161 {offsets = [30, 0, 0], sizes = [1, 128, 1], strides = [1, 1, 1]} : vector<64x128x1xf32> to vector<1x128x1xf32>
    %squeeze3A_288 = vector.shape_cast %slice3A_287 : vector<1x128x1xf32> to vector<128x1xf32>
    %dot_general3A_289 = arith.constant dense<0.000000e+00> : vector<1x128xf32>
    %dot_general3A_290 = tpu.matmul %squeeze3A_288, %convert_element_type3A_166, %dot_general3A_289 {dimension_numbers = #tpu.dot_dimension_numbers<[0], [0], [1], [1], [0, 1, 1, 1], [], []>, transpose_lhs_hint = false} : vector<128x1xf32>, vector<128x128xf32>, vector<1x128xf32> -> vector<1x128xf32>
    %slice3A_291 = vector.extract_strided_slice %reshape3A_161 {offsets = [31, 0, 0], sizes = [1, 128, 1], strides = [1, 1, 1]} : vector<64x128x1xf32> to vector<1x128x1xf32>
    %squeeze3A_292 = vector.shape_cast %slice3A_291 : vector<1x128x1xf32> to vector<128x1xf32>
    %dot_general3A_293 = arith.constant dense<0.000000e+00> : vector<1x128xf32>
    %dot_general3A_294 = tpu.matmul %squeeze3A_292, %convert_element_type3A_166, %dot_general3A_293 {dimension_numbers = #tpu.dot_dimension_numbers<[0], [0], [1], [1], [0, 1, 1, 1], [], []>, transpose_lhs_hint = false} : vector<128x1xf32>, vector<128x128xf32>, vector<1x128xf32> -> vector<1x128xf32>
    %slice3A_295 = vector.extract_strided_slice %reshape3A_161 {offsets = [32, 0, 0], sizes = [1, 128, 1], strides = [1, 1, 1]} : vector<64x128x1xf32> to vector<1x128x1xf32>
    %squeeze3A_296 = vector.shape_cast %slice3A_295 : vector<1x128x1xf32> to vector<128x1xf32>
    %dot_general3A_297 = arith.constant dense<0.000000e+00> : vector<1x128xf32>
    %dot_general3A_298 = tpu.matmul %squeeze3A_296, %convert_element_type3A_166, %dot_general3A_297 {dimension_numbers = #tpu.dot_dimension_numbers<[0], [0], [1], [1], [0, 1, 1, 1], [], []>, transpose_lhs_hint = false} : vector<128x1xf32>, vector<128x128xf32>, vector<1x128xf32> -> vector<1x128xf32>
    %slice3A_299 = vector.extract_strided_slice %reshape3A_161 {offsets = [33, 0, 0], sizes = [1, 128, 1], strides = [1, 1, 1]} : vector<64x128x1xf32> to vector<1x128x1xf32>
    %squeeze3A_300 = vector.shape_cast %slice3A_299 : vector<1x128x1xf32> to vector<128x1xf32>
    %dot_general3A_301 = arith.constant dense<0.000000e+00> : vector<1x128xf32>
    %dot_general3A_302 = tpu.matmul %squeeze3A_300, %convert_element_type3A_166, %dot_general3A_301 {dimension_numbers = #tpu.dot_dimension_numbers<[0], [0], [1], [1], [0, 1, 1, 1], [], []>, transpose_lhs_hint = false} : vector<128x1xf32>, vector<128x128xf32>, vector<1x128xf32> -> vector<1x128xf32>
    %slice3A_303 = vector.extract_strided_slice %reshape3A_161 {offsets = [34, 0, 0], sizes = [1, 128, 1], strides = [1, 1, 1]} : vector<64x128x1xf32> to vector<1x128x1xf32>
    %squeeze3A_304 = vector.shape_cast %slice3A_303 : vector<1x128x1xf32> to vector<128x1xf32>
    %dot_general3A_305 = arith.constant dense<0.000000e+00> : vector<1x128xf32>
    %dot_general3A_306 = tpu.matmul %squeeze3A_304, %convert_element_type3A_166, %dot_general3A_305 {dimension_numbers = #tpu.dot_dimension_numbers<[0], [0], [1], [1], [0, 1, 1, 1], [], []>, transpose_lhs_hint = false} : vector<128x1xf32>, vector<128x128xf32>, vector<1x128xf32> -> vector<1x128xf32>
    %slice3A_307 = vector.extract_strided_slice %reshape3A_161 {offsets = [35, 0, 0], sizes = [1, 128, 1], strides = [1, 1, 1]} : vector<64x128x1xf32> to vector<1x128x1xf32>
    %squeeze3A_308 = vector.shape_cast %slice3A_307 : vector<1x128x1xf32> to vector<128x1xf32>
    %dot_general3A_309 = arith.constant dense<0.000000e+00> : vector<1x128xf32>
    %dot_general3A_310 = tpu.matmul %squeeze3A_308, %convert_element_type3A_166, %dot_general3A_309 {dimension_numbers = #tpu.dot_dimension_numbers<[0], [0], [1], [1], [0, 1, 1, 1], [], []>, transpose_lhs_hint = false} : vector<128x1xf32>, vector<128x128xf32>, vector<1x128xf32> -> vector<1x128xf32>
    %slice3A_311 = vector.extract_strided_slice %reshape3A_161 {offsets = [36, 0, 0], sizes = [1, 128, 1], strides = [1, 1, 1]} : vector<64x128x1xf32> to vector<1x128x1xf32>
    %squeeze3A_312 = vector.shape_cast %slice3A_311 : vector<1x128x1xf32> to vector<128x1xf32>
    %dot_general3A_313 = arith.constant dense<0.000000e+00> : vector<1x128xf32>
    %dot_general3A_314 = tpu.matmul %squeeze3A_312, %convert_element_type3A_166, %dot_general3A_313 {dimension_numbers = #tpu.dot_dimension_numbers<[0], [0], [1], [1], [0, 1, 1, 1], [], []>, transpose_lhs_hint = false} : vector<128x1xf32>, vector<128x128xf32>, vector<1x128xf32> -> vector<1x128xf32>
    %slice3A_315 = vector.extract_strided_slice %reshape3A_161 {offsets = [37, 0, 0], sizes = [1, 128, 1], strides = [1, 1, 1]} : vector<64x128x1xf32> to vector<1x128x1xf32>
    %squeeze3A_316 = vector.shape_cast %slice3A_315 : vector<1x128x1xf32> to vector<128x1xf32>
    %dot_general3A_317 = arith.constant dense<0.000000e+00> : vector<1x128xf32>
    %dot_general3A_318 = tpu.matmul %squeeze3A_316, %convert_element_type3A_166, %dot_general3A_317 {dimension_numbers = #tpu.dot_dimension_numbers<[0], [0], [1], [1], [0, 1, 1, 1], [], []>, transpose_lhs_hint = false} : vector<128x1xf32>, vector<128x128xf32>, vector<1x128xf32> -> vector<1x128xf32>
    %slice3A_319 = vector.extract_strided_slice %reshape3A_161 {offsets = [38, 0, 0], sizes = [1, 128, 1], strides = [1, 1, 1]} : vector<64x128x1xf32> to vector<1x128x1xf32>
    %squeeze3A_320 = vector.shape_cast %slice3A_319 : vector<1x128x1xf32> to vector<128x1xf32>
    %dot_general3A_321 = arith.constant dense<0.000000e+00> : vector<1x128xf32>
    %dot_general3A_322 = tpu.matmul %squeeze3A_320, %convert_element_type3A_166, %dot_general3A_321 {dimension_numbers = #tpu.dot_dimension_numbers<[0], [0], [1], [1], [0, 1, 1, 1], [], []>, transpose_lhs_hint = false} : vector<128x1xf32>, vector<128x128xf32>, vector<1x128xf32> -> vector<1x128xf32>
    %slice3A_323 = vector.extract_strided_slice %reshape3A_161 {offsets = [39, 0, 0], sizes = [1, 128, 1], strides = [1, 1, 1]} : vector<64x128x1xf32> to vector<1x128x1xf32>
    %squeeze3A_324 = vector.shape_cast %slice3A_323 : vector<1x128x1xf32> to vector<128x1xf32>
    %dot_general3A_325 = arith.constant dense<0.000000e+00> : vector<1x128xf32>
    %dot_general3A_326 = tpu.matmul %squeeze3A_324, %convert_element_type3A_166, %dot_general3A_325 {dimension_numbers = #tpu.dot_dimension_numbers<[0], [0], [1], [1], [0, 1, 1, 1], [], []>, transpose_lhs_hint = false} : vector<128x1xf32>, vector<128x128xf32>, vector<1x128xf32> -> vector<1x128xf32>
    %slice3A_327 = vector.extract_strided_slice %reshape3A_161 {offsets = [40, 0, 0], sizes = [1, 128, 1], strides = [1, 1, 1]} : vector<64x128x1xf32> to vector<1x128x1xf32>
    %squeeze3A_328 = vector.shape_cast %slice3A_327 : vector<1x128x1xf32> to vector<128x1xf32>
    %dot_general3A_329 = arith.constant dense<0.000000e+00> : vector<1x128xf32>
    %dot_general3A_330 = tpu.matmul %squeeze3A_328, %convert_element_type3A_166, %dot_general3A_329 {dimension_numbers = #tpu.dot_dimension_numbers<[0], [0], [1], [1], [0, 1, 1, 1], [], []>, transpose_lhs_hint = false} : vector<128x1xf32>, vector<128x128xf32>, vector<1x128xf32> -> vector<1x128xf32>
    %slice3A_331 = vector.extract_strided_slice %reshape3A_161 {offsets = [41, 0, 0], sizes = [1, 128, 1], strides = [1, 1, 1]} : vector<64x128x1xf32> to vector<1x128x1xf32>
    %squeeze3A_332 = vector.shape_cast %slice3A_331 : vector<1x128x1xf32> to vector<128x1xf32>
    %dot_general3A_333 = arith.constant dense<0.000000e+00> : vector<1x128xf32>
    %dot_general3A_334 = tpu.matmul %squeeze3A_332, %convert_element_type3A_166, %dot_general3A_333 {dimension_numbers = #tpu.dot_dimension_numbers<[0], [0], [1], [1], [0, 1, 1, 1], [], []>, transpose_lhs_hint = false} : vector<128x1xf32>, vector<128x128xf32>, vector<1x128xf32> -> vector<1x128xf32>
    %slice3A_335 = vector.extract_strided_slice %reshape3A_161 {offsets = [42, 0, 0], sizes = [1, 128, 1], strides = [1, 1, 1]} : vector<64x128x1xf32> to vector<1x128x1xf32>
    %squeeze3A_336 = vector.shape_cast %slice3A_335 : vector<1x128x1xf32> to vector<128x1xf32>
    %dot_general3A_337 = arith.constant dense<0.000000e+00> : vector<1x128xf32>
    %dot_general3A_338 = tpu.matmul %squeeze3A_336, %convert_element_type3A_166, %dot_general3A_337 {dimension_numbers = #tpu.dot_dimension_numbers<[0], [0], [1], [1], [0, 1, 1, 1], [], []>, transpose_lhs_hint = false} : vector<128x1xf32>, vector<128x128xf32>, vector<1x128xf32> -> vector<1x128xf32>
    %slice3A_339 = vector.extract_strided_slice %reshape3A_161 {offsets = [43, 0, 0], sizes = [1, 128, 1], strides = [1, 1, 1]} : vector<64x128x1xf32> to vector<1x128x1xf32>
    %squeeze3A_340 = vector.shape_cast %slice3A_339 : vector<1x128x1xf32> to vector<128x1xf32>
    %dot_general3A_341 = arith.constant dense<0.000000e+00> : vector<1x128xf32>
    %dot_general3A_342 = tpu.matmul %squeeze3A_340, %convert_element_type3A_166, %dot_general3A_341 {dimension_numbers = #tpu.dot_dimension_numbers<[0], [0], [1], [1], [0, 1, 1, 1], [], []>, transpose_lhs_hint = false} : vector<128x1xf32>, vector<128x128xf32>, vector<1x128xf32> -> vector<1x128xf32>
    %slice3A_343 = vector.extract_strided_slice %reshape3A_161 {offsets = [44, 0, 0], sizes = [1, 128, 1], strides = [1, 1, 1]} : vector<64x128x1xf32> to vector<1x128x1xf32>
    %squeeze3A_344 = vector.shape_cast %slice3A_343 : vector<1x128x1xf32> to vector<128x1xf32>
    %dot_general3A_345 = arith.constant dense<0.000000e+00> : vector<1x128xf32>
    %dot_general3A_346 = tpu.matmul %squeeze3A_344, %convert_element_type3A_166, %dot_general3A_345 {dimension_numbers = #tpu.dot_dimension_numbers<[0], [0], [1], [1], [0, 1, 1, 1], [], []>, transpose_lhs_hint = false} : vector<128x1xf32>, vector<128x128xf32>, vector<1x128xf32> -> vector<1x128xf32>
    %slice3A_347 = vector.extract_strided_slice %reshape3A_161 {offsets = [45, 0, 0], sizes = [1, 128, 1], strides = [1, 1, 1]} : vector<64x128x1xf32> to vector<1x128x1xf32>
    %squeeze3A_348 = vector.shape_cast %slice3A_347 : vector<1x128x1xf32> to vector<128x1xf32>
    %dot_general3A_349 = arith.constant dense<0.000000e+00> : vector<1x128xf32>
    %dot_general3A_350 = tpu.matmul %squeeze3A_348, %convert_element_type3A_166, %dot_general3A_349 {dimension_numbers = #tpu.dot_dimension_numbers<[0], [0], [1], [1], [0, 1, 1, 1], [], []>, transpose_lhs_hint = false} : vector<128x1xf32>, vector<128x128xf32>, vector<1x128xf32> -> vector<1x128xf32>
    %slice3A_351 = vector.extract_strided_slice %reshape3A_161 {offsets = [46, 0, 0], sizes = [1, 128, 1], strides = [1, 1, 1]} : vector<64x128x1xf32> to vector<1x128x1xf32>
    %squeeze3A_352 = vector.shape_cast %slice3A_351 : vector<1x128x1xf32> to vector<128x1xf32>
    %dot_general3A_353 = arith.constant dense<0.000000e+00> : vector<1x128xf32>
    %dot_general3A_354 = tpu.matmul %squeeze3A_352, %convert_element_type3A_166, %dot_general3A_353 {dimension_numbers = #tpu.dot_dimension_numbers<[0], [0], [1], [1], [0, 1, 1, 1], [], []>, transpose_lhs_hint = false} : vector<128x1xf32>, vector<128x128xf32>, vector<1x128xf32> -> vector<1x128xf32>
    %slice3A_355 = vector.extract_strided_slice %reshape3A_161 {offsets = [47, 0, 0], sizes = [1, 128, 1], strides = [1, 1, 1]} : vector<64x128x1xf32> to vector<1x128x1xf32>
    %squeeze3A_356 = vector.shape_cast %slice3A_355 : vector<1x128x1xf32> to vector<128x1xf32>
    %dot_general3A_357 = arith.constant dense<0.000000e+00> : vector<1x128xf32>
    %dot_general3A_358 = tpu.matmul %squeeze3A_356, %convert_element_type3A_166, %dot_general3A_357 {dimension_numbers = #tpu.dot_dimension_numbers<[0], [0], [1], [1], [0, 1, 1, 1], [], []>, transpose_lhs_hint = false} : vector<128x1xf32>, vector<128x128xf32>, vector<1x128xf32> -> vector<1x128xf32>
    %slice3A_359 = vector.extract_strided_slice %reshape3A_161 {offsets = [48, 0, 0], sizes = [1, 128, 1], strides = [1, 1, 1]} : vector<64x128x1xf32> to vector<1x128x1xf32>
    %squeeze3A_360 = vector.shape_cast %slice3A_359 : vector<1x128x1xf32> to vector<128x1xf32>
    %dot_general3A_361 = arith.constant dense<0.000000e+00> : vector<1x128xf32>
    %dot_general3A_362 = tpu.matmul %squeeze3A_360, %convert_element_type3A_166, %dot_general3A_361 {dimension_numbers = #tpu.dot_dimension_numbers<[0], [0], [1], [1], [0, 1, 1, 1], [], []>, transpose_lhs_hint = false} : vector<128x1xf32>, vector<128x128xf32>, vector<1x128xf32> -> vector<1x128xf32>
    %slice3A_363 = vector.extract_strided_slice %reshape3A_161 {offsets = [49, 0, 0], sizes = [1, 128, 1], strides = [1, 1, 1]} : vector<64x128x1xf32> to vector<1x128x1xf32>
    %squeeze3A_364 = vector.shape_cast %slice3A_363 : vector<1x128x1xf32> to vector<128x1xf32>
    %dot_general3A_365 = arith.constant dense<0.000000e+00> : vector<1x128xf32>
    %dot_general3A_366 = tpu.matmul %squeeze3A_364, %convert_element_type3A_166, %dot_general3A_365 {dimension_numbers = #tpu.dot_dimension_numbers<[0], [0], [1], [1], [0, 1, 1, 1], [], []>, transpose_lhs_hint = false} : vector<128x1xf32>, vector<128x128xf32>, vector<1x128xf32> -> vector<1x128xf32>
    %slice3A_367 = vector.extract_strided_slice %reshape3A_161 {offsets = [50, 0, 0], sizes = [1, 128, 1], strides = [1, 1, 1]} : vector<64x128x1xf32> to vector<1x128x1xf32>
    %squeeze3A_368 = vector.shape_cast %slice3A_367 : vector<1x128x1xf32> to vector<128x1xf32>
    %dot_general3A_369 = arith.constant dense<0.000000e+00> : vector<1x128xf32>
    %dot_general3A_370 = tpu.matmul %squeeze3A_368, %convert_element_type3A_166, %dot_general3A_369 {dimension_numbers = #tpu.dot_dimension_numbers<[0], [0], [1], [1], [0, 1, 1, 1], [], []>, transpose_lhs_hint = false} : vector<128x1xf32>, vector<128x128xf32>, vector<1x128xf32> -> vector<1x128xf32>
    %slice3A_371 = vector.extract_strided_slice %reshape3A_161 {offsets = [51, 0, 0], sizes = [1, 128, 1], strides = [1, 1, 1]} : vector<64x128x1xf32> to vector<1x128x1xf32>
    %squeeze3A_372 = vector.shape_cast %slice3A_371 : vector<1x128x1xf32> to vector<128x1xf32>
    %dot_general3A_373 = arith.constant dense<0.000000e+00> : vector<1x128xf32>
    %dot_general3A_374 = tpu.matmul %squeeze3A_372, %convert_element_type3A_166, %dot_general3A_373 {dimension_numbers = #tpu.dot_dimension_numbers<[0], [0], [1], [1], [0, 1, 1, 1], [], []>, transpose_lhs_hint = false} : vector<128x1xf32>, vector<128x128xf32>, vector<1x128xf32> -> vector<1x128xf32>
    %slice3A_375 = vector.extract_strided_slice %reshape3A_161 {offsets = [52, 0, 0], sizes = [1, 128, 1], strides = [1, 1, 1]} : vector<64x128x1xf32> to vector<1x128x1xf32>
    %squeeze3A_376 = vector.shape_cast %slice3A_375 : vector<1x128x1xf32> to vector<128x1xf32>
    %dot_general3A_377 = arith.constant dense<0.000000e+00> : vector<1x128xf32>
    %dot_general3A_378 = tpu.matmul %squeeze3A_376, %convert_element_type3A_166, %dot_general3A_377 {dimension_numbers = #tpu.dot_dimension_numbers<[0], [0], [1], [1], [0, 1, 1, 1], [], []>, transpose_lhs_hint = false} : vector<128x1xf32>, vector<128x128xf32>, vector<1x128xf32> -> vector<1x128xf32>
    %slice3A_379 = vector.extract_strided_slice %reshape3A_161 {offsets = [53, 0, 0], sizes = [1, 128, 1], strides = [1, 1, 1]} : vector<64x128x1xf32> to vector<1x128x1xf32>
    %squeeze3A_380 = vector.shape_cast %slice3A_379 : vector<1x128x1xf32> to vector<128x1xf32>
    %dot_general3A_381 = arith.constant dense<0.000000e+00> : vector<1x128xf32>
    %dot_general3A_382 = tpu.matmul %squeeze3A_380, %convert_element_type3A_166, %dot_general3A_381 {dimension_numbers = #tpu.dot_dimension_numbers<[0], [0], [1], [1], [0, 1, 1, 1], [], []>, transpose_lhs_hint = false} : vector<128x1xf32>, vector<128x128xf32>, vector<1x128xf32> -> vector<1x128xf32>
    %slice3A_383 = vector.extract_strided_slice %reshape3A_161 {offsets = [54, 0, 0], sizes = [1, 128, 1], strides = [1, 1, 1]} : vector<64x128x1xf32> to vector<1x128x1xf32>
    %squeeze3A_384 = vector.shape_cast %slice3A_383 : vector<1x128x1xf32> to vector<128x1xf32>
    %dot_general3A_385 = arith.constant dense<0.000000e+00> : vector<1x128xf32>
    %dot_general3A_386 = tpu.matmul %squeeze3A_384, %convert_element_type3A_166, %dot_general3A_385 {dimension_numbers = #tpu.dot_dimension_numbers<[0], [0], [1], [1], [0, 1, 1, 1], [], []>, transpose_lhs_hint = false} : vector<128x1xf32>, vector<128x128xf32>, vector<1x128xf32> -> vector<1x128xf32>
    %slice3A_387 = vector.extract_strided_slice %reshape3A_161 {offsets = [55, 0, 0], sizes = [1, 128, 1], strides = [1, 1, 1]} : vector<64x128x1xf32> to vector<1x128x1xf32>
    %squeeze3A_388 = vector.shape_cast %slice3A_387 : vector<1x128x1xf32> to vector<128x1xf32>
    %dot_general3A_389 = arith.constant dense<0.000000e+00> : vector<1x128xf32>
    %dot_general3A_390 = tpu.matmul %squeeze3A_388, %convert_element_type3A_166, %dot_general3A_389 {dimension_numbers = #tpu.dot_dimension_numbers<[0], [0], [1], [1], [0, 1, 1, 1], [], []>, transpose_lhs_hint = false} : vector<128x1xf32>, vector<128x128xf32>, vector<1x128xf32> -> vector<1x128xf32>
    %slice3A_391 = vector.extract_strided_slice %reshape3A_161 {offsets = [56, 0, 0], sizes = [1, 128, 1], strides = [1, 1, 1]} : vector<64x128x1xf32> to vector<1x128x1xf32>
    %squeeze3A_392 = vector.shape_cast %slice3A_391 : vector<1x128x1xf32> to vector<128x1xf32>
    %dot_general3A_393 = arith.constant dense<0.000000e+00> : vector<1x128xf32>
    %dot_general3A_394 = tpu.matmul %squeeze3A_392, %convert_element_type3A_166, %dot_general3A_393 {dimension_numbers = #tpu.dot_dimension_numbers<[0], [0], [1], [1], [0, 1, 1, 1], [], []>, transpose_lhs_hint = false} : vector<128x1xf32>, vector<128x128xf32>, vector<1x128xf32> -> vector<1x128xf32>
    %slice3A_395 = vector.extract_strided_slice %reshape3A_161 {offsets = [57, 0, 0], sizes = [1, 128, 1], strides = [1, 1, 1]} : vector<64x128x1xf32> to vector<1x128x1xf32>
    %squeeze3A_396 = vector.shape_cast %slice3A_395 : vector<1x128x1xf32> to vector<128x1xf32>
    %dot_general3A_397 = arith.constant dense<0.000000e+00> : vector<1x128xf32>
    %dot_general3A_398 = tpu.matmul %squeeze3A_396, %convert_element_type3A_166, %dot_general3A_397 {dimension_numbers = #tpu.dot_dimension_numbers<[0], [0], [1], [1], [0, 1, 1, 1], [], []>, transpose_lhs_hint = false} : vector<128x1xf32>, vector<128x128xf32>, vector<1x128xf32> -> vector<1x128xf32>
    %slice3A_399 = vector.extract_strided_slice %reshape3A_161 {offsets = [58, 0, 0], sizes = [1, 128, 1], strides = [1, 1, 1]} : vector<64x128x1xf32> to vector<1x128x1xf32>
    %squeeze3A_400 = vector.shape_cast %slice3A_399 : vector<1x128x1xf32> to vector<128x1xf32>
    %dot_general3A_401 = arith.constant dense<0.000000e+00> : vector<1x128xf32>
    %dot_general3A_402 = tpu.matmul %squeeze3A_400, %convert_element_type3A_166, %dot_general3A_401 {dimension_numbers = #tpu.dot_dimension_numbers<[0], [0], [1], [1], [0, 1, 1, 1], [], []>, transpose_lhs_hint = false} : vector<128x1xf32>, vector<128x128xf32>, vector<1x128xf32> -> vector<1x128xf32>
    %slice3A_403 = vector.extract_strided_slice %reshape3A_161 {offsets = [59, 0, 0], sizes = [1, 128, 1], strides = [1, 1, 1]} : vector<64x128x1xf32> to vector<1x128x1xf32>
    %squeeze3A_404 = vector.shape_cast %slice3A_403 : vector<1x128x1xf32> to vector<128x1xf32>
    %dot_general3A_405 = arith.constant dense<0.000000e+00> : vector<1x128xf32>
    %dot_general3A_406 = tpu.matmul %squeeze3A_404, %convert_element_type3A_166, %dot_general3A_405 {dimension_numbers = #tpu.dot_dimension_numbers<[0], [0], [1], [1], [0, 1, 1, 1], [], []>, transpose_lhs_hint = false} : vector<128x1xf32>, vector<128x128xf32>, vector<1x128xf32> -> vector<1x128xf32>
    %slice3A_407 = vector.extract_strided_slice %reshape3A_161 {offsets = [60, 0, 0], sizes = [1, 128, 1], strides = [1, 1, 1]} : vector<64x128x1xf32> to vector<1x128x1xf32>
    %squeeze3A_408 = vector.shape_cast %slice3A_407 : vector<1x128x1xf32> to vector<128x1xf32>
    %dot_general3A_409 = arith.constant dense<0.000000e+00> : vector<1x128xf32>
    %dot_general3A_410 = tpu.matmul %squeeze3A_408, %convert_element_type3A_166, %dot_general3A_409 {dimension_numbers = #tpu.dot_dimension_numbers<[0], [0], [1], [1], [0, 1, 1, 1], [], []>, transpose_lhs_hint = false} : vector<128x1xf32>, vector<128x128xf32>, vector<1x128xf32> -> vector<1x128xf32>
    %slice3A_411 = vector.extract_strided_slice %reshape3A_161 {offsets = [61, 0, 0], sizes = [1, 128, 1], strides = [1, 1, 1]} : vector<64x128x1xf32> to vector<1x128x1xf32>
    %squeeze3A_412 = vector.shape_cast %slice3A_411 : vector<1x128x1xf32> to vector<128x1xf32>
    %dot_general3A_413 = arith.constant dense<0.000000e+00> : vector<1x128xf32>
    %dot_general3A_414 = tpu.matmul %squeeze3A_412, %convert_element_type3A_166, %dot_general3A_413 {dimension_numbers = #tpu.dot_dimension_numbers<[0], [0], [1], [1], [0, 1, 1, 1], [], []>, transpose_lhs_hint = false} : vector<128x1xf32>, vector<128x128xf32>, vector<1x128xf32> -> vector<1x128xf32>
    %slice3A_415 = vector.extract_strided_slice %reshape3A_161 {offsets = [62, 0, 0], sizes = [1, 128, 1], strides = [1, 1, 1]} : vector<64x128x1xf32> to vector<1x128x1xf32>
    %squeeze3A_416 = vector.shape_cast %slice3A_415 : vector<1x128x1xf32> to vector<128x1xf32>
    %dot_general3A_417 = arith.constant dense<0.000000e+00> : vector<1x128xf32>
    %dot_general3A_418 = tpu.matmul %squeeze3A_416, %convert_element_type3A_166, %dot_general3A_417 {dimension_numbers = #tpu.dot_dimension_numbers<[0], [0], [1], [1], [0, 1, 1, 1], [], []>, transpose_lhs_hint = false} : vector<128x1xf32>, vector<128x128xf32>, vector<1x128xf32> -> vector<1x128xf32>
    %slice3A_419 = vector.extract_strided_slice %reshape3A_161 {offsets = [63, 0, 0], sizes = [1, 128, 1], strides = [1, 1, 1]} : vector<64x128x1xf32> to vector<1x128x1xf32>
    %squeeze3A_420 = vector.shape_cast %slice3A_419 : vector<1x128x1xf32> to vector<128x1xf32>
    %dot_general3A_421 = arith.constant dense<0.000000e+00> : vector<1x128xf32>
    %dot_general3A_422 = tpu.matmul %squeeze3A_420, %convert_element_type3A_166, %dot_general3A_421 {dimension_numbers = #tpu.dot_dimension_numbers<[0], [0], [1], [1], [0, 1, 1, 1], [], []>, transpose_lhs_hint = false} : vector<128x1xf32>, vector<128x128xf32>, vector<1x128xf32> -> vector<1x128xf32>
    %concatenate3A_423 = tpu.concatenate %dot_general3A_170, %dot_general3A_174, %dot_general3A_178, %dot_general3A_182, %dot_general3A_186, %dot_general3A_190, %dot_general3A_194, %dot_general3A_198, %dot_general3A_202, %dot_general3A_206, %dot_general3A_210, %dot_general3A_214, %dot_general3A_218, %dot_general3A_222, %dot_general3A_226, %dot_general3A_230, %dot_general3A_234, %dot_general3A_238, %dot_general3A_242, %dot_general3A_246, %dot_general3A_250, %dot_general3A_254, %dot_general3A_258, %dot_general3A_262, %dot_general3A_266, %dot_general3A_270, %dot_general3A_274, %dot_general3A_278, %dot_general3A_282, %dot_general3A_286, %dot_general3A_290, %dot_general3A_294, %dot_general3A_298, %dot_general3A_302, %dot_general3A_306, %dot_general3A_310, %dot_general3A_314, %dot_general3A_318, %dot_general3A_322, %dot_general3A_326, %dot_general3A_330, %dot_general3A_334, %dot_general3A_338, %dot_general3A_342, %dot_general3A_346, %dot_general3A_350, %dot_general3A_354, %dot_general3A_358, %dot_general3A_362, %dot_general3A_366, %dot_general3A_370, %dot_general3A_374, %dot_general3A_378, %dot_general3A_382, %dot_general3A_386, %dot_general3A_390, %dot_general3A_394, %dot_general3A_398, %dot_general3A_402, %dot_general3A_406, %dot_general3A_410, %dot_general3A_414, %dot_general3A_418, %dot_general3A_422 in 1 : vector<1x128xf32>, vector<1x128xf32>, vector<1x128xf32>, vector<1x128xf32>, vector<1x128xf32>, vector<1x128xf32>, vector<1x128xf32>, vector<1x128xf32>, vector<1x128xf32>, vector<1x128xf32>, vector<1x128xf32>, vector<1x128xf32>, vector<1x128xf32>, vector<1x128xf32>, vector<1x128xf32>, vector<1x128xf32>, vector<1x128xf32>, vector<1x128xf32>, vector<1x128xf32>, vector<1x128xf32>, vector<1x128xf32>, vector<1x128xf32>, vector<1x128xf32>, vector<1x128xf32>, vector<1x128xf32>, vector<1x128xf32>, vector<1x128xf32>, vector<1x128xf32>, vector<1x128xf32>, vector<1x128xf32>, vector<1x128xf32>, vector<1x128xf32>, vector<1x128xf32>, vector<1x128xf32>, vector<1x128xf32>, vector<1x128xf32>, vector<1x128xf32>, vector<1x128xf32>, vector<1x128xf32>, vector<1x128xf32>, vector<1x128xf32>, vector<1x128xf32>, vector<1x128xf32>, vector<1x128xf32>, vector<1x128xf32>, vector<1x128xf32>, vector<1x128xf32>, vector<1x128xf32>, vector<1x128xf32>, vector<1x128xf32>, vector<1x128xf32>, vector<1x128xf32>, vector<1x128xf32>, vector<1x128xf32>, vector<1x128xf32>, vector<1x128xf32>, vector<1x128xf32>, vector<1x128xf32>, vector<1x128xf32>, vector<1x128xf32>, vector<1x128xf32>, vector<1x128xf32>, vector<1x128xf32>, vector<1x128xf32> -> vector<1x8192xf32>
    %slice3A_424 = vector.extract_strided_slice %concatenate3A_423 {offsets = [0, 0], sizes = [1, 8112], strides = [1, 1]} : vector<1x8192xf32> to vector<1x8112xf32>
    %mul3A_425 = arith.mulf %get3A_156, %slice3A_424 : vector<1x8112xf32>
    %broadcast_in_dim3A_426 = arith.constant -1.000000e+30 : f32
    %broadcast_in_dim3A_427 = vector.broadcast %broadcast_in_dim3A_426 : f32 to vector<1x105xf32>
    %concatenate3A_428 = tpu.concatenate %mul3A, %mul3A_134, %mul3A_425, %broadcast_in_dim3A_427 in 1 : vector<1x507xf32>, vector<1x2028xf32>, vector<1x8112xf32>, vector<1x105xf32> -> vector<1x10752xf32>
    %swap3A = arith.constant 0 : index
    %swap3A_429 = arith.constant 0 : index
    %swap3A_430 = arith.constant 0 : index
    %swap3A_431 = vector.load %arg7[%swap3A, %swap3A_429, %swap3A_430] : memref<1x1x10752xf32, #tpu.memory_space<vmem>>, vector<1x1x10752xf32>
    %swap3A_432 = vector.shape_cast %swap3A_431 : vector<1x1x10752xf32> to vector<1x10752xf32>
    %swap3A_433 = vector.shape_cast %concatenate3A_428 : vector<1x10752xf32> to vector<1x1x10752xf32>
    tpu.vector_store %arg7[%swap3A, %swap3A_429, %swap3A_430], %swap3A_433 {strides = array<i32>} : memref<1x1x10752xf32, #tpu.memory_space<vmem>>, vector<1x1x10752xf32>,
    return
  }
  func.func @transform_0(%arg0: i32) -> (i32, i32, i32) {
    %c0_i32 = arith.constant 0 : i32
    %c0_i32_0 = arith.constant 0 : i32
    %c0_i32_1 = arith.constant 0 : i32
    return %arg0, %c0_i32, %c0_i32_0 : i32, i32, i32
  }
  func.func @transform_1(%arg0: i32) -> (i32, i32, i32) {
    %c0_i32 = arith.constant 0 : i32
    %c0_i32_0 = arith.constant 0 : i32
    %c0_i32_1 = arith.constant 0 : i32
    return %arg0, %c0_i32, %c0_i32_0 : i32, i32, i32
  }
  func.func @transform_2(%arg0: i32) -> (i32, i32, i32) {
    %c0_i32 = arith.constant 0 : i32
    %c0_i32_0 = arith.constant 0 : i32
    %c0_i32_1 = arith.constant 0 : i32
    return %arg0, %c0_i32, %c0_i32_0 : i32, i32, i32
  }
  func.func @transform_3(%arg0: i32) -> (i32, i32, i32) {
    %c0_i32 = arith.constant 0 : i32
    %c0_i32_0 = arith.constant 0 : i32
    %c0_i32_1 = arith.constant 0 : i32
    return %arg0, %c0_i32, %c0_i32_0 : i32, i32, i32
  }
  func.func @transform_4(%arg0: i32) -> (i32, i32, i32) {
    %c0_i32 = arith.constant 0 : i32
    %c0_i32_0 = arith.constant 0 : i32
    %c0_i32_1 = arith.constant 0 : i32
    return %arg0, %c0_i32, %c0_i32_0 : i32, i32, i32
  }
  func.func @transform_5(%arg0: i32) -> (i32, i32, i32) {
    %c0_i32 = arith.constant 0 : i32
    %c0_i32_0 = arith.constant 0 : i32
    %c0_i32_1 = arith.constant 0 : i32
    return %arg0, %c0_i32, %c0_i32_0 : i32, i32, i32
  }
  func.func @transform_6(%arg0: i32) -> (i32, i32, i32) {
    %c0_i32 = arith.constant 0 : i32
    %c0_i32_0 = arith.constant 0 : i32
    %c0_i32_1 = arith.constant 0 : i32
    return %arg0, %c0_i32, %c0_i32_0 : i32, i32, i32
  }
}

</mosaic_0001>

<sc_bundles>
// kernel: kernel.4.cloned.1.call-start
scs
__scs_entry_jumppad:
0x0: {  	(pc) =	sbr.rel $0x88, $3  }
0x1: {  	(tag) =	ssettag $0x0;
	lr =	simm.s32 $0x1  }
0x2: {  	[smem:$0x3F98] =	sst lr;
	_ =	strace $0xD0000000  }
0x3: {  	_ = 	snop  }
0x4: {  	_ = 	snop  }
0x5: {  	_ = 	snop  }
0x6: {  	_ = 	snop  }
0x7: {  	_ = 	snop  }
__scs_overlays_trampoline_lowered:
0x8: {  	[smem:$0x3FA7] =	sst s0  }
0x9: {  	[smem:$0x3FA8] =	sst s1  }
0xa: {  	[smem:$0x3FA9] =	sst s2  }
0xb: {  	[smem:$0x3FAA] =	sst s3  }
0xc: {  	[smem:$0x3FAB] =	sst s4  }
0xd: {  	[smem:$0x3FAC] =	sst s5  }
0xe: {  	[smem:$0x3FAD] =	sst s6  }
0xf: {  	[smem:$0x3FAE] =	sst s7  }
0x10: {  	[smem:$0x3FAF] =	sst s8  }
0x11: {  	[smem:$0x3FB0] =	sst s9;
	s0 =	simm.s32 @!p0 $0x0  }
0x12: {  	s1 =	sld [smem:$0x3F96];
	s0 =	simm.s32 @p0 $0x1  }
0x13: {  	[smem:$0x3FB1] =	sst s0;
	s0 =	simm.s32 @!p1 $0x0  }
0x14: {  	s2 =	sld [smem:$0x3F95];
	s0 =	simm.s32 @p1 $0x1  }
0x15: {  	[smem:$0x3FB2] =	sst s0;
	s0 =	simm.s32 @!p2 $0x0  }
0x16: {  	s3 =	sld [smem:$0x3FDB];
	s0 =	simm.s32 @p2 $0x1  }
0x17: {  	s4 =	simm.s32 $0x1BF5;
	[smem:$0x3FB4] =	sst s0  }
0x18: {  	s0 =	sld [smem:$0x3F97];
	_ =	swait.ge [sflag:s4], $0x0  }
0x19: {  	s7 =	sld [smem:$0x3F98]  }
0x1a: {  	s8 =	sadd.s32 $0xFFFFE003, lr  }
0x1b: {  	s9 =	sadd.s32 $0xFFFFFEF7, lr;
	s5 =	simm.s32 $0xFFFFFFFF;
	p2 =	slt.u32 s8, $0xFFFFF086  }
0x1c: {  	p1 =	slt.u32 s9, $0xF7A;
	s5 =	simm.s32 @!p2 $0x0  }
0x1d: {  	s5 =	simm.s32 @p1 $0x1;
	p0 =	seq.s32 s7, s2  }
0x1e: {  	s7 =	smul.u32 @!p0 $0xF7A, s2;
	p2 =	seq.s32 @!p0 s5, $0x0  }
0x1f: {  	s9 =	smul.u32 $0xF7A, s1;
	s8 =	simm.s32 @!p0 $0x1BF5;
	p2 =	por !p2, p0  }
0x20: {  	[sflag:s8] =	ssyncset.s32 @!p0 $0xFFFFF086;
	s6 =	sadd.s32 @!p0 s3, s7;
	s7 =	simm.s32 @!p0 $0x108  }
0x21: {  	s3 =	sadd.s32 s3, s9;
	s6 =	sadd.s32 @!p0 $0x88, s6;
	s7 =	simm.s32 @p2 $0x1082  }
0x22: {  	[simem:s7], [sflag:s8] =	dma.local @!p0 [hbm:s6], $0xF7A  }
0x23: {  	s9 =	sor.u32 $0xD0000000, s2;
	s6 =	simm.s32 $0x108;
	_ =	swait.ge @!p0 [sflag:s8], $0x0  }
0x24: {  	s3 =	sadd.s32 $0x88, s3;
	s6 =	simm.s32 @!p1 $0x1082;
	[sflag:s4] =	ssyncset.s32 $0xFFFFF086  }
0x25: {  	[simem:s6], [sflag:s4] =	dma.local [hbm:s3], $0xF7A  }
0x26: {  	[smem:$0x3F98] =	sst s1;
	(tag) =	ssettag s2;
	_ =	strace s9  }
0x27: {  	s1 =	sld [smem:$0x3FA8]  }
0x28: {  	s2 =	sld [smem:$0x3FA9]  }
0x29: {  	s4 =	sld [smem:$0x3FAB]  }
0x2a: {  	p0 =	seq.s32 s5, $0x0;
	s5 =	sld [smem:$0x3FAC]  }
0x2b: {  	s6 =	sld [smem:$0x3FAD]  }
0x2c: {  	s7 =	sld [smem:$0x3FAE]  }
0x2d: {  	s3 =	simm.s32 $0x108;
	s8 =	sld [smem:$0x3FAF]  }
0x2e: {  	s3 =	simm.s32 @!p0 $0x1082;
	s9 =	sld [smem:$0x3FB0]  }
0x2f: {  	lr =	sadd.s32 s0, s3;
	s0 =	sld [smem:$0x3FA7]  }
0x30: {  	s3 =	sld [smem:$0x3FAA]  }
0x31: {  	[smem:$0x3FB3] =	sst s10  }
0x32: {  	s10 =	sld [smem:$0x3FB1];
	_ =	sdelay $0x3  }
0x33: {  	p0 =	seq.s32 s10, $0x1;
	s10 =	sld [smem:$0x3FB3];
	_ =	sdelay $0x3  }
0x34: {  	[smem:$0x3FB3] =	sst s10  }
0x35: {  	s10 =	sld [smem:$0x3FB2];
	_ =	sdelay $0x3  }
0x36: {  	p1 =	seq.s32 s10, $0x1;
	s10 =	sld [smem:$0x3FB3];
	_ =	sdelay $0x3  }
0x37: {  	[smem:$0x3FB3] =	sst s10  }
0x38: {  	s10 =	sld [smem:$0x3FB4]  }
0x39: {  	_ = 	snop;
	(pc) =	sbr.ind lr, $3  }
0x3a: {  	_ = 	snop  }
0x3b: {  	_ = 	snop  }
0x3c: {  	p2 =	seq.s32 s10, $0x1;
	s10 =	sld [smem:$0x3FB3]  }
0x3d: {  	_ =	shalt  }
0x3e: {  	_ =	shalt  }
0x3f: {  	_ =	shalt  }
0x40: {  	_ =	shalt  }
0x41: {  	_ =	shalt  }
0x42: {  	_ =	shalt  }
0x43: {  	_ =	shalt  }
0x44: {  	_ =	shalt  }
0x45: {  	_ =	shalt  }
0x46: {  	_ =	shalt  }
0x47: {  	_ =	shalt  }
0x48: {  	_ =	shalt  }
0x49: {  	_ =	shalt  }
0x4a: {  	_ =	shalt  }
0x4b: {  	_ =	shalt  }
0x4c: {  	_ =	shalt  }
0x4d: {  	_ =	shalt  }
0x4e: {  	_ =	shalt  }
0x4f: {  	_ =	shalt  }
0x50: {  	_ =	shalt  }
0x51: {  	_ =	shalt  }
0x52: {  	_ =	shalt  }
0x53: {  	_ =	shalt  }
0x54: {  	_ =	shalt  }
0x55: {  	_ =	shalt  }
0x56: {  	_ =	shalt  }
0x57: {  	_ =	shalt  }
0x58: {  	_ =	shalt  }
0x59: {  	_ =	shalt  }
0x5a: {  	_ =	shalt  }
0x5b: {  	_ =	shalt  }
0x5c: {  	_ =	shalt  }
0x5d: {  	_ =	shalt  }
0x5e: {  	_ =	shalt  }
0x5f: {  	_ =	shalt  }
0x60: {  	_ =	shalt  }
0x61: {  	_ =	shalt  }
0x62: {  	_ =	shalt  }
0x63: {  	_ =	shalt  }
0x64: {  	_ =	shalt  }
0x65: {  	_ =	shalt  }
0x66: {  	_ =	shalt  }
0x67: {  	_ =	shalt  }
0x68: {  	_ =	shalt  }
0x69: {  	_ =	shalt  }
0x6a: {  	_ =	shalt  }
0x6b: {  	_ =	shalt  }
0x6c: {  	_ =	shalt  }
0x6d: {  	_ =	shalt  }
0x6e: {  	_ =	shalt  }
0x6f: {  	_ =	shalt  }
0x70: {  	_ =	shalt  }
0x71: {  	_ =	shalt  }
0x72: {  	_ =	shalt  }
0x73: {  	_ =	shalt  }
0x74: {  	_ =	shalt  }
0x75: {  	_ =	shalt  }
0x76: {  	_ =	shalt  }
0x77: {  	_ =	shalt  }
0x78: {  	_ =	shalt  }
0x79: {  	_ =	shalt  }
0x7a: {  	_ =	shalt  }
0x7b: {  	_ =	shalt  }
0x7c: {  	_ =	shalt  }
0x7d: {  	_ =	shalt  }
0x7e: {  	_ =	shalt  }
0x7f: {  	_ =	shalt  }
0x80: {  	_ =	shalt  }
0x81: {  	_ =	shalt  }
0x82: {  	_ =	shalt  }
0x83: {  	_ =	shalt  }
0x84: {  	_ =	shalt  }
0x85: {  	_ =	shalt  }
0x86: {  	_ =	shalt  }
0x87: {  	_ =	shalt  }
.Lfunc_end0:
.L_simem_size_0:
called_computation_lowered:
.L_overlay_start_0:
0x88: {  	s2 =	sld [smem:$0x3FD9]  }
0x89: {  	s3 =	sld [smem:$0x3FFE];
	_ =	sdelay $0x1  }
0x8a: {  	s1 =	srdreg.scid  }
0x8b: {  	s0 =	sand.u32 $0x1, s1  }
0x8c: {  	s14 =	sshll.u32 s0, $0xA;
	s2 =	sadd.s32 s3, s2  }
0x8d: {  	s2 =	sadd.s32 s2, s14  }
0x8e: {  	[smem:$0x3FBF] =	sst s2  }
0x8f: {  	_ = 	snop  }
0x90: {  	s2 =	sld [smem:$0x3FD0];
	_ =	sdelay $0x2  }
0x91: {  	s15 =	simm.s32 $0xA;
	s4 =	simm.s32 $0x10  }
0x92: {  	[smem:s4], [sflag:s15] =	dma.local [hbm:s2], $0x1  }
0x93: {  	_ =	swait.eq [sflag:s15], $0x1  }
0x94: {  	[sflag:s15] =	ssyncset.done $0x0  }
0x95: {  	[sflag:s15] =	ssyncadd.s32 $0xFFFFFFFF  }
0x96: {  	s16 =	sld [smem:$0x10];
	(tm) =	ssettm $0x1  }
0x97: {  	s17 =	sld [smem:$0x3FFB];
	_ =	sdelay $0x3  }
0x98: {  	_ =	strace s17  }
0x99: {  	s3 =	sld [smem:$0x3FFC];
	_ =	sdelay $0x3  }
0x9a: {  	_ =	strace s3  }
0x9b: {  	s3 =	sld [smem:$0x3FFD];
	_ =	sdelay $0x3  }
0x9c: {  	_ =	strace s3  }
0x9d: {  	_ =	strace $0x8FFFFFFF  }
0x9e: {  	s18 =	sld [smem:$0x3FDB];
	_ =	sdelay $0x1  }
0x9f: {  	s19 =	simm.s32 $_scs_section_size  }
0xa0: {  	s5 =	simm.s32 $_size__tile_overlayer_lowered;
	s6 =	simm.s32 $_tile_overlayer_lowered  }
0xa1: {  	s22 =	simm.s32 $0x1BFF;
	s21 =	sshll.u32 s6, $0x1;
	s3 =	sadd.s32 s19, s18  }
0xa2: {  	s7 =	simm.s32 $0x0;
	s20 =	sshll.u32 s5, $0x1;
	s5 =	sadd.s32 s21, s3  }
0xa3: {  	[timem:s7], [sflag:s22] =	dma.local [hbm:s5], s20  }
0xa4: {  	_ =	swait.ge [sflag:s22], s20  }
0xa5: {  	s4 =	ssub.s32 $0x0, s20;
	[sflag:s22] =	ssyncset.done $0x0  }
0xa6: {  	[sflag:s22] =	ssyncadd.s32 s4;
	_ =	sdelay $0x1  }
0xa7: {  	s23 =	simm.s32 $0x1B8B  }
0xa8: {  	_ =	swait.ge [sflag:s23], $0x1  }
0xa9: {  	[sflag:s23] =	ssyncset.done $0x0  }
0xaa: {  	s25 =	simm.s32 $0x1B8E;
	s24 =	sld [smem:$0x3FFE];
	[sflag:s23] =	ssyncadd.s32 $0xFFFFFFFF  }
0xab: {  	s26 =	simm.s32 $execute0_lowered;
	[smem:$0x3FD2] =	sst s25  }
0xac: {  	s5 =	sshll.u32 s26, $0x1;
	_ =	strace $0x80000046;
	[dreg:$0x1] =	wrdreg $0xFFFFFFFF  }
0xad: {  	s28 =	simm.s32 $_size_execute0_lowered;
	s3 =	sadd.s32 s3, s5;
	[dreg:$0x0] =	wrdreg $0x0  }
0xae: {  	s5 =	sshll.u32 s28, $0x1;
	[dreg:$0x2] =	wrdreg s3  }
0xaf: {  	[dreg:$0x3] =	wrdreg s5  }
0xb0: {  	[dreg:$0x4] =	wrdreg $0xC0  }
0xb1: {  	_ =	task [dreg:s7], $0x5FFFF  }
0xb2: {  	[dreg:$0x1] =	wrdreg $0xFFFFFFFF  }
0xb3: {  	[dreg:$0x0] =	wrdreg $0x60  }
0xb4: {  	[dreg:$0x2] =	wrdreg s24  }
0xb5: {  	[dreg:$0x3] =	wrdreg s16  }
0xb6: {  	[dreg:$0x4] =	wrdreg $0x9  }
0xb7: {  	_ =	task.clear_ibuf [dreg:s7], $0x5FFFF;
	_ =	strace $0x90000046  }
0xb8: {  	s29 =	simm.s32 $0x9;
	_ =	strace $0x80000048  }
0xb9: {  	_ =	swait.ge [sflag:s29], $0x1  }
0xba: {  	[sflag:s29] =	ssyncadd.s32 $0xFFFFFFFF  }
0xbb: {  	_ =	strace $0x90000048  }
0xbc: {  	_ =	sfence  }
0xbd: {  	s30 =	sld [smem:$0x0];
	_ =	sdelay $0x2  }
0xbe: {  	s31 =	sshll.u32 s1, $0xD;
	s1 =	sshrl.u32 s1, $0x2  }
0xbf: {  	s3 =	sand.u32 $0x4000, s31;
	s1 =	sadd.s32 s1, s30  }
0xc0: {  	s0 =	sor.u32 s3, s0;
	s1 =	sshll.u32 s1, $0x11  }
0xc1: {  	s0 =	sor.u32 s1, s0  }
0xc2: {  	s0 =	sadd.s32 $0x8F2B, s0  }
0xc3: {  	[sflag:s0] =	ssyncadd.remote.s32 $0x1  }
0xc4: {  	_ =	sfence.sel $0xFFFF  }
0xc5: {  	[dreg:$0x0] =	wrdreg $0xFFFFFFFF;
	(pc) =	sbr.abs _section_cstart, $3  }
0xc6: {  	[dreg:$0x1] =	wrdreg $0xFFFFFFFF  }
0xc7: {  	_ =	task.clear_ibuf [dreg:s7], $0x2FFFF;
	_ =	strace $0x9FFFFFFF  }
0xc8: {  	(tm) =	ssettm $0x7FFFFFFF  }
0xc9: {  	_ =	shalt  }
tec
execute0_lowered:
.L_overlay_start_1:
0x0: {  	(tag) =	ssettag $0x1  }
0x1: {  	s4 =	rddreg [dreg:$0x0];
	s2 =	simm.s32 $0x0;
	vm0 =	vmmov $0x3ff;
	v4 =	vimm.s32 $0x0  }
0x2: {  	[smem:$0x7FF] =	sst s2;
	v4 =	vsel vm0, $0xFFFFFFFF, v4  }
0x3: {  	s12 =	rddreg [dreg:$0x1];
	vm4 =	vmmov $0x7ff;
	_ =	strace $0x80000047;
	[tilespmem:$0x1FF30] =	vst v4;
	v4 =	vimm.s32 $0x0  }
0x4: {  	v4 =	vsel vm4, $0xFFFFFFFF, v4  }
0x5: {  	vm4 =	vmmov $0xfff;
	[tilespmem:$0x1FF40] =	vst v4;
	v4 =	vimm.s32 $0x0  }
0x6: {  	v3 =	vimm.s32 $0x3020100;
	v4 =	vsel vm4, $0xFFFFFFFF, v4  }
0x7: {  	vm1 =	vmmov $0x1fff;
	v3 =	vunpack.c.0.s8.s32 v3;
	[tilespmem:$0x1FF50] =	vst v4;
	v4 =	vimm.s32 $0x0  }
0x8: {  	vm4 =	vcmask $0xF00;
	v4 =	vsel vm1, $0xFFFFFFFF, v4  }
0x9: {  	s1 =	srdreg.scid;
	v3 =	vnsel vm4, $0x3, v3;
	vm4 =	vmmov $0x3fff;
	[tilespmem:$0x1FF60] =	vst v4;
	v4 =	vimm.s32 $0x0  }
0xa: {  	s0 =	stileid.u32;
	s15 =	simm.s32 $0x1;
	s16 =	simm.s32 $0x2A00;
	v8 =	vimm.s32 $0x0;
	v4 =	vsel vm4, $0xFFFFFFFF, v4;
	vm4 =	vmmov $0x7fff  }
0xb: {  	s17 =	simm.s32 $0x3200;
	s3 =	sand.u32 $0x1, s1;
	s29 =	sshll.u32 s0, $0x1;
	v8 =	vsel vm4, $0xFFFFFFFF, v8  }
0xc: {  	vm9 =	vmxor vm9, vm9;
	vm12 =	vmmov $0x1;
	s18 =	simm.s32 $0x5200;
	s19 =	simm.s32 $0x0;
	s1 =	sor.u32 s3, s29;
	[tilespmem:$0x1FF80] =	vst v8;
	v8 =	vimm.s32 $0x0  }
0xd: {  	p0 =	slt.u32 s0, $0x8;
	vm11 =	vmmov vm9;
	s3 =	ssub.s32 $0x2, s3;
	s5 =	smin.u32 s1, $0xF;
	v8 =	vsel vm12, $0xFFFFFFFF, v8  }
0xe: {  	vm15 =	vmmov $0xf;
	vm11 =	vmneg @p0 vm11;
	p0 =	sgt.u32 s0, $0x7;
	s31 =	sshrl.u32 s3, $0x1;
	s6 =	sshrl.u32 s5, $0x3;
	[tilespmem:$0x1FF90] =	vst v8;
	v8 =	vimm.s32 $0x0  }
0xf: {  	s5 =	sshll.u32 s5, $0x7;
	s14 =	ssub.s32 s3, s31;
	s7 =	smul.u32 $0x15000, s6;
	v8 =	vsel vm15, $0xFFFFFFFF, v8  }
0x10: {  	vm5 =	vmmov $0x1f;
	s5 =	sand.u32 $0x380, s5;
	s8 =	sshll.u32 s6, $0xE;
	s9 =	sshll.u32 s6, $0x10;
	[tilespmem:$0x1FFA0] =	vst v8;
	v8 =	vimm.s32 $0x0  }
0x11: {  	s10 =	smul.u32 $0x3F800, s6;
	s6 =	sshll.u32 s6, $0xA;
	s8 =	sor.u32 s5, s8;
	v8 =	vsel vm5, $0xFFFFFFFF, v8  }
0x12: {  	vm6 =	vmmov $0x3f;
	s9 =	sor.u32 s5, s9;
	s7 =	sor.u32 s5, s7;
	s8 =	sshrl.u32 s8, $0x3;
	[tilespmem:$0x1FFB0] =	vst v8;
	v8 =	vimm.s32 $0x0  }
0x13: {  	s9 =	sshrl.u32 s9, $0x3;
	s10 =	sor.u32 s5, s10;
	s5 =	sor.u32 s5, s6;
	v8 =	vsel vm6, $0xFFFFFFFF, v8  }
0x14: {  	vm7 =	vmmov $0x7f;
	s7 =	sshrl.u32 s7, $0x3;
	s8 =	sadd.s32 s8, s4;
	s9 =	sadd.s32 s9, s4;
	[tilespmem:$0x1FFC0] =	vst v8;
	v8 =	vimm.s32 $0x0  }
0x15: {  	v0 =	vlaneseq.u32;
	s30 =	sshrl.u32 s10, $0x3;
	s13 =	sshrl.u32 s5, $0x3;
	s7 =	sadd.s32 s7, s4;
	v8 =	vsel vm7, $0xFFFFFFFF, v8  }
.Ltmp0:
0x16: {  	v1 =	vimm.f32 $0.0e+00;
	vm8 =	vmmov $0xff;
	s6 =	sadd.s32 s30, s4;
	s11 =	sadd.s32 s13, s4;
	[tilespmem:$0x1FFD0] =	vst v8;
	v8 =	vimm.s32 $0x0;
	(pc) =	sbr.rel .LBB2_1-.Ltmp0, $4  }
0x17: {  	vm10 =	vmmov $0x1ff;
	v5 =	vor.u32 $0x80000010, v0;
	s4 =	sadd.s32 $0x1B600, s8;
	s5 =	sadd.s32 $0x17600, s9;
	s12 =	sadd.s32 s12, s13;
	v8 =	vsel vm8, $0xFFFFFFFF, v8  }
0x18: {  	v2 =	vmul.u32 $0xFFFFFFFF, v0;
	v6 =	vor.u32 $0x80000020, v0;
	s13 =	smax.u32 s14, $0x1;
	s14 =	simm.s32 $0x400;
	s3 =	sadd.s32 $0x2400, s7;
	[tilespmem:$0x1FFE0] =	vst v8;
	v8 =	vimm.s32 $0x0  }
0x19: {  	vm13 =	vmmov $0x3;
	vm14 =	vmmov $0x7;
	s6 =	sadd.s32 $0x7800, s6;
	s7 =	sadd.s32 $0x1C800, s11;
	s8 =	sadd.s32 $0x1CA00, s11;
	[tilespmem:$0x1FF70] =	vst v4;
	v8 =	vsel vm10, $0xFFFFFFFF, v8  }
0x1a: {  	v7 =	vimm.s32 $0x0;
	v2 =	vadd.s32 $0x2997, v2;
	s9 =	sadd.s32 $0x1CC00, s11;
	s10 =	sadd.s32 $0x1CE00, s11;
	s11 =	sadd.s32 $0x1C600, s11;
	v4 =	vor.u32 $0x80000000, v0;
	[tilespmem:$0x1FFF0] =	vst v8  }
.LBB2_5:
0x1b: {  	s22 =	scvt.s32.f32 s20  }
.LBB2_6:
0x1c: {  	_ = 	snop  }
0x1d: {  	vm0 =	vcmask $0x300;
	v8 =	vmov s22  }
0x1e: {  	v8 =	vnsel vm0, $0x0, v8  }
0x1f: {  	s0 =	simm.s32 @!p0 $0x0;
	s1 =	simm.s32 @!p0 $0xD680;
	[tilespmem:$0xD900] =	vst v8  }
0x20: {  	[hbm4b:s7+s0] =	stream.linear.scatter @!p0 [tilespmem:s1], [sflag:$0x1], $0x80, $0x38;
	[tilespmem:$0xD980] =	vst v63  }
0x21: {  	s1 =	simm.s32 @!p0 $0x1  }
0x22: {  	_ =	swait.ge @!p0 [sflag:s1], $0x80  }
0x23: {  	[sflag:s1] =	ssyncset.done @!p0 $0x0  }
0x24: {  	s20 =	simm.s32 @!p0 $0xD700;
	[sflag:s1] =	ssyncadd.s32 @!p0 $0xFFFFFF80  }
0x25: {  	[hbm4b:s8+s0] =	stream.linear.scatter @!p0 [tilespmem:s20], [sflag:$0x1], $0x80, $0x38;
	[tilespmem:$0xD980] =	vst v63  }
0x26: {  	_ =	swait.ge @!p0 [sflag:s1], $0x80  }
0x27: {  	[sflag:s1] =	ssyncset.done @!p0 $0x0  }
0x28: {  	s20 =	simm.s32 @!p0 $0xD780;
	[sflag:s1] =	ssyncadd.s32 @!p0 $0xFFFFFF80  }
0x29: {  	[hbm4b:s9+s0] =	stream.linear.scatter @!p0 [tilespmem:s20], [sflag:$0x1], $0x80, $0x38;
	[tilespmem:$0xD980] =	vst v63  }
0x2a: {  	_ =	swait.ge @!p0 [sflag:s1], $0x80  }
0x2b: {  	[sflag:s1] =	ssyncset.done @!p0 $0x0  }
0x2c: {  	s20 =	simm.s32 @!p0 $0xD800;
	[sflag:s1] =	ssyncadd.s32 @!p0 $0xFFFFFF80  }
0x2d: {  	[hbm4b:s10+s0] =	stream.linear.scatter @!p0 [tilespmem:s20], [sflag:$0x1], $0x80, $0x38;
	[tilespmem:$0xD980] =	vst v63  }
0x2e: {  	_ =	swait.ge @!p0 [sflag:s1], $0x80  }
0x2f: {  	[sflag:s1] =	ssyncset.done @!p0 $0x0  }
0x30: {  	s20 =	simm.s32 @!p0 $0xD880;
	[sflag:s1] =	ssyncadd.s32 @!p0 $0xFFFFFF80  }
0x31: {  	[hbm4b:s12+s0] =	stream.linear.scatter @!p0 [tilespmem:s20], [sflag:$0x1], $0x80, $0x38;
	[tilespmem:$0xD980] =	vst v63  }
0x32: {  	s19 =	sadd.s32 $0x1, s19;
	_ =	swait.ge @!p0 [sflag:s1], $0x80  }
0x33: {  	p1 =	sne.s32 s19, s13;
	[sflag:s1] =	ssyncset.done @!p0 $0x0  }
.Ltmp1:
0x34: {  	s20 =	simm.s32 @!p0 $0xD900;
	[sflag:s1] =	ssyncadd.s32 @!p0 $0xFFFFFF80;
	(pc) =	sbr.rel @!p1 .LBB2_7-.Ltmp1, $4  }
0x35: {  	[hbm4b:s11+s0] =	stream.linear.scatter @!p0 [tilespmem:s20], [sflag:$0x1], $0x80, $0x38;
	[tilespmem:$0xD980] =	vst v63  }
0x36: {  	_ =	swait.ge @!p0 [sflag:s1], $0x80  }
0x37: {  	[sflag:s1] =	ssyncset.done @!p0 $0x0  }
0x38: {  	[sflag:s1] =	ssyncadd.s32 @!p0 $0xFFFFFF80  }
.LBB2_1:
0x39: {  	s20 =	simm.s32 $0x80  }
0x3a: {  	[tilespmem:s2], [sflag:$0x1] =	stream.strided.gather [hbm4b:s3+s20], $0x2A00, s14, s20, $0x38;
	[tilespmem:$0xD980] =	vst v63  }
0x3b: {  	_ =	swait.ge [sflag:s15], $0x2A00  }
0x3c: {  	[sflag:s15] =	ssyncset.done $0x0  }
0x3d: {  	[sflag:s15] =	ssyncadd.s32 $0xFFFFD600  }
0x3e: {  	[tilespmem:s16], [sflag:$0x1] =	stream.strided.gather [hbm4b:s4+s20], $0x800, s14, s20, $0x38;
	[tilespmem:$0xD980] =	vst v63  }
0x3f: {  	_ =	swait.ge [sflag:s15], $0x800  }
0x40: {  	[sflag:s15] =	ssyncset.done $0x0  }
0x41: {  	[sflag:s15] =	ssyncadd.s32 $0xFFFFF800  }
0x42: {  	[tilespmem:s17], [sflag:$0x1] =	stream.strided.gather [hbm4b:s5+s20], $0x2000, s14, s20, $0x38;
	[tilespmem:$0xD980] =	vst v63  }
0x43: {  	_ =	swait.ge [sflag:s15], $0x2000  }
0x44: {  	[sflag:s15] =	ssyncset.done $0x0  }
0x45: {  	[sflag:s15] =	ssyncadd.s32 $0xFFFFE000  }
0x46: {  	[tilespmem:s18], [sflag:$0x1] =	stream.strided.gather [hbm4b:s6+s20], $0x7F00, s14, s20, $0x38;
	[tilespmem:$0xD980] =	vst v63  }
0x47: {  	_ =	swait.ge [sflag:s15], $0x7F00  }
0x48: {  	[sflag:s15] =	ssyncset.done $0x0  }
0x49: {  	[sflag:s15] =	ssyncadd.s32 $0xFFFF8100  }
0x4a: {  	[tilespmem:$0xD680] =	vst v1  }
0x4b: {  	[tilespmem:$0xD700] =	vst v1  }
0x4c: {  	[tilespmem:$0xD780] =	vst v1  }
0x4d: {  	[tilespmem:$0xD800] =	vst v1  }
0x4e: {  	[tilespmem:$0xD880] =	vst v1  }
0x4f: {  	[tilespmem:$0xD690] =	vst v1  }
0x50: {  	[tilespmem:$0xD710] =	vst v1  }
0x51: {  	[tilespmem:$0xD790] =	vst v1  }
0x52: {  	[tilespmem:$0xD810] =	vst v1  }
0x53: {  	[tilespmem:$0xD890] =	vst v1  }
0x54: {  	[tilespmem:$0xD6A0] =	vst v1  }
0x55: {  	[tilespmem:$0xD720] =	vst v1  }
0x56: {  	[tilespmem:$0xD7A0] =	vst v1  }
0x57: {  	[tilespmem:$0xD820] =	vst v1  }
0x58: {  	[tilespmem:$0xD8A0] =	vst v1  }
0x59: {  	[tilespmem:$0xD6B0] =	vst v1  }
0x5a: {  	[tilespmem:$0xD730] =	vst v1  }
0x5b: {  	[tilespmem:$0xD7B0] =	vst v1  }
0x5c: {  	[tilespmem:$0xD830] =	vst v1  }
0x5d: {  	[tilespmem:$0xD8B0] =	vst v1  }
0x5e: {  	[tilespmem:$0xD6C0] =	vst v1  }
0x5f: {  	[tilespmem:$0xD740] =	vst v1  }
0x60: {  	[tilespmem:$0xD7C0] =	vst v1  }
0x61: {  	[tilespmem:$0xD840] =	vst v1  }
0x62: {  	[tilespmem:$0xD8C0] =	vst v1  }
0x63: {  	[tilespmem:$0xD6D0] =	vst v1  }
0x64: {  	[tilespmem:$0xD750] =	vst v1  }
0x65: {  	[tilespmem:$0xD7D0] =	vst v1  }
0x66: {  	[tilespmem:$0xD850] =	vst v1  }
0x67: {  	[tilespmem:$0xD8D0] =	vst v1  }
0x68: {  	[tilespmem:$0xD6E0] =	vst v1  }
0x69: {  	[tilespmem:$0xD760] =	vst v1  }
0x6a: {  	[tilespmem:$0xD7E0] =	vst v1  }
0x6b: {  	[tilespmem:$0xD860] =	vst v1  }
0x6c: {  	[tilespmem:$0xD8E0] =	vst v1  }
0x6d: {  	[tilespmem:$0xD6F0] =	vst v1  }
0x6e: {  	[tilespmem:$0xD770] =	vst v1  }
0x6f: {  	[tilespmem:$0xD7F0] =	vst v1  }
0x70: {  	[tilespmem:$0xD870] =	vst v1  }
0x71: {  	[tilespmem:$0xD8F0] =	vst v1  }
0x72: {  	[tilespmem:$0xD400] =	vst v1  }
0x73: {  	[tilespmem:$0xD480] =	vst v1  }
0x74: {  	[tilespmem:$0xD500] =	vst v1  }
0x75: {  	[tilespmem:$0xD580] =	vst v1  }
0x76: {  	[tilespmem:$0xD600] =	vst v1  }
0x77: {  	[tilespmem:$0xD410] =	vst v1  }
0x78: {  	[tilespmem:$0xD490] =	vst v1  }
0x79: {  	[tilespmem:$0xD510] =	vst v1  }
0x7a: {  	[tilespmem:$0xD590] =	vst v1  }
0x7b: {  	[tilespmem:$0xD610] =	vst v1  }
0x7c: {  	[tilespmem:$0xD420] =	vst v1  }
0x7d: {  	[tilespmem:$0xD4A0] =	vst v1  }
0x7e: {  	[tilespmem:$0xD520] =	vst v1  }
0x7f: {  	[tilespmem:$0xD5A0] =	vst v1  }
0x80: {  	[tilespmem:$0xD620] =	vst v1  }
0x81: {  	[tilespmem:$0xD430] =	vst v1  }
0x82: {  	[tilespmem:$0xD4B0] =	vst v1  }
0x83: {  	[tilespmem:$0xD530] =	vst v1  }
0x84: {  	[tilespmem:$0xD5B0] =	vst v1  }
0x85: {  	[tilespmem:$0xD630] =	vst v1  }
0x86: {  	[tilespmem:$0xD440] =	vst v1  }
0x87: {  	[tilespmem:$0xD4C0] =	vst v1  }
0x88: {  	[tilespmem:$0xD540] =	vst v1  }
0x89: {  	[tilespmem:$0xD5C0] =	vst v1  }
0x8a: {  	[tilespmem:$0xD640] =	vst v1  }
0x8b: {  	[tilespmem:$0xD450] =	vst v1  }
0x8c: {  	[tilespmem:$0xD4D0] =	vst v1  }
0x8d: {  	[tilespmem:$0xD550] =	vst v1  }
0x8e: {  	[tilespmem:$0xD5D0] =	vst v1  }
0x8f: {  	[tilespmem:$0xD650] =	vst v1  }
0x90: {  	[tilespmem:$0xD460] =	vst v1  }
0x91: {  	[tilespmem:$0xD4E0] =	vst v1  }
0x92: {  	[tilespmem:$0xD560] =	vst v1  }
0x93: {  	[tilespmem:$0xD5E0] =	vst v1  }
0x94: {  	[tilespmem:$0xD660] =	vst v1  }
0x95: {  	s21 =	simm.s32 $0x10;
	s22 =	simm.s32 $0x50;
	v9 =	vld [tilespmem:s20+$0x10]  }
0x96: {  	s29 =	simm.s32 $0x30;
	s30 =	simm.s32 $0x0;
	s25 =	simm.s32 $0x20;
	v8 =	vmov s21;
	v10 =	vmov s22;
	v13 =	vld [tilespmem:s20+$0xFFFFFFD0]  }
0x97: {  	s31 =	simm.s32 $0x90;
	v11 =	vmov s29;
	v15 =	vmov s30;
	v16 =	vmov s25;
	v17 =	vld [tilespmem:s20+$0xFFFFFFE0]  }
0x98: {  	s23 =	simm.s32 $0x40;
	s24 =	simm.s32 $0x60;
	vm1 =	vlt.u32 v15, v2;
	vm3 =	vlt.u32 v16, v2;
	v15 =	vmov s31;
	v16 =	vld [tilespmem:s20+$0xFFFFFFB0]  }
0x99: {  	s0 =	simm.s32 $0x80;
	v12 =	vmov s23;
	v14 =	vmov s24;
	vm0 =	vlt.u32 v15, v2;
	v15 =	vld [tilespmem:s20+$0xFFFFFF80]  }
0x9a: {  	s23 =	simm.s32 $0xC0;
	vm2 =	vlt.u32 v14, v2;
	v14 =	vmov s0;
	vm5 =	vlt.u32 v8, v2;
	v8 =	vld [tilespmem:s20+$0xFFFFFF90]  }
0x9b: {  	vm8 =	vlt.u32 v10, v2;
	vm10 =	vlt.u32 v11, v2;
	v21 =	vmov s23  }
0x9c: {  	vm7 =	vlt.u32 v14, v2;
	v10 =	vld [tilespmem:s20+$0xFFFFFFC0];
	vm4 =	vgt.f32 v9, $3.000000120e-01;
	vm6 =	vgt.f32 v13, $3.000000120e-01  }
0x9d: {  	s1 =	simm.s32 $0x70;
	vm4 =	vmand vm0, vm4;
	vm0 =	vmand vm8, vm6;
	vm8 =	vgt.f32 v17, $3.000000120e-01  }
0x9e: {  	v14 =	vmov s1;
	vm6 =	vgt.f32 v15, $3.000000120e-01;
	vm2 =	vmand vm2, vm8  }
0x9f: {  	v11 =	vld [tilespmem:s20+$0x0];
	vm8 =	vgt.f32 v16, $3.000000120e-01;
	vm6 =	vmand vm1, vm6;
	vm1 =	vgt.f32 v8, $3.000000120e-01  }
0xa0: {  	v18 =	vld [tilespmem:s20+$0xFFFFFFA0];
	vm4 =	vmand vm11, vm4;
	vm0 =	vmand vm11, vm0;
	vm2 =	vmand vm11, vm2  }
0xa1: {  	v20 =	vld [tilespmem:s20+$0x40];
	vm8 =	vmand vm10, vm8;
	vm1 =	vmand vm5, vm1;
	vm5 =	vgt.f32 v10, $3.000000120e-01  }
0xa2: {  	v19 =	vld [tilespmem:s20+$0xFFFFFFF0];
	v9 =	vnsel vm4, $0xF149F2CA, v9;
	v13 =	vnsel vm0, $0xF149F2CA, v13;
	v17 =	vnsel vm2, $0xF149F2CA, v17  }
0xa3: {  	vm2 =	vlt.u32 v12, v2;
	vm8 =	vmand vm11, vm8;
	vm1 =	vmand vm11, vm1  }
0xa4: {  	s24 =	simm.s32 $0xE0;
	v12 =	vnsel vm8, $0xF149F2CA, v16;
	vm8 =	vgt.f32 v11, $3.000000120e-01;
	vm2 =	vmand vm2, vm5  }
0xa5: {  	vm5 =	vgt.f32 v18, $3.000000120e-01;
	(xrf0) =	vmax.scan.msk.f32 $0xffff, v17;
	[tilespmem:s20+$0xFFFFFFE0] =	vst v17;
	v17 =	vmov s24  }
0xa6: {  	v16 =	vld [tilespmem:s20+$0x20];
	v23 =	vnsel vm1, $0xF149F2CA, v8;
	vm1 =	vgt.f32 v20, $3.000000120e-01;
	vm7 =	vmand vm7, vm8  }
0xa7: {  	vm8 =	vlt.u32 v14, v2;
	vm3 =	vmand vm3, vm5;
	vm5 =	vgt.f32 v19, $3.000000120e-01  }
0xa8: {  	s22 =	simm.s32 $0xA0;
	vm5 =	vmand vm8, vm5;
	vm8 =	vmand vm11, vm6;
	vm7 =	vmand vm11, vm7  }
0xa9: {  	(xrf0) =	vmax.scan.msk.f32 $0xffff, v12;
	vm3 =	vmand vm11, vm3;
	v14 =	vnsel vm7, $0xF149F2CA, v11;
	v11 =	vmov s22  }
0xaa: {  	v49 =	vld [tilespmem:s20+$0x30];
	v15 =	vnsel vm8, $0xF149F2CA, v15;
	v18 =	vnsel vm3, $0xF149F2CA, v18;
	vm3 =	vmand vm11, vm5;
	(xrf0) =	vmax.scan.msk.f32 $0xffff, v14  }
0xab: {  	s25 =	simm.s32 $0xB0;
	v50 =	vld [tilespmem:s20+$0x50];
	vm8 =	vlt.u32 v11, v2;
	v11 =	vnsel vm3, $0xF149F2CA, v19;
	vm7 =	vgt.f32 v16, $3.000000120e-01;
	(xrf0) =	vmax.scan.msk.f32 $0xffff, v15  }
0xac: {  	s26 =	simm.s32 $0xD0;
	v22 =	vld [tilespmem:s20+$0x60];
	[tilespmem:s20+$0x0] =	vst v14;
	v14 =	vmov s25;
	vm7 =	vmand vm8, vm7;
	(xrf0) =	vmax.scan.msk.f32 $0xffff, v11  }
0xad: {  	v8 =	vmov s26;
	vm2 =	vmand vm11, vm2;
	vm5 =	vmand vm11, vm7;
	(xrf0) =	vmax.scan.msk.f32 $0xffff, v18  }
0xae: {  	vm0 =	vlt.u32 v8, v2;
	v16 =	vnsel vm5, $0xF149F2CA, v16;
	vm5 =	vlt.u32 v17, v2;
	v17, _, _ =	vpop (xrf0);
	(xrf0) =	vmax.scan.msk.f32 $0xffff, v23  }
0xaf: {  	[tilespmem:s20+$0xFFFFFFB0] =	vst v12;
	v12 =	vld [tilespmem:s20+$0x70];
	v10 =	vnsel vm2, $0xF149F2CA, v10;
	vm2 =	vgt.f32 v49, $3.000000120e-01;
	vm4 =	vlt.u32 v14, v2;
	v14, _, _ =	vpop (xrf0)  }
0xb0: {  	vm3 =	vlt.u32 v21, v2;
	vm2 =	vmand vm4, vm2;
	vm4 =	vgt.f32 v50, $3.000000120e-01;
	(xrf0) =	vmax.scan.msk.f32 $0xffff, v9;
	v24, _, _ =	vpop (xrf0)  }
0xb1: {  	s28 =	simm.s32 $0xF0;
	vm3 =	vmand vm3, vm1;
	vm1 =	vgt.f32 v22, $3.000000120e-01;
	vm0 =	vmand vm0, vm4;
	(xrf0) =	vmax.scan.msk.f32 $0xffff, v10;
	v25, _, _ =	vpop (xrf0)  }
0xb2: {  	v27 =	vmov s28;
	vm0 =	vmand vm11, vm0;
	vm1 =	vmand vm5, vm1;
	(xrf0) =	vmax.scan.msk.f32 $0xffff, v13;
	v26, _, _ =	vpop (xrf0)  }
0xb3: {  	vm2 =	vmand vm11, vm2;
	v21 =	vnsel vm0, $0xF149F2CA, v50;
	vm1 =	vmand vm11, vm1;
	v28, _, _ =	vpop (xrf0)  }
0xb4: {  	vm0 =	vlt.u32 v27, v2;
	v22 =	vnsel vm1, $0xF149F2CA, v22;
	vm1 =	vgt.f32 v12, $3.000000120e-01;
	v51, _, _ =	vpop (xrf0)  }
0xb5: {  	v56 =	vld [tilespmem:$0x1FFB0];
	[tilespmem:s20+$0xFFFFFF80] =	vst v15;
	v15 =	vbroadcast v25, $0xF;
	vm0 =	vmand vm0, vm1;
	v52 =	vbroadcast v51, $0xF  }
0xb6: {  	v60 =	vld [tilespmem:$0x1FFC0];
	v19 =	vnsel vm2, $0xF149F2CA, v49;
	vm0 =	vmand vm11, vm0;
	v28 =	vbroadcast v28, $0xF;
	v53, _, _ =	vpop (xrf0)  }
0xb7: {  	v14 =	vbroadcast v14, $0xF;
	(xrf0) =	vmax.scan.msk.f32 $0xffff, v16;
	v61 =	vnsel vm0, $0xF149F2CA, v12;
	v12 =	vld [tilespmem:$0x1FFD0];
	v54, _, _ =	vpop (xrf0);
	v15 =	vsel vm12, v15, v52  }
0xb8: {  	v63 =	vld [tilespmem:$0x1FFE0];
	(xrf0) =	vmax.scan.msk.f32 $0xffff, v19;
	v25 =	vbroadcast v54, $0xF;
	v55, _, _ =	vpop (xrf0);
	v15 =	vsel vm13, v15, v28  }
0xb9: {  	[tilespmem:s20+$0xFFFFFFD0] =	vst v13;
	v13 =	vld [tilespmem:$0x1FFF0];
	v28 =	vbroadcast v55, $0xF;
	v14 =	vsel vm14, v15, v14  }
0xba: {  	[tilespmem:s20+$0xFFFFFFC0] =	vst v10;
	v10 =	vld [tilespmem:$0x1FF30];
	vm1 =	vnez.u8 v56;
	v15 =	vbroadcast v17, $0xF;
	v14 =	vsel vm15, v14, v25  }
0xbb: {  	[tilespmem:s20+$0x10] =	vst v9;
	v9 =	vld [tilespmem:$0x1FF40];
	v57 =	vbroadcast v26, $0xF;
	v14 =	vsel vm1, v14, v28;
	vm1 =	vnez.u8 v60  }
0xbc: {  	vm0 =	vnez.u8 v12;
	v14 =	vsel vm1, v14, v15;
	v15 =	vbroadcast v24, $0xF  }
0xbd: {  	v17, _, _ =	vpop (xrf0);
	v12 =	vsel vm0, v14, v57;
	v14 =	vbroadcast v53, $0xF;
	vm0 =	vnez.u8 v63  }
0xbe: {  	v59, _, _ =	vpop (xrf0);
	vm1 =	vnez.u8 v13;
	v12 =	vsel vm0, v12, v15;
	v15 =	vbroadcast v17, $0xF  }
0xbf: {  	v13 =	vbroadcast v59, $0xF;
	v12 =	vsel vm1, v12, v14;
	vm1 =	vnez.u8 v10  }
0xc0: {  	vm2 =	vmand vm11, vm3;
	(xrf0) =	vmax.scan.msk.f32 $0xffff, v21;
	v10 =	vsel vm1, v12, v15;
	vm1 =	vnez.u8 v9  }
0xc1: {  	v20 =	vnsel vm2, $0xF149F2CA, v20;
	(xrf0) =	vmax.scan.msk.f32 $0xffff, v22;
	v9 =	vsel vm1, v10, v13;
	v13 =	vld [tilespmem:$0x1FF50]  }
0xc2: {  	(xrf0) =	vmax.scan.msk.f32 $0xffff, v20;
	_ =	sdelay $0x2  }
0xc3: {  	s29 =	simm.s32 $0xFFFFFFE0;
	[tilespmem:s20+$0xFFFFFF90] =	vst v23  }
0xc4: {  	s30 =	simm.s32 $0xFFFFFFF0;
	v58 =	vmov s29;
	s31 =	sand.u32 $0x30, s2;
	[tilespmem:s20+$0x20] =	vst v16;
	(xrf0) =	vmax.scan.msk.f32 $0xffff, v61;
	v16, _, _ =	vpop (xrf0);
	vm3 =	vnez.u8 v13;
	v13 =	vld [tilespmem:$0x1FF60]  }
0xc5: {  	p1 =	seq.s32 s31, $0x10;
	v8 =	vimm.f32 $-1.000000020e+30;
	[tilespmem:s20+$0xFFFFFFA0] =	vst v18;
	v62, _, _ =	vpop (xrf0);
	v17 =	vmov s30;
	vm1 =	vmmov vm9  }
0xc6: {  	[tilespmem:s20+$0x30] =	vst v19;
	vm0 =	veq.s32 v58, v0;
	vm2 =	veq.s32 v17, v0;
	v14, _, _ =	vpop (xrf0);
	vm1 =	vmneg @p1 vm1  }
0xc7: {  	[tilespmem:s20+$0x40] =	vst v20;
	v14 =	vbroadcast v14, $0xF;
	p1 =	por $0x0, $0x0;
	vm4 =	vmand vm1, vm2;
	vm2 =	vmmov vm9  }
0xc8: {  	[tilespmem:s20+$0x50] =	vst v21;
	v12 =	vbroadcast v62, $0xF;
	v10 =	vbroadcast v16, $0xF;
	vm2 =	vmneg @p1 vm2  }
0xc9: {  	s21 =	simm.s32 $0x1;
	s23 =	simm.s32 $0xD110;
	s26 =	simm.s32 $0x180;
	[tilespmem:s20+$0x60] =	vst v22;
	v9 =	vsel vm3, v9, v14;
	v14 =	vmov s2;
	vm3 =	vnez.u8 v13  }
0xca: {  	s24 =	simm.s32 $0x0;
	s22 =	simm.s32 $0xD100;
	s25 =	simm.s32 $0x1F0;
	[tilespmem:s20+$0x70] =	vst v61;
	v13, _, _ =	vpop (xrf0);
	v15 =	vsel vm3, v9, v10;
	v10 =	vimm.f32 $-1.000000020e+30;
	v9 =	vimm.f32 $-1.000000020e+30  }
.LBB2_2:
0xcb: {  	v16 =	vimm.s32 $0x0;
	v17 =	vld [tilespmem:$0x1FF70]  }
0xcc: {  	vm0 =	vmand vm2, vm0;
	v28 =	vimm.s32 $0x0;
	vm10 =	vmmov vm9  }
0xcd: {  	s30 =	sadd.s32 $0xFFFFFF70, s25;
	s1 =	sadd.s32 $0xFFFFFF50, s25;
	[tilespmem:s20+$0xFFFFFFF0] =	vst v11;
	v11 =	vld [tilespmem:$0x1FF80];
	s0 =	sadd.s32 $0xFFFFFF30, s25;
	vm8 =	vmmov vm14;
	v30 =	vimm.s32 $0x0;
	v16 =	vsel vm4, $0xFFFFFFFF, v16  }
0xce: {  	v19 =	vmov s1;
	v20 =	vmov s30;
	s30 =	sadd.s32 $0xFFFFFFD0, s25;
	v21 =	vmov s0  }
0xcf: {  	[tilespmem:$0x1FF20] =	vst v16;
	v16 =	vmov s25;
	v22 =	vmov s30;
	vm12 =	vlt.u32 v20, v2;
	s30 =	sadd.s32 $0xFFFFFF90, s25  }
0xd0: {  	vm5 =	vlt.u32 v19, v2;
	v23 =	vmov s30;
	vm1 =	vnez.u8 v17  }
0xd1: {  	s29 =	sadd.s32 $0xFFFFFF60, s25;
	vm2 =	vlt.u32 v23, v2;
	v12 =	vsel vm1, v15, v12;
	v15 =	vimm.s32 $0x0  }
0xd2: {  	v17 =	vmov s29;
	s29 =	sadd.s32 $0xFFFFFFF0, s25;
	v15 =	vsel vm0, $0xFFFFFFFF, v15;
	vm0 =	vnez.u8 v11  }
0xd3: {  	v25 =	vmov s29;
	vm6 =	vlt.u32 v17, v2;
	v11 =	vsel vm0, v12, v13  }
0xd4: {  	s28 =	sadd.s32 $0xFFFFFF20, s25;
	s20 =	sadd.s32 $0xFFFFFF10, s25;
	vm0 =	vlt.u32 v21, v2;
	[tilespmem:s22+$0x0] =	vst v11;
	(xrf0) =	vmax.scan.msk.f32 $0xffff, v11;
	v11 =	vimm.s32 $0x0  }
0xd5: {  	[tilespmem:$0x1FF10] =	vst v15;
	v15 =	vmov s28;
	s28 =	sadd.s32 $0xFFFFFF40, s25;
	v12 =	vmov s20;
	v11 =	vsel vm0, $0xFFFFFFFF, v11  }
0xd6: {  	v18 =	vmov s28;
	vm0 =	vlt.u32 v22, v2;
	v63 =	vld [tilespmem:s26+$0x10];
	[tilespmem:$0x1FEB0] =	vst v11;
	v11 =	vimm.s32 $0x0  }
0xd7: {  	s0 =	sadd.s32 $0xFFFFFFC0, s25;
	s1 =	sadd.s32 $0xFFFFFFA0, s25;
	vm15 =	vlt.u32 v12, v2;
	s28 =	sadd.s32 $0xFFFFFF80, s25;
	vm3 =	vlt.u32 v15, v2;
	v12 =	vld [tilespmem:s26+$0x60];
	v11 =	vsel vm0, $0xFFFFFFFF, v11  }
0xd8: {  	v15 =	vmov s0;
	v26 =	vld [tilespmem:s26+$0xFFFFFFE0];
	v27 =	vmov s28;
	[tilespmem:$0x1FEC0] =	vst v11;
	v11 =	vmov s1  }
0xd9: {  	v13 =	vld [tilespmem:s26+$0xFFFFFFD0];
	s28 =	sadd.s32 $0xFFFFFFE0, s25;
	vm0 =	vlt.u32 v16, v2;
	vm7 =	vlt.u32 v11, v2;
	v11 =	vimm.s32 $0x0  }
0xda: {  	vm1 =	vlt.u32 v18, v2;
	v43 =	vmov s28;
	v11 =	vsel vm0, $0xFFFFFFFF, v11  }
0xdb: {  	v16 =	vld [tilespmem:s26+$0xFFFFFFB0];
	vm0 =	veq.s32 v14, v0;
	v14 =	vimm.s32 $0x0;
	vm14 =	vgt.f32 v63, $3.000000120e-01  }
0xdc: {  	v29 =	vld [tilespmem:s26+$0xFFFFFF90];
	vm4 =	vgt.f32 v12, $3.000000120e-01;
	v14 =	vsel vm0, $0xFFFFFFFF, v14;
	vm0 =	vlt.u32 v25, v2  }
0xdd: {  	[tilespmem:$0x1FED0] =	vst v11;
	v11 =	vld [tilespmem:s26+$0xFFFFFF80];
	v23 =	vsel vm4, $0xFFFFFFFF, v30;
	vm4 =	vgt.f32 v26, $3.000000120e-01;
	vm14 =	vmand vm7, vm14  }
0xde: {  	v31 =	vld [tilespmem:s26+$0xFFFFFFC0];
	v21 =	vsel vm0, $0xFFFFFFFF, v28;
	vm0 =	vmmov vm9;
	vm9 =	vgt.f32 v13, $3.000000120e-01  }
0xdf: {  	v33 =	vld [tilespmem:s26+$0xFFFFFFA0];
	vm7 =	vlt.u32 v27, v2;
	vm4 =	vmand vm12, vm4;
	vm6 =	vmand vm6, vm9  }
0xe0: {  	v32 =	vld [tilespmem:s26+$0x0];
	s1 =	sadd.s32 $0xFFFFFFB0, s25;
	vm9 =	vgt.f32 v16, $3.000000120e-01;
	vm4 =	vmand vm11, vm4;
	vm12 =	vmand vm11, vm6  }
0xe1: {  	v24 =	vld [tilespmem:$0x1FEB0];
	vm1 =	vmand vm1, vm9;
	v22 =	vnsel vm4, $0xF149F2CA, v26;
	v26 =	vmov s1  }
0xe2: {  	[tilespmem:$0x1FF00] =	vst v14;
	v14 =	vld [tilespmem:s26+$0xFFFFFFF0];
	vm9 =	vmand vm11, vm1;
	v13 =	vnsel vm12, $0xF149F2CA, v13;
	vm6 =	vgt.f32 v11, $3.000000120e-01  }
0xe3: {  	v16 =	vnsel vm9, $0xF149F2CA, v16;
	vm4 =	vmand vm15, vm6;
	vm6 =	vgt.f32 v29, $3.000000120e-01  }
0xe4: {  	v34 =	vld [tilespmem:s26+$0x20];
	v17, _, _ =	vpop (xrf0);
	(xrf0) =	vmax.scan.msk.f32 $0xffff, v22;
	vm9 =	vgt.f32 v33, $3.000000120e-01;
	vm1 =	vmand vm11, vm4;
	vm3 =	vmand vm3, vm6  }
0xe5: {  	vm4 =	vgt.f32 v31, $3.000000120e-01;
	vm6 =	vgt.f32 v32, $3.000000120e-01;
	vm3 =	vmand vm11, vm3  }
0xe6: {  	v40 =	vld [tilespmem:s26+$0x30];
	[tilespmem:$0x1FEF0] =	vst v23;
	vm15 =	vmand vm5, vm4;
	vm2 =	vmand vm2, vm6;
	vm4 =	vnez.u8 v24  }
0xe7: {  	v42 =	vld [tilespmem:$0x1FEC0];
	(xrf0) =	vmax.scan.msk.f32 $0xffff, v16;
	vm5 =	vgt.f32 v14, $3.000000120e-01;
	vm6 =	vlt.u32 v26, v2;
	v11 =	vnsel vm1, $0xF149F2CA, v11  }
0xe8: {  	v25 =	vld [tilespmem:s26+$0x40];
	[tilespmem:$0x1FEE0] =	vst v21;
	vm4 =	vmand vm4, vm9;
	vm2 =	vmand vm11, vm2;
	vm5 =	vmand vm7, vm5  }
0xe9: {  	v27 =	vld [tilespmem:$0x1FED0];
	[tilespmem:s26+$0xFFFFFFB0] =	vst v16;
	v21 =	vnsel vm3, $0xF149F2CA, v29;
	v18 =	vnsel vm2, $0xF149F2CA, v32;
	vm2 =	vgt.f32 v34, $3.000000120e-01  }
0xea: {  	v16 =	vld [tilespmem:s26+$0x70];
	vm3 =	vmand vm11, vm14;
	vm4 =	vmand vm11, vm4;
	v37, _, _ =	vpop (xrf0);
	(xrf0) =	vmax.scan.msk.f32 $0xffff, v18;
	vm1 =	vmand vm6, vm2  }
0xeb: {  	v50 =	vld [tilespmem:$0x1FEE0];
	vm2 =	vlt.u32 v15, v2;
	v15 =	vnsel vm4, $0xF149F2CA, v33;
	vm4 =	vmand vm11, vm5;
	(xrf0) =	vmax.scan.msk.f32 $0xffff, v11  }
0xec: {  	[tilespmem:s26+$0xFFFFFF80] =	vst v11;
	vm14 =	vmmov vm8;
	v20 =	vnsel vm3, $0xF149F2CA, v63;
	v11 =	vnsel vm4, $0xF149F2CA, v14  }
0xed: {  	v39 =	vld [tilespmem:s26+$0x50];
	vm3 =	vgt.f32 v40, $3.000000120e-01;
	vm5 =	vnez.u8 v42;
	vm1 =	vmand vm11, vm1;
	v41, _, _ =	vpop (xrf0);
	(xrf0) =	vmax.scan.msk.f32 $0xffff, v11  }
0xee: {  	v51 =	vld [tilespmem:$0x1FEF0];
	vm4 =	vgt.f32 v25, $3.000000120e-01;
	vm2 =	vmand vm2, vm3;
	v14 =	vnsel vm1, $0xF149F2CA, v34;
	(xrf0) =	vmax.scan.msk.f32 $0xffff, v15  }
0xef: {  	vm1 =	vgt.f32 v16, $3.000000120e-01;
	vm4 =	vmand vm5, vm4;
	vm5 =	vnez.u8 v27  }
0xf0: {  	vm3 =	vnez.u8 v50;
	vm1 =	vmand vm5, vm1;
	vm5 =	vmand vm11, vm15;
	v45, _, _ =	vpop (xrf0);
	(xrf0) =	vmax.scan.msk.f32 $0xffff, v21  }
0xf1: {  	vm4 =	vmand vm11, vm4;
	vm8 =	vmand vm11, vm1;
	v46 =	vnsel vm5, $0xF149F2CA, v31;
	v48, _, _ =	vpop (xrf0);
	(xrf0) =	vmax.scan.msk.f32 $0xffff, v20  }
0xf2: {  	v25 =	vnsel vm4, $0xF149F2CA, v25;
	vm1 =	vlt.u32 v43, v2;
	vm4 =	vgt.f32 v39, $3.000000120e-01;
	(xrf0) =	vmax.scan.msk.f32 $0xffff, v46  }
0xf3: {  	v29 =	vld [tilespmem:$0x1FF00];
	vm2 =	vmand vm11, vm2;
	vm1 =	vmand vm1, vm4;
	vm4 =	vnez.u8 v51;
	v52, _, _ =	vpop (xrf0);
	(xrf0) =	vmax.scan.msk.f32 $0xffff, v13  }
0xf4: {  	v19 =	vnsel vm2, $0xF149F2CA, v40;
	vm1 =	vmand vm11, vm1;
	vm3 =	vmand vm3, vm4;
	v28, _, _ =	vpop (xrf0);
	(xrf0) =	vmax.scan.msk.f32 $0xffff, v14  }
0xf5: {  	v49 =	vld [tilespmem:$0x1FF90];
	[tilespmem:s26+$0x0] =	vst v18;
	v18 =	vnsel vm1, $0xF149F2CA, v39;
	vm1 =	vmand vm11, vm3;
	(xrf0) =	vmax.scan.msk.f32 $0xffff, v19  }
0xf6: {  	v30 =	vld [tilespmem:$0x1FF10];
	v12 =	vnsel vm1, $0xF149F2CA, v12;
	v53, _, _ =	vpop (xrf0);
	(xrf0) =	vmax.scan.msk.f32 $0xffff, v18  }
0xf7: {  	p2 =	slt.u32 s24, $0x10;
	[tilespmem:s26+$0x60] =	vst v12;
	v54, _, _ =	vpop (xrf0);
	(xrf0) =	vmax.scan.msk.f32 $0xffff, v12;
	v12 =	vld [tilespmem:$0x1FF20]  }
0xf8: {  	v17 =	vbroadcast v17, $0xF;
	vm0 =	vmneg @p2 vm0;
	vm2 =	vnez.u8 v29  }
0xf9: {  	v36 =	vld [tilespmem:$0x1FFD0];
	vm0 =	vmand vm0, vm2  }
0xfa: {  	v44 =	vld [tilespmem:$0x1FFA0];
	vm12 =	vnez.u8 v49;
	vm9 =	vmmov vm10;
	v8 =	vsel vm0, v17, v8  }
0xfb: {  	v47 =	vld [tilespmem:$0x1FFB0];
	vm0 =	vnez.u8 v30;
	v23 =	vbroadcast v48, $0xF;
	v29 =	vbroadcast v53, $0xF  }
0xfc: {  	v38 =	vld [tilespmem:$0x1FFC0];
	v10 =	vsel vm0, v17, v10;
	vm0 =	vnez.u8 v12;
	v12 =	vbroadcast v28, $0xF  }
0xfd: {  	v55, _, _ =	vpop (xrf0);
	v23 =	vsel vm12, v23, v29;
	v9 =	vsel vm0, v17, v9;
	v17 =	vbroadcast v41, $0xF  }
0xfe: {  	v58 =	vld [tilespmem:$0x1FFE0];
	vm7 =	vnez.u8 v36;
	[tilespmem:s26+$0x20] =	vst v14;
	v14, _, _ =	vpop (xrf0);
	v28 =	vbroadcast v55, $0xF;
	v12 =	vsel vm13, v23, v12  }
0xff: {  	v35 =	vld [tilespmem:$0x1FFF0];
	vm15 =	vnez.u8 v44;
	v14 =	vbroadcast v14, $0xF;
	v12 =	vsel vm14, v12, v17  }
0x100: {  	v62 =	vld [tilespmem:$0x1FF30];
	vm5 =	vnez.u8 v47;
	v17 =	vbroadcast v37, $0xF;
	v12 =	vsel vm15, v12, v28  }
0x101: {  	v63 =	vld [tilespmem:$0x1FF40];
	vm6 =	vnez.u8 v38;
	v12 =	vsel vm5, v12, v14;
	v14 =	vbroadcast v52, $0xF  }
0x102: {  	v16 =	vnsel vm8, $0xF149F2CA, v16;
	v12 =	vsel vm6, v12, v17;
	v17 =	vbroadcast v45, $0xF  }
0x103: {  	s31 =	smov.u32 s21;
	[tilespmem:s26+$0xFFFFFFD0] =	vst v13;
	vm8 =	vnez.u8 v58;
	v60 =	vbroadcast v54, $0xF;
	v56, _, _ =	vpop (xrf0);
	v12 =	vsel vm7, v12, v14  }
0x104: {  	s24 =	smov.u32 s31;
	vm10 =	vnez.u8 v35;
	v13, _, _ =	vpop (xrf0);
	(xrf0) =	vmax.scan.msk.f32 $0xffff, v25;
	v12 =	vsel vm8, v12, v17;
	v17 =	vbroadcast v56, $0xF  }
0x105: {  	s30 =	sadd.s32 $0xFFFFFFF0, s24;
	vm1 =	vnez.u8 v62;
	v61 =	vbroadcast v13, $0xF;
	v12 =	vsel vm10, v12, v60  }
0x106: {  	[tilespmem:s26+$0xFFFFFFA0] =	vst v15;
	v15 =	vmov s30;
	v17 =	vsel vm1, v12, v17;
	vm1 =	vnez.u8 v63  }
0x107: {  	[tilespmem:s26+$0x10] =	vst v20;
	v20 =	vsel vm1, v17, v61;
	vm1 =	veq.s32 v15, v0;
	v15 =	vld [tilespmem:$0x1FF50]  }
0x108: {  	v57, _, _ =	vpop (xrf0)  }
0x109: {  	[tilespmem:s26+$0x70] =	vst v16;
	v59, _, _ =	vpop (xrf0);
	(xrf0) =	vmax.scan.msk.f32 $0xffff, v16;
	v16 =	vld [tilespmem:$0x1FF60]  }
0x10a: {  	v14, _, _ =	vpop (xrf0)  }
0x10b: {  	p1 =	sne.s32 s21, $0x29;
	s29 =	sadd.s32 $0xFFFFFFE0, s24;
	[tilespmem:s26+$0xFFFFFFE0] =	vst v22;
	v14 =	vbroadcast v14, $0xF  }
.Ltmp2:
0x10c: {  	s31 =	sand.u32 $0x30, s24;
	[tilespmem:s26+$0xFFFFFF90] =	vst v21;
	v31 =	vmov s29;
	vm2 =	vnez.u8 v15;
	(pc) =	sbr.rel @p1 .LBB2_2-.Ltmp2, $4  }
0x10d: {  	p2 =	seq.s32 s31, $0x10;
	[tilespmem:s26+$0x40] =	vst v25;
	vm0 =	veq.s32 v31, v0;
	v15 =	vsel vm2, v20, v14;
	vm2 =	vmmov vm9  }
0x10e: {  	s21 =	sadd.s32 $0x1, s21;
	[tilespmem:s26+$0xFFFFFFC0] =	vst v46;
	vm3 =	vnez.u8 v16;
	v17 =	vbroadcast v57, $0xF;
	vm2 =	vmneg @p2 vm2  }
0x10f: {  	s20 =	smov.u32 s26;
	s22 =	smov.u32 s23;
	[tilespmem:s26+$0x50] =	vst v18;
	v12 =	vbroadcast v59, $0xF;
	p2 =	sgt.u32 s24, $0x1F;
	vm4 =	vmand vm2, vm1;
	vm2 =	vmmov vm9  }
0x110: {  	s23 =	sadd.s32 $0x10, s23;
	s25 =	sadd.s32 $0x100, s25;
	s26 =	sadd.s32 $0x100, s26;
	[tilespmem:s20+$0x30] =	vst v19;
	v13, _, _ =	vpop (xrf0);
	v14 =	vmov s24;
	v15 =	vsel vm3, v15, v17;
	vm2 =	vmneg @p2 vm2  }
0x111: {  	v16 =	vld [tilespmem:$0x1FF70]  }
0x112: {  	v59 =	vld [tilespmem:$0x1FF80];
	_ =	sdelay $0x3  }
0x113: {  	vm1 =	vnez.u8 v16  }
0x114: {  	vm7 =	vnez.u8 v59;
	v12 =	vsel vm1, v15, v12  }
0x115: {  	v12 =	vsel vm7, v12, v13  }
0x116: {  	(xrf0) =	vmax.scan.msk.f32 $0xffff, v12;
	_ =	sdelay $0x5  }
0x117: {  	p1 =	slt.u32 s24, $0x10;
	vm1 =	vmmov vm9;
	v60, _, _ =	vpop (xrf0)  }
0x118: {  	vm3 =	veq.s32 v14, v0;
	vm1 =	vmneg @p1 vm1;
	v13 =	vbroadcast v60, $0xF  }
0x119: {  	vm1 =	vmand vm1, vm3  }
0x11a: {  	v8 =	vsel vm1, v13, v8  }
0x11b: {  	vm0 =	vmand vm2, vm0;
	v9 =	vsel vm4, v13, v9;
	(xrf0) =	vmax.scan.msk.f32 $0xffff, v8  }
0x11c: {  	v10 =	vsel vm0, v13, v10;
	(xrf0) =	vmax.scan.msk.f32 $0xffff, v9  }
0x11d: {  	(xrf0) =	vmax.scan.msk.f32 $0xffff, v10;
	_ =	sdelay $0x3  }
0x11e: {  	v61, _, _ =	vpop (xrf0)  }
0x11f: {  	v62, _, _ =	vpop (xrf0);
	(v2sf) =	vpush v61, $0xF  }
0x120: {  	(v2sf) =	vpush v62, $0xF;
	v63, _, _ =	vpop (xrf0)  }
0x121: {  	(v2sf) =	vpush v63, $0xF;
	_ =	sdelay $0xc  }
0x122: {  	s0 =	spop (v2sf)  }
0x123: {  	s1 =	spop (v2sf)  }
0x124: {  	s0 =	smax.f32 s0, s1;
	s31 =	spop (v2sf)  }
0x125: {  	s21 =	smax.f32 s0, s31  }
0x126: {  	p1 =	sgt.f32 s21, $3.000000120e-01  }
.Ltmp3:
0x127: {  	_ = 	snop;
	(pc) =	sbr.rel @!p1 .LBB2_6-.Ltmp3, $3  }
0x128: {  	_ =	sdelay $0x1  }
0x129: {  	[tilespmem:s20+$0xFFFFFFF0] =	vst v11  }
0x12a: {  	s20 =	simm.s32 $0x0;
	[tilespmem:s22+$0x0] =	vst v12;
	s22 =	simm.f32 $0.0e+00  }
.LBB2_4:
0x12b: {  	vm0 =	veq.f32 v8, s21  }
0x12c: {  	vm4 =	veq.f32 v9, s21;
	v11 =	vnsel vm0, $0x8000270F, v4  }
0x12d: {  	(xrf0) =	vmin.scan.msk.u32 $0xffff, v11;
	v11 =	vnsel vm4, $0x8000270F, v5  }
0x12e: {  	vm5 =	veq.f32 v10, s21;
	(xrf0) =	vmin.scan.msk.u32 $0xffff, v11  }
0x12f: {  	v11 =	vnsel vm5, $0x8000270F, v6  }
0x130: {  	(xrf0) =	vmin.scan.msk.u32 $0xffff, v11;
	_ =	sdelay $0x2  }
0x131: {  	v11, _, _ =	vpop (xrf0)  }
0x132: {  	(v2sf) =	vpush v11, $0xF;
	v11, _, _ =	vpop (xrf0)  }
0x133: {  	(v2sf) =	vpush v11, $0xF  }
0x134: {  	v11, _, _ =	vpop (xrf0)  }
0x135: {  	(v2sf) =	vpush v11, $0xF;
	_ =	sdelay $0xb  }
0x136: {  	s0 =	spop (v2sf)  }
0x137: {  	s1 =	spop (v2sf)  }
0x138: {  	s0 =	sxor.u32 $0x80000000, s0;
	s1 =	sxor.u32 $0x80000000, s1  }
0x139: {  	s22 =	spop (v2sf);
	p1 =	slt.s32 s0, s1  }
0x13a: {  	s22 =	sxor.u32 $0x80000000, s22;
	s1 =	smov.u32 @p1 s0  }
0x13b: {  	p1 =	slt.s32 s1, s22  }
0x13c: {  	s22 =	smov.u32 @p1 s1  }
0x13d: {  	s30 =	sshll.u32 s22, $0x4  }
0x13e: {  	v11 =	vld [tilespmem:s30+$0xD100];
	_ =	sdelay $0x4  }
0x13f: {  	vm6 =	veq.f32 v11, s21  }
0x140: {  	v12 =	vnsel vm6, $0x8000270F, v4  }
0x141: {  	(xrf0) =	vmin.scan.msk.u32 $0xffff, v12;
	_ =	sdelay $0x5  }
0x142: {  	v12, _, _ =	vpop (xrf0)  }
0x143: {  	(v2sf) =	vpush v12, $0xF;
	_ =	sdelay $0xe  }
0x144: {  	s31 =	spop (v2sf)  }
0x145: {  	s23 =	sadd.s32 s30, s31  }
0x146: {  	s23 =	sshll.u32 s23, $0x4  }
0x147: {  	v43 =	vld [tilespmem:s23+$0x0];
	_ =	sdelay $0x4  }
0x148: {  	vm7 =	veq.f32 v43, s21  }
0x149: {  	v13 =	vnsel vm7, $0x8000270F, v4  }
0x14a: {  	(xrf0) =	vmin.scan.msk.u32 $0xffff, v13;
	_ =	sdelay $0x5  }
0x14b: {  	v13, _, _ =	vpop (xrf0)  }
0x14c: {  	(v2sf) =	vpush v13, $0xF;
	_ =	sdelay $0xe  }
0x14d: {  	s24 =	spop (v2sf)  }
0x14e: {  	s24 =	sxor.u32 $0x80000000, s24  }
0x14f: {  	s25 =	sadd.s32 s24, s23  }
0x150: {  	s26 =	simm.s32 $0x14;
	p1 =	sgt.s32 s25, $0x1FA  }
0x151: {  	p2 =	sgt.s32 s25, $0x9E6;
	s26 =	simm.s32 @!p1 $0x0  }
0x152: {  	s25 =	sshll.u32 s25, $0x2;
	s26 =	simm.s32 @p2 $0x64  }
0x153: {  	s25 =	sadd.s32 s25, s26  }
0x154: {  	v44 =	vor.u32 s25, v3;
	_ =	sdelay $0x4  }
0x155: {  	v13 =	vld.idx.msk [tilespmem:v44+s16+$0x0], $0xffff;
	_ =	sdelay $0x4  }
0x156: {  	vm4 =	vcmask $0x308;
	v14 =	vnsel vm12, $0xF149F2CA, v13  }
0x157: {  	v45 =	vsel vm4, $0xF149F2CA, v13;
	(xrf0) =	vmax.scan.msk.f32 $0xffff, v14  }
0x158: {  	(xrf0) =	vmax.scan.msk.f32 $0xffff, v45;
	_ =	sdelay $0x1  }
0x159: {  	vm5 =	vcmask $0x70C  }
0x15a: {  	vm6 =	vcmask $0xB10;
	v47 =	vmov s24;
	v46 =	vsel vm5, $0xF149F2CA, v13  }
0x15b: {  	vm7 =	veq.s32 v47, v0;
	v13 =	vsel vm6, $0xF149F2CA, v13;
	(xrf0) =	vmax.scan.msk.f32 $0xffff, v46  }
0x15c: {  	v12 =	vsel vm7, $0xF149F2CA, v43;
	(xrf0) =	vmax.scan.msk.f32 $0xffff, v13;
	v48, _, _ =	vpop (xrf0)  }
0x15d: {  	v16, _, _ =	vpop (xrf0);
	(xrf0) =	vmax.scan.msk.f32 $0xffff, v12;
	_ =	sdelay $0x3  }
0x15e: {  	v17, _, _ =	vpop (xrf0)  }
0x15f: {  	v18, _, _ =	vpop (xrf0)  }
0x160: {  	s1 =	sxor.u32 $0x80000000, s31;
	v49, _, _ =	vpop (xrf0)  }
0x161: {  	v15 =	vmov s1;
	v14 =	vbroadcast v49, $0xF  }
0x162: {  	vm4 =	veq.s32 v15, v0  }
0x163: {  	[tilespmem:s23+$0x0] =	vst v12;
	v15 =	vsel vm4, v14, v11  }
0x164: {  	[tilespmem:s30+$0xD100] =	vst v15  }
0x165: {  	v19 =	vld [tilespmem:$0xD400]  }
0x166: {  	v20 =	vld [tilespmem:$0xD480]  }
0x167: {  	v21 =	vld [tilespmem:$0xD500]  }
0x168: {  	v22 =	vld [tilespmem:$0xD580]  }
0x169: {  	v24 =	vld [tilespmem:$0xD410]  }
0x16a: {  	v50 =	vld [tilespmem:$0xD490]  }
0x16b: {  	(v2sf) =	vpush v48, $0xF;
	v51 =	vld [tilespmem:$0xD510]  }
0x16c: {  	(v2sf) =	vpush v16, $0xF;
	v53 =	vld [tilespmem:$0xD590]  }
0x16d: {  	(v2sf) =	vpush v17, $0xF;
	v54 =	vld [tilespmem:$0xD420]  }
0x16e: {  	(v2sf) =	vpush v18, $0xF;
	v55 =	vld [tilespmem:$0xD4A0]  }
0x16f: {  	v26 =	vld [tilespmem:$0xD520]  }
0x170: {  	v28 =	vld [tilespmem:$0xD430]  }
0x171: {  	v29 =	vld [tilespmem:$0xD4B0]  }
0x172: {  	v12 =	vbroadcast v16, $0xF;
	v31 =	vld [tilespmem:$0xD4C0]  }
0x173: {  	v13 =	vbroadcast v17, $0xF;
	v14 =	vbroadcast v48, $0xF;
	v40 =	vld [tilespmem:$0xD4D0]  }
0x174: {  	v35 =	vor.u32 $0x40, v0;
	v11 =	vbroadcast v18, $0xF;
	v41 =	vld [tilespmem:$0xD550]  }
0x175: {  	v58 =	vld [tilespmem:$0xD530];
	v52 =	vmax.f32 v14, v19;
	v20 =	vmax.f32 v12, v20;
	v21 =	vmin.f32 v13, v21  }
0x176: {  	v59 =	vld [tilespmem:$0xD5B0];
	v22 =	vmin.f32 v11, v22;
	v24 =	vmax.f32 v14, v24;
	v16 =	vmax.f32 v12, v50  }
0x177: {  	v42 =	vld [tilespmem:$0xD5D0];
	v17 =	vmin.f32 v13, v51;
	v19 =	vmin.f32 v11, v53;
	v26 =	vmin.f32 v13, v26  }
0x178: {  	v44 =	vld [tilespmem:$0xD4E0];
	v39 =	vmax.f32 v14, v28;
	v29 =	vmax.f32 v12, v29;
	v31 =	vmax.f32 v12, v31  }
0x179: {  	v63 =	vld [tilespmem:$0xD5C0];
	v49 =	vmin.f32 v13, v41;
	v51 =	vmax.f32 v12, v40;
	v18 =	vsub.f32 v21, v52  }
0x17a: {  	s26 =	spop (v2sf);
	v40 =	vor.u32 $0x60, v0;
	v20 =	vsub.f32 v22, v20;
	v17 =	vsub.f32 v17, v24  }
0x17b: {  	v23 =	vld [tilespmem:$0xD600];
	s25 =	spop (v2sf);
	v16 =	vsub.f32 v19, v16;
	v21 =	vmax.f32 v14, v54;
	v22 =	vmax.f32 v12, v55  }
0x17c: {  	v25 =	vld [tilespmem:$0xD610];
	s24 =	spop (v2sf);
	v19 =	vmin.f32 v13, v58;
	v24 =	vmin.f32 v11, v59;
	v52 =	vmin.f32 v11, v42  }
0x17d: {  	v57 =	vld [tilespmem:$0xD5A0];
	v55 =	vmax.f32 v12, v44;
	s23 =	spop (v2sf);
	s28 =	ssub.f32 s24, s26;
	v21 =	vsub.f32 v26, v21;
	v19 =	vsub.f32 v19, v39  }
0x17e: {  	v27 =	vld [tilespmem:$0xD620];
	v24 =	vsub.f32 v24, v29;
	v26 =	vmin.f32 v11, v63;
	v63 =	vor.u32 $0x10, v0;
	s29 =	ssub.f32 s23, s25  }
0x17f: {  	v45 =	vld [tilespmem:$0xD560];
	v39 =	vor.u32 $0x50, v0;
	v18 =	vmax.f32 v18, $0.0e+00;
	v20 =	vmax.f32 v20, $0.0e+00  }
0x180: {  	v61 =	vld [tilespmem:$0xD440];
	v17 =	vmax.f32 v17, $0.0e+00;
	v16 =	vmax.f32 v16, $0.0e+00;
	v26 =	vsub.f32 v26, v31;
	s0 =	smax.f32 s28, $0.0e+00;
	s1 =	smax.f32 s29, $0.0e+00  }
0x181: {  	v30 =	vld [tilespmem:$0xD630];
	v18 =	vmul.f32 v20, v18;
	v19 =	vmax.f32 v19, $0.0e+00;
	v24 =	vmax.f32 v24, $0.0e+00;
	s28 =	smul.f32 s1, s0  }
0x182: {  	v32 =	vld [tilespmem:$0xD640];
	v16 =	vmul.f32 v16, v17;
	v21 =	vmax.f32 v21, $0.0e+00;
	v19 =	vmul.f32 v24, v19  }
0x183: {  	v62 =	vld [tilespmem:$0xD540];
	v26 =	vmax.f32 v26, $0.0e+00;
	v56 =	vadd.f32 s28, v23;
	v23 =	vmin.f32 v11, v57  }
0x184: {  	v37 =	vld [tilespmem:$0xD450];
	v24 =	vmin.f32 v13, v45;
	v60 =	vadd.f32 s28, v25;
	v22 =	vsub.f32 v23, v22  }
0x185: {  	v43 =	vld [tilespmem:$0xD460];
	v38 =	vadd.f32 s28, v27;
	v25 =	vmax.f32 v14, v61;
	v20 =	vsub.f32 v56, v18  }
0x186: {  	v46 =	vld [tilespmem:$0xD5E0];
	v30 =	vadd.f32 s28, v30;
	v17 =	vsub.f32 v60, v16;
	v22 =	vmax.f32 v22, $0.0e+00  }
0x187: {  	v53 =	vadd.f32 s28, v32;
	(erf) = vrcp.f32 v20;
	v36 =	vmul.f32 v22, v21  }
0x188: {  	v27 =	vsub.f32 v52, v51;
	v23 =	vmin.f32 v13, v62;
	(erf) = vrcp.f32 v17  }
0x189: {  	v50 =	vld [tilespmem:$0xD650];
	v61 =	vmov s20;
	v23 =	vsub.f32 v23, v25;
	v22 =	vsub.f32 v38, v36  }
0x18a: {  	v48 =	vsub.f32 v30, v19;
	v25 =	vmax.f32 v14, v43;
	v21 =	vmax.f32 v14, v37  }
0x18b: {  	v54 =	vld [tilespmem:$0xD660];
	v56 =	vmin.f32 v11, v46;
	v21 =	vsub.f32 v49, v21;
	(erf) = vrcp.f32 v22  }
0x18c: {  	v27 =	vmax.f32 v27, $0.0e+00;
	v24 =	vsub.f32 v24, v25;
	v23 =	vmax.f32 v23, $0.0e+00  }
0x18d: {  	v57 =	vsub.f32 v56, v55;
	v47 =	vmul.f32 v26, v23;
	v21 =	vmax.f32 v21, $0.0e+00  }
0x18e: {  	v26 =	vadd.f32 s28, v50;
	v21 =	vmul.f32 v27, v21;
	(erf) = vrcp.f32 v48  }
0x18f: {  	v24 =	vmax.f32 v24, $0.0e+00;
	v25 =	vmax.f32 v57, $0.0e+00;
	v29 =	vsub.f32 v53, v47  }
0x190: {  	v60 =	vadd.f32 s28, v54;
	v24 =	vmul.f32 v25, v24;
	v59 =	vsub.f32 v26, v21;
	v33 =	vpop (erf)  }
0x191: {  	v32 =	vor.u32 $0x30, v0;
	v18 =	vmul.f32 v33, v18;
	v58 =	vpop (erf);
	(erf) = vrcp.f32 v29  }
0x192: {  	vm3 =	vgt.u32 v61, v0;
	v26 =	vsub.f32 v60, v24;
	(erf) = vrcp.f32 v59  }
0x193: {  	vm5 =	vgt.f32 v20, $0.0e+00;
	v16 =	vmul.f32 v58, v16;
	vm1 =	vgt.f32 v18, $5.000000000e-01  }
0x194: {  	vm7 =	vgt.u32 v61, v32;
	vm0 =	vmand vm5, vm1;
	v62 =	vpop (erf);
	(erf) = vrcp.f32 v26  }
0x195: {  	vm1 =	vgt.f32 v17, $0.0e+00;
	vm2 =	vgt.f32 v16, $5.000000000e-01;
	v16 =	vmul.f32 v62, v36  }
0x196: {  	vm0 =	vmand vm3, vm0;
	vm3 =	vgt.u32 v61, v63;
	vm1 =	vmand vm1, vm2  }
0x197: {  	v30 =	vor.u32 $0x20, v0;
	vm4 =	vgt.f32 v22, $0.0e+00;
	v27 =	vpop (erf);
	vm1 =	vmand vm3, vm1  }
0x198: {  	v28 =	vmul.f32 v27, v19;
	vm3 =	vgt.u32 v61, v30;
	vm6 =	vgt.f32 v16, $5.000000000e-01  }
0x199: {  	vm0 =	vmor vm0, vm1;
	vm1 =	vgt.f32 v48, $0.0e+00;
	vm2 =	vmand vm4, vm6  }
0x19a: {  	vm4 =	vgt.f32 v28, $5.000000000e-01;
	vm6 =	vgt.f32 v59, $0.0e+00;
	vm2 =	vmand vm3, vm2;
	v31 =	vpop (erf)  }
0x19b: {  	vm1 =	vmand vm1, vm4;
	vm4 =	vgt.u32 v61, v35;
	v33 =	vmul.f32 v31, v47;
	v34 =	vpop (erf)  }
0x19c: {  	vm0 =	vmor vm0, vm2;
	vm1 =	vmand vm7, vm1;
	v36 =	vmul.f32 v34, v21  }
0x19d: {  	vm2 =	vgt.f32 v29, $0.0e+00;
	vm0 =	vmor vm0, vm1;
	vm3 =	vgt.f32 v33, $5.000000000e-01;
	v37 =	vpop (erf)  }
0x19e: {  	vm2 =	vmand vm2, vm3;
	vm7 =	vgt.f32 v36, $5.000000000e-01;
	v38 =	vmul.f32 v37, v24  }
0x19f: {  	(xrf0) =	vmax.scan.msk.f32 $0xffff, v15;
	vm3 =	vgt.f32 v26, $0.0e+00;
	vm1 =	vmand vm4, vm2;
	vm2 =	vgt.u32 v61, v39  }
0x1a0: {  	vm0 =	vmor vm0, vm1;
	vm1 =	vmand vm6, vm7;
	vm4 =	vgt.f32 v38, $5.000000000e-01  }
0x1a1: {  	vm7 =	vgt.u32 v61, v40;
	vm1 =	vmand vm2, vm1;
	vm6 =	vmand vm3, vm4  }
0x1a2: {  	vm0 =	vmor vm0, vm1;
	vm6 =	vmand vm7, vm6  }
0x1a3: {  	s31 =	sadd.s32 $0xFFFFFFF0, s22;
	vm0 =	vmor vm0, vm6  }
0x1a4: {  	v42 =	vmov s22;
	v45 =	vmov s31;
	s1 =	sadd.s32 $0xFFFFFFE0, s22;
	v41 =	vsel vm0, $0x1, v7  }
0x1a5: {  	p1 =	slt.s32 s22, $0x10;
	v43, _, _ =	vpop (xrf0);
	v46 =	vmov s1;
	vm1 =	vmmov vm9;
	v15 =	vor.u32 $0x80000000, v41  }
0x1a6: {  	s30 =	sand.u32 $0xFFFFFFF0, s22;
	v44 =	vbroadcast v43, $0xF;
	vm7 =	veq.s32 v42, v0;
	vm1 =	vmneg @p1 vm1;
	(xrf0) =	vmax.scan.msk.u32 $0xffff, v15  }
0x1a7: {  	vm2 =	vmmov vm9;
	vm4 =	veq.s32 v45, v0;
	p1 =	seq.s32 s30, $0x10;
	vm0 =	vmand vm1, vm7  }
0x1a8: {  	vm2 =	vmneg @p1 vm2;
	p1 =	sgt.s32 s22, $0x1F;
	v8 =	vsel vm0, v44, v8;
	vm0 =	vmmov vm9  }
0x1a9: {  	vm6 =	veq.s32 v46, v0;
	vm5 =	vmand vm2, vm4;
	vm0 =	vmneg @p1 vm0  }
0x1aa: {  	v9 =	vsel vm5, v44, v9;
	(xrf0) =	vmax.scan.msk.f32 $0xffff, v8;
	vm0 =	vmand vm0, vm6  }
0x1ab: {  	(xrf0) =	vmax.scan.msk.f32 $0xffff, v9;
	v10 =	vsel vm0, v44, v10  }
0x1ac: {  	v47, _, _ =	vpop (xrf0);
	(xrf0) =	vmax.scan.msk.f32 $0xffff, v10;
	_ =	sdelay $0x1  }
0x1ad: {  	(v2sf) =	vpush v47, $0xF;
	_ =	sdelay $0x1  }
0x1ae: {  	v48, _, _ =	vpop (xrf0)  }
0x1af: {  	v49, _, _ =	vpop (xrf0);
	(v2sf) =	vpush v48, $0xF  }
0x1b0: {  	(v2sf) =	vpush v49, $0xF;
	v50, _, _ =	vpop (xrf0)  }
0x1b1: {  	(v2sf) =	vpush v50, $0xF;
	_ =	sdelay $0x6  }
0x1b2: {  	s0 =	sand.u32 $0x70, s20  }
0x1b3: {  	v51 =	vld [tilespmem:s0+$0xD400]  }
0x1b4: {  	v52 =	vld [tilespmem:s0+$0xD480]  }
0x1b5: {  	s29 =	sand.u32 $0xF, s20;
	v53 =	vld [tilespmem:s0+$0xD500];
	s22 =	spop (v2sf)  }
0x1b6: {  	v54 =	vmov s29;
	v58 =	vld [tilespmem:s0+$0xD880];
	vm0 =	vmmov vm9;
	p1 =	slt.u32 s22, $0x80000001  }
0x1b7: {  	v55 =	vld [tilespmem:s0+$0xD580];
	vm7 =	veq.s32 v54, v0;
	vm0 =	vmneg @p1 vm0  }
0x1b8: {  	s29 =	simm.s32 $0x1;
	v56 =	vld [tilespmem:s0+$0xD600];
	s30 =	spop (v2sf);
	vm0 =	vmand vm7, vm0  }
0x1b9: {  	s31 =	spop (v2sf);
	s29 =	simm.s32 @!p1 $0x0;
	v14 =	vsel vm0, v14, v51  }
0x1ba: {  	v57 =	vld [tilespmem:s0+$0xD680];
	s20 =	sadd.s32 s29, s20;
	s1 =	smax.f32 s30, s31;
	v12 =	vsel vm0, v12, v52;
	[tilespmem:s0+$0xD400] =	vst v14;
	s29 =	spop (v2sf)  }
0x1bb: {  	v59 =	vld [tilespmem:s0+$0xD700];
	v60 =	vsel vm0, v13, v53;
	v15 =	vsel vm0, s21, v58;
	p1 =	sgt.u32 s20, $0x63;
	[tilespmem:s0+$0xD480] =	vst v12;
	s21 =	smax.f32 s1, s29  }
0x1bc: {  	v61 =	vld [tilespmem:s0+$0xD780];
	v11 =	vsel vm0, v11, v55;
	[tilespmem:s0+$0xD500] =	vst v60;
	p2 =	sgt.f32 @!p1 s21, $3.000000120e-01  }
0x1bd: {  	s26 =	smax.f32 s26, $0.0e+00;
	s24 =	smax.f32 s24, $0.0e+00;
	v62 =	vld [tilespmem:s0+$0xD800];
	v63 =	vsel vm0, s28, v56;
	[tilespmem:s0+$0xD580] =	vst v11  }
0x1be: {  	s26 =	smin.f32 s26, $1.000000000e+00;
	s25 =	smax.f32 s25, $0.0e+00;
	[tilespmem:s0+$0xD600] =	vst v63;
	p1 =	por p1, !p2  }
.Ltmp4:
0x1bf: {  	s25 =	smin.f32 s25, $1.000000000e+00;
	v11 =	vsel vm0, s26, v57;
	[tilespmem:s0+$0xD880] =	vst v15;
	(pc) =	sbr.rel @!p1 .LBB2_4-.Ltmp4, $4  }
0x1c0: {  	s24 =	smin.f32 s24, $1.000000000e+00;
	s30 =	smax.f32 s23, $0.0e+00;
	[tilespmem:s0+$0xD680] =	vst v11;
	v11 =	vsel vm0, s25, v59  }
0x1c1: {  	s31 =	smin.f32 s30, $1.000000000e+00;
	[tilespmem:s0+$0xD700] =	vst v11;
	v11 =	vsel vm0, s24, v61  }
0x1c2: {  	[tilespmem:s0+$0xD780] =	vst v11;
	v11 =	vsel vm0, s31, v62  }
0x1c3: {  	[tilespmem:s0+$0xD800] =	vst v11  }
.Ltmp5:
0x1c4: {  	_ = 	snop;
	(pc) =	sbr.rel .LBB2_5-.Ltmp5, $1  }
0x1c5: {  	_ =	sdelay $0x3  }
.LBB2_7:
0x1c6: {  	_ =	sfence.sel $0x180000  }
0x1c7: {  	[bflag:$0x0] =	sbarrier.arrive $0xFFFF  }
0x1c8: {  	_ =	strace $0x90000047  }
0x1c9: {  	s0 =	stileid.u32;
	[bflag:$0x2] =	sbarrier.arrive $0xFFFF  }
0x1ca: {  	p0 =	sne.s32 s0, $0x0;
	s0 =	rddreg [dreg:$0x2]  }
0x1cb: {  	s0 =	sadd.s32 @!p0 $0x100000, s0  }
0x1cc: {  	[sflag:s0] =	ssyncadd.tile.s32 @!p0 $0x1;
	_ =	shalt  }
.Lfunc_end2:
_tile_overlayer_lowered:
.L_overlay_start_2:
0x1cd: {  	(tag) =	ssettag $0x2  }
0x1ce: {  	s0 =	rddreg [dreg:$0x0];
	s2 =	stileid.u32  }
0x1cf: {  	s1 =	rddreg [dreg:$0x1];
	p0 =	sne.s32 s2, $0x0  }
0x1d0: {  	s3 =	rddreg [dreg:$0x2];
	[bflag:$0x3] =	sbarrier.arrive $0xFFFF;
	s2 =	simm.s32 @!p0 $0x1C01  }
0x1d1: {  	[timem:s3], [sflag:s2] =	dma.local @!p0 [hbm:s0], s1  }
0x1d2: {  	s0 =	simm.s32 @!p0 $0x1  }
0x1d3: {  	_ =	swait.ge @!p0 [sflag:s0], s1  }
0x1d4: {  	s1 =	ssub.s32 @!p0 $0x0, s1;
	[sflag:s0] =	ssyncset.done @!p0 $0x0  }
0x1d5: {  	[sflag:s0] =	ssyncadd.s32 @!p0 s1  }
0x1d6: {  	[bflag:$0x3] =	sbarrier.arrive $0xFFFF  }
0x1d7: {  	_ =	shalt  }

</sc_bundles>
